<compile_context>
chip_gen: v7x
topology: tpu7x:2x2x1
jax: 0.10.2.dev20260603
libtpu: 0.0.44.dev20260713+nightly
codegen_flags: <defaults>
</compile_context>

<pallas_src>
import jax
import jax.numpy as jnp
from jax import lax
from jax.experimental import pallas as pl
from jax.experimental.pallas import tpu as pltpu
from jax.experimental.pallas import tpu_sc as plsc

N = 10000
D = 128
H = 128
C = 3
E = 320000

NC = 2
NS = 16
NW = NC * NS
HH = H // NC
CHUNK = 80
CHUNK_D = 80

NBUF = 8
NCH_P = 256
EPT = NCH_P * CHUNK
E_PAD = NS * EPT
EPW = E // NW
NCH_D = EPW // CHUNK_D

NPAD = 10240
RPT = NPAD // NS
ZROWS = 128
DEGW = 16

_mesh = plsc.VectorSubcoreMesh(
    core_axis_name="c", subcore_axis_name="s", num_cores=NC, num_subcores=NS
)


def _sc_deg_body(dst_hbm, deg_out, dstv, onesv, zv, deg_sh):
    c = lax.axis_index("c")
    s = lax.axis_index("s")
    wid = s * NC + c

    def fill_zero(i, carry):
        zv[i, :] = jnp.zeros((16,), jnp.float32)
        return carry

    lax.fori_loop(0, RPT, fill_zero, 0)

    def fill_one(i, carry):
        onesv[i, :] = jnp.ones((16,), jnp.float32)
        return carry

    lax.fori_loop(0, CHUNK_D, fill_one, 0)

    pltpu.sync_copy(zv, deg_sh.at[pl.ds(s * RPT, RPT)])
    plsc.subcore_barrier()

    pltpu.sync_copy(dst_hbm.at[wid], dstv)

    def step(ci, carry):
        pltpu.sync_copy(onesv, deg_sh.at[dstv.at[ci]], add=True)
        return carry

    lax.fori_loop(0, NCH_D, step, 0)
    plsc.subcore_barrier()

    pltpu.sync_copy(
        deg_sh.at[pl.ds(s * RPT, RPT)], deg_out.at[c, pl.ds(s * RPT, RPT)]
    )


_sc_deg = pl.kernel(
    _sc_deg_body,
    out_type=jax.ShapeDtypeStruct((NC, NPAD, DEGW), jnp.float32),
    mesh=_mesh,
    scratch_types=[
        pltpu.VMEM((NCH_D, CHUNK_D), jnp.int32),
        pltpu.VMEM((CHUNK_D, DEGW), jnp.float32),
        pltpu.VMEM((RPT, DEGW), jnp.float32),
        pltpu.VMEM_SHARED((NPAD, DEGW), jnp.float32),
    ],
    compiler_params=pltpu.CompilerParams(use_tc_tiling_on_sc=False),
)


def _sc_pass_body(hs_hbm, src_hbm, dst_hbm, acc_out,
                  srcv, dstv, rows0, rows1, rows2, rows3,
                  rows4, rows5, rows6, rows7, zb, acc_sh, gsem, ssem):
    rows = (rows0, rows1, rows2, rows3, rows4, rows5, rows6, rows7)
    c = lax.axis_index("c")
    s = lax.axis_index("s")

    def fill_zero(i, carry):
        for j in range(HH // 16):
            zb[i, pl.ds(j * 16, 16)] = jnp.zeros((16,), jnp.float32)
        return carry

    lax.fori_loop(0, ZROWS, fill_zero, 0)
    for k in range(RPT // ZROWS):
        pltpu.sync_copy(zb, acc_sh.at[pl.ds(s * RPT + k * ZROWS, ZROWS)])
    plsc.subcore_barrier()

    pltpu.sync_copy(src_hbm.at[s], srcv)
    pltpu.sync_copy(dst_hbm.at[s], dstv)

    def gather(ci, buf):
        return pltpu.make_async_copy(hs_hbm.at[c].at[srcv.at[ci]], buf, gsem)

    def scatter_start(ci, buf):
        pltpu.async_copy(buf, acc_sh.at[dstv.at[ci]], ssem, add=True)

    def scatter_wait(ci, buf):
        pltpu.make_async_copy(buf, acc_sh.at[dstv.at[ci]], ssem).wait()

    for b in range(NBUF - 1):
        gather(b, rows[b]).start()

    def step(g, carry):
        for b in range(NBUF):
            ci = g * NBUF + b
            prev = rows[(b + NBUF - 1) % NBUF]
            gather(ci, rows[b]).wait()
            scatter_start(ci, rows[b])
            if b == 0:
                @pl.when(g >= 1)
                def _():
                    scatter_wait(ci - 1, prev)
                gather(ci + NBUF - 1, prev).start()
            else:
                scatter_wait(ci - 1, prev)

                @pl.when(g + 1 < NCH_P // NBUF)
                def _():
                    gather(ci + NBUF - 1, prev).start()
        return carry

    lax.fori_loop(0, NCH_P // NBUF, step, 0)
    scatter_wait(NCH_P - 1, rows[(NCH_P - 1) % NBUF])
    plsc.subcore_barrier()

    pltpu.sync_copy(
        acc_sh.at[pl.ds(s * RPT, RPT)], acc_out.at[c, pl.ds(s * RPT, RPT)]
    )


_sc_pass = pl.kernel(
    _sc_pass_body,
    out_type=jax.ShapeDtypeStruct((NC, NPAD, HH), jnp.float32),
    mesh=_mesh,
    scratch_types=[
        pltpu.VMEM((NCH_P, CHUNK), jnp.int32),
        pltpu.VMEM((NCH_P, CHUNK), jnp.int32),
    ] + [
        pltpu.VMEM((CHUNK, HH), jnp.float32)
        for _ in range(NBUF)
    ] + [
        pltpu.VMEM((ZROWS, HH), jnp.float32),
        pltpu.VMEM_SHARED((NPAD, HH), jnp.float32),
        pltpu.SemaphoreType.DMA,
        pltpu.SemaphoreType.DMA,
    ],
    compiler_params=pltpu.CompilerParams(use_tc_tiling_on_sc=False),
)


RB = 2000


def _dinv_from(deg_ref):
    deg = deg_ref[0, :, 0:1] + deg_ref[1, :, 0:1] + 1.0
    return lax.rsqrt(deg)


def _tc_prep_body(z_ref, w_ref, deg_ref, h_ref, hs_ref):
    dinv = _dinv_from(deg_ref)
    h = jnp.dot(z_ref[...], w_ref[...], preferred_element_type=jnp.float32)
    h_ref[...] = h
    hs = h * dinv
    hs_ref[0] = hs[:, :HH]
    hs_ref[1] = hs[:, HH:]


def _ln_relu_agg(acc_ref, h_ref, dinv, b_ref, g_ref, bb_ref):
    acc = jnp.concatenate([acc_ref[0], acc_ref[1]], axis=-1)
    agg = acc * dinv + h_ref[...] * (dinv * dinv) + b_ref[...]
    x = jnp.maximum(agg, 0.0)
    mu = jnp.mean(x, axis=-1, keepdims=True)
    xc = x - mu
    var = jnp.mean(xc * xc, axis=-1, keepdims=True)
    return xc * lax.rsqrt(var + 1e-5) * g_ref[...] + bb_ref[...]


def _tc_mid_body(acc_ref, h_ref, deg_ref, b_ref, g_ref, bb_ref, w_ref, h2_ref, hs2_ref):
    dinv = _dinv_from(deg_ref)
    xn = _ln_relu_agg(acc_ref, h_ref, dinv, b_ref, g_ref, bb_ref)
    h2 = jnp.dot(xn, w_ref[...], preferred_element_type=jnp.float32)
    h2_ref[...] = h2
    hs2 = h2 * dinv
    hs2_ref[0] = hs2[:, :HH]
    hs2_ref[1] = hs2[:, HH:]


def _tc_final_body(acc_ref, h_ref, deg_ref, b_ref, g_ref, bb_ref,
                   mw1_ref, mb1_ref, mw2_ref, mb2_ref, y_ref):
    dinv = _dinv_from(deg_ref)
    xn = _ln_relu_agg(acc_ref, h_ref, dinv, b_ref, g_ref, bb_ref)
    u = jnp.maximum(
        jnp.dot(xn, mw1_ref[...], preferred_element_type=jnp.float32) + mb1_ref[...],
        0.0,
    )
    y_ref[...] = (
        jnp.dot(u, mw2_ref[...], preferred_element_type=jnp.float32) + mb2_ref[...]
    )


_GRID = N // RB

_z_spec = pl.BlockSpec((RB, H), lambda i: (i, 0))
_w_spec = pl.BlockSpec((H, H), lambda i: (0, 0))
_deg_spec = pl.BlockSpec((NC, RB, DEGW), lambda i: (0, i, 0))
_acc_spec = pl.BlockSpec((NC, RB, HH), lambda i: (0, i, 0))
_vec_spec = pl.BlockSpec((1, H), lambda i: (0, 0))

_nh_struct = jax.ShapeDtypeStruct((N, H), jnp.float32)
_split_struct = jax.ShapeDtypeStruct((NC, N, HH), jnp.float32)
_split_spec = pl.BlockSpec((NC, RB, HH), lambda i: (0, i, 0))

_tc_prep = pl.pallas_call(
    _tc_prep_body,
    grid=(_GRID,),
    in_specs=[_z_spec, _w_spec, _deg_spec],
    out_specs=[_z_spec, _split_spec],
    out_shape=[_nh_struct, _split_struct],
)

_tc_mid = pl.pallas_call(
    _tc_mid_body,
    grid=(_GRID,),
    in_specs=[_acc_spec, _z_spec, _deg_spec, _vec_spec, _vec_spec, _vec_spec, _w_spec],
    out_specs=[_z_spec, _split_spec],
    out_shape=[_nh_struct, _split_struct],
)

_tc_final = pl.pallas_call(
    _tc_final_body,
    grid=(_GRID,),
    in_specs=[_acc_spec, _z_spec, _deg_spec, _vec_spec, _vec_spec, _vec_spec,
              _w_spec, _vec_spec, _w_spec, _vec_spec],
    out_specs=_z_spec,
    out_shape=_nh_struct,
)


@jax.jit
def kernel(z, edge_index, W1, b1, g1, bb1, W2, b2, g2, bb2, mW1, mb1, mW2, mb2):
    dst_d = edge_index[1].reshape(NW, NCH_D, CHUNK_D)
    npadding = E_PAD - E
    src_p = jnp.concatenate(
        [edge_index[0], jnp.zeros((npadding,), jnp.int32)]
    ).reshape(NS, NCH_P, CHUNK)
    dst_p = jnp.concatenate(
        [edge_index[1], jnp.full((npadding,), NPAD - 1, jnp.int32)]
    ).reshape(NS, NCH_P, CHUNK)

    deg2 = _sc_deg(dst_d)
    h1, hs1 = _tc_prep(z, W1, deg2)
    acc1 = _sc_pass(hs1, src_p, dst_p)
    h2, hs2 = _tc_mid(
        acc1, h1, deg2,
        b1.reshape(1, H), g1.reshape(1, H), bb1.reshape(1, H), W2,
    )
    acc2 = _sc_pass(hs2, src_p, dst_p)

    mW2p = jnp.zeros((H, H), jnp.float32).at[:, :C].set(mW2)
    mb2p = jnp.zeros((1, H), jnp.float32).at[0, :C].set(mb2)
    y = _tc_final(
        acc2, h2, deg2,
        b2.reshape(1, H), g2.reshape(1, H), bb2.reshape(1, H),
        mW1, mb1.reshape(1, H), mW2p, mb2p,
    )
    return y[:, :C]

# --- scband reference (transcript-rebuilt; emitter-appended) ---
"""Pipeline reference for scband-node-coord-decoder-26594437496849 (READ-ONLY COPY).

The authoritative reference and input builder live on the scoring server;
editing this copy changes nothing except your own understanding.
"""

import jax, jax.numpy as jnp
import numpy as np

N = 10000
D = 128
H = 128
C = 3
E = 320000


def setup_inputs(seed: int = 0) -> dict:
    key = jax.random.key(seed)
    ks = jax.random.split(key, 8)
    inp = {}
    inp["z"] = jax.random.normal(ks[0], (N, D), dtype=jnp.float32)
    inp["edge_index"] = jax.random.randint(ks[1], (2, E), 0, N, dtype=jnp.int32)
    s = 0.05
    inp["W1"] = jax.random.normal(ks[2], (D, H), dtype=jnp.float32) * s
    inp["b1"] = jnp.zeros((H,), dtype=jnp.float32)
    inp["g1"] = jnp.ones((H,), dtype=jnp.float32)
    inp["bb1"] = jnp.zeros((H,), dtype=jnp.float32)
    inp["W2"] = jax.random.normal(ks[3], (H, H), dtype=jnp.float32) * s
    inp["b2"] = jnp.zeros((H,), dtype=jnp.float32)
    inp["g2"] = jnp.ones((H,), dtype=jnp.float32)
    inp["bb2"] = jnp.zeros((H,), dtype=jnp.float32)
    inp["mW1"] = jax.random.normal(ks[4], (H, H), dtype=jnp.float32) * s
    inp["mb1"] = jnp.zeros((H,), dtype=jnp.float32)
    inp["mW2"] = jax.random.normal(ks[5], (H, C), dtype=jnp.float32) * s
    inp["mb2"] = jnp.zeros((C,), dtype=jnp.float32)
    return inp


def _gcn_conv(x, edge_index, W, b):
    # PyG-style GCNConv: x' = D^-1/2 (A + I) D^-1/2 (x W) + b
    num_nodes = x.shape[0]
    loop = jnp.arange(num_nodes, dtype=edge_index.dtype)
    src = jnp.concatenate([edge_index[0], loop])
    dst = jnp.concatenate([edge_index[1], loop])
    h = x @ W
    deg = jnp.zeros((num_nodes,), dtype=h.dtype).at[dst].add(1.0)
    deg_inv_sqrt = jnp.where(deg > 0, jax.lax.rsqrt(deg), 0.0)
    norm = deg_inv_sqrt[src] * deg_inv_sqrt[dst]
    msg = h[src] * norm[:, None]
    out = jnp.zeros_like(h).at[dst].add(msg)
    return out + b


def _layer_norm(x, g, b):
    mu = jnp.mean(x, axis=-1, keepdims=True)
    var = jnp.mean((x - mu) ** 2, axis=-1, keepdims=True)
    return (x - mu) * jax.lax.rsqrt(var + 1e-5) * g + b


def reference(z, edge_index, W1, b1, g1, bb1, W2, b2, g2, bb2, mW1, mb1, mW2, mb2):
    h = _gcn_conv(z, edge_index, W1, b1)
    h = _layer_norm(jax.nn.relu(h), g1, bb1)
    h = _gcn_conv(h, edge_index, W2, b2)
    h = _layer_norm(jax.nn.relu(h), g2, bb2)
    h = jax.nn.relu(h @ mW1 + mb1)
    return h @ mW2 + mb2

if __name__ == "__main__":
    import jax
    _d = setup_inputs()
    print(jax.jit(kernel)(*tuple(_d.values())))

</pallas_src>

<mosaic_0001>
#map = affine_map<(d0, d1) -> (0, 0, 0)>
module attributes {stable_mosaic.version = 14 : i64} {
  func.func @_sc_deg_body(%arg0: i32, %arg1: i32, %arg2: memref<32x125x80xi32, #tpu.memory_space<hbm>>, %arg3: memref<2x10240x16xf32, #tpu.memory_space<hbm>>, %arg4: memref<125x80xi32, #tpu.memory_space<vmem>>, %arg5: memref<80x16xf32, #tpu.memory_space<vmem>>, %arg6: memref<640x16xf32, #tpu.memory_space<vmem>>, %arg7: memref<10240x16xf32, #tpu.memory_space<vmem_shared>>) attributes {dimension_semantics = [#tpu.dimension_semantics<core_parallel>, #tpu.dimension_semantics<subcore_parallel>], iteration_bounds = array<i64: 2, 16>, scalar_prefetch = 0 : i64, scratch_operands = 4 : i64, tpu.core_type = #tpu.core_type<sc_vector_subcore>, window_params = [{transform_indices = #map}, {transform_indices = #map}]} {
    %mul3A = arith.constant 2 : i32
    %mul3A_0 = arith.muli %arg1, %mul3A : i32
    %add3A = arith.addi %mul3A_0, %arg0 : i32
    %scan3A = arith.constant 0 : i32
    %scan3A_1 = arith.constant 0 : i32
    %scan3A_2 = arith.constant 640 : i32
    %scan3A_3 = arith.addi %scan3A_1, %scan3A_2 : i32
    %scan3A_4 = arith.constant 1 : i32
    scf.for %scan3A_25 = %scan3A_1 to %scan3A_3 step %scan3A_4  : i32 {
      %broadcast_in_dim3A = arith.constant 0.000000e+00 : f32
      %broadcast_in_dim3A_26 = vector.broadcast %broadcast_in_dim3A : f32 to vector<16xf32>
      %swap3A = arith.index_cast %scan3A_25 : i32 to index
      %swap3A_27 = arith.constant 0 : index
      %swap3A_28 = tpu.vector_load %arg6[%swap3A, %swap3A_27] {strides = array<i32>} : memref<640x16xf32, #tpu.memory_space<vmem>>, vector<1x16xf32>,
      %swap3A_29 = vector.shape_cast %swap3A_28 : vector<1x16xf32> to vector<16xf32>
      %swap3A_30 = vector.shape_cast %broadcast_in_dim3A_26 : vector<16xf32> to vector<1x16xf32>
      tpu.vector_store %arg6[%swap3A, %swap3A_27], %swap3A_30 {strides = array<i32>} : memref<640x16xf32, #tpu.memory_space<vmem>>, vector<1x16xf32>,
    }
    %scan3A_5 = arith.constant 640 : i32
    %scan3A_6 = arith.constant 0 : i32
    %scan3A_7 = arith.constant 0 : i32
    %scan3A_8 = arith.constant 80 : i32
    %scan3A_9 = arith.addi %scan3A_7, %scan3A_8 : i32
    %scan3A_10 = arith.constant 1 : i32
    scf.for %scan3A_25 = %scan3A_7 to %scan3A_9 step %scan3A_10  : i32 {
      %broadcast_in_dim3A = arith.constant 1.000000e+00 : f32
      %broadcast_in_dim3A_26 = vector.broadcast %broadcast_in_dim3A : f32 to vector<16xf32>
      %swap3A = arith.index_cast %scan3A_25 : i32 to index
      %swap3A_27 = arith.constant 0 : index
      %swap3A_28 = tpu.vector_load %arg5[%swap3A, %swap3A_27] {strides = array<i32>} : memref<80x16xf32, #tpu.memory_space<vmem>>, vector<1x16xf32>,
      %swap3A_29 = vector.shape_cast %swap3A_28 : vector<1x16xf32> to vector<16xf32>
      %swap3A_30 = vector.shape_cast %broadcast_in_dim3A_26 : vector<16xf32> to vector<1x16xf32>
      tpu.vector_store %arg5[%swap3A, %swap3A_27], %swap3A_30 {strides = array<i32>} : memref<80x16xf32, #tpu.memory_space<vmem>>, vector<1x16xf32>,
    }
    %scan3A_11 = arith.constant 80 : i32
    %mul3A_12 = arith.constant 640 : i32
    %mul3A_13 = arith.muli %arg1, %mul3A_12 : i32
    "tpu.region"() ({
      %run_scoped3A = tpu.sem_alloc : memref<!tpu.dma_semaphore, #tpu.memory_space<semaphore_mem>>
      %dma_start3A = arith.constant 0 : i32
      %dma_start3A_25 = tpu.memref_slice %arg7[%mul3A_13, %dma_start3A] : memref<10240x16xf32, #tpu.memory_space<vmem_shared>> -> memref<640x16xf32, #tpu.memory_space<vmem_shared>>
      %dma_start3A_26 = arith.constant 0 : i32
      %dma_start3A_27 = tpu.memref_slice %arg7[%mul3A_13, %dma_start3A_26] : memref<10240x16xf32, #tpu.memory_space<vmem_shared>> -> memref<640x16xf32, #tpu.memory_space<vmem_shared>>
      tpu.enqueue_dma source(%arg6 : memref<640x16xf32, #tpu.memory_space<vmem>>) target(%dma_start3A_27 : memref<640x16xf32, #tpu.memory_space<vmem_shared>>) target_semaphore(%run_scoped3A : memref<!tpu.dma_semaphore, #tpu.memory_space<semaphore_mem>>)
      %dma_wait3A = arith.constant 0 : i32
      %dma_wait3A_28 = tpu.memref_slice %arg7[%mul3A_13, %dma_wait3A] : memref<10240x16xf32, #tpu.memory_space<vmem_shared>> -> memref<640x16xf32, #tpu.memory_space<vmem_shared>>
      %dma_wait3A_29 = arith.constant 0 : i32
      %dma_wait3A_30 = tpu.memref_slice %arg7[%mul3A_13, %dma_wait3A_29] : memref<10240x16xf32, #tpu.memory_space<vmem_shared>> -> memref<640x16xf32, #tpu.memory_space<vmem_shared>>
      tpu.wait_dma2 semaphore(%run_scoped3A : memref<!tpu.dma_semaphore, #tpu.memory_space<semaphore_mem>>) src(%arg6 : memref<640x16xf32, #tpu.memory_space<vmem>>) dst(%dma_wait3A_30 : memref<640x16xf32, #tpu.memory_space<vmem_shared>>)
      tpu.yield
    }) : () -> ()
    %barrier3A = arith.constant 0 : index
    tpu.barrier barrier_id(%barrier3A)
    "tpu.region"() ({
      %run_scoped3A = tpu.sem_alloc : memref<!tpu.dma_semaphore, #tpu.memory_space<semaphore_mem>>
      %dma_start3A = arith.constant 0 : i32
      %dma_start3A_25 = arith.constant 0 : i32
      %dma_start3A_26 = tpu.memref_slice %arg2[%add3A, %dma_start3A, %dma_start3A_25] : memref<32x125x80xi32, #tpu.memory_space<hbm>> -> memref<1x125x80xi32, #tpu.memory_space<hbm>>
      %dma_start3A_27 = tpu.memref_squeeze %dma_start3A_26 : memref<1x125x80xi32, #tpu.memory_space<hbm>> -> memref<125x80xi32, #tpu.memory_space<hbm>>
      %dma_start3A_28 = arith.constant 0 : i32
      %dma_start3A_29 = arith.constant 0 : i32
      %dma_start3A_30 = tpu.memref_slice %arg2[%add3A, %dma_start3A_28, %dma_start3A_29] : memref<32x125x80xi32, #tpu.memory_space<hbm>> -> memref<1x125x80xi32, #tpu.memory_space<hbm>>
      %dma_start3A_31 = tpu.memref_squeeze %dma_start3A_30 : memref<1x125x80xi32, #tpu.memory_space<hbm>> -> memref<125x80xi32, #tpu.memory_space<hbm>>
      tpu.enqueue_dma source(%dma_start3A_31 : memref<125x80xi32, #tpu.memory_space<hbm>>) target(%arg4 : memref<125x80xi32, #tpu.memory_space<vmem>>) target_semaphore(%run_scoped3A : memref<!tpu.dma_semaphore, #tpu.memory_space<semaphore_mem>>)
      %dma_wait3A = arith.constant 0 : i32
      %dma_wait3A_32 = arith.constant 0 : i32
      %dma_wait3A_33 = tpu.memref_slice %arg2[%add3A, %dma_wait3A, %dma_wait3A_32] : memref<32x125x80xi32, #tpu.memory_space<hbm>> -> memref<1x125x80xi32, #tpu.memory_space<hbm>>
      %dma_wait3A_34 = tpu.memref_squeeze %dma_wait3A_33 : memref<1x125x80xi32, #tpu.memory_space<hbm>> -> memref<125x80xi32, #tpu.memory_space<hbm>>
      %dma_wait3A_35 = arith.constant 0 : i32
      %dma_wait3A_36 = arith.constant 0 : i32
      %dma_wait3A_37 = tpu.memref_slice %arg2[%add3A, %dma_wait3A_35, %dma_wait3A_36] : memref<32x125x80xi32, #tpu.memory_space<hbm>> -> memref<1x125x80xi32, #tpu.memory_space<hbm>>
      %dma_wait3A_38 = tpu.memref_squeeze %dma_wait3A_37 : memref<1x125x80xi32, #tpu.memory_space<hbm>> -> memref<125x80xi32, #tpu.memory_space<hbm>>
      tpu.wait_dma2 semaphore(%run_scoped3A : memref<!tpu.dma_semaphore, #tpu.memory_space<semaphore_mem>>) src(%dma_wait3A_38 : memref<125x80xi32, #tpu.memory_space<hbm>>) dst(%arg4 : memref<125x80xi32, #tpu.memory_space<vmem>>)
      tpu.yield
    }) : () -> ()
    %scan3A_14 = arith.constant 0 : i32
    %scan3A_15 = arith.constant 0 : i32
    %scan3A_16 = arith.constant 125 : i32
    %scan3A_17 = arith.addi %scan3A_15, %scan3A_16 : i32
    %scan3A_18 = arith.constant 1 : i32
    scf.for %scan3A_25 = %scan3A_15 to %scan3A_17 step %scan3A_18  : i32 {
      "tpu.region"() ({
        %run_scoped3A = tpu.sem_alloc : memref<!tpu.dma_semaphore, #tpu.memory_space<semaphore_mem>>
        %dma_start3A = arith.constant 0 : i32
        %dma_start3A_26 = tpu.memref_slice %arg4[%scan3A_25, %dma_start3A] : memref<125x80xi32, #tpu.memory_space<vmem>> -> memref<1x80xi32, #tpu.memory_space<vmem>>
        %dma_start3A_27 = tpu.memref_squeeze %dma_start3A_26 : memref<1x80xi32, #tpu.memory_space<vmem>> -> memref<80xi32, #tpu.memory_space<vmem>>
        %dma_start3A_28 = arith.constant 0 : i32
        %dma_start3A_29 = arith.constant 0 : i32
        %dma_start3A_30 = tpu.memref_slice %arg7[%dma_start3A_28, %dma_start3A_29] : memref<10240x16xf32, #tpu.memory_space<vmem_shared>> -> memref<10240x16xf32, #tpu.memory_space<vmem_shared>>
        tpu.enqueue_indirect_dma source(%arg5 : memref<80x16xf32, #tpu.memory_space<vmem>>) target(%dma_start3A_30 : memref<10240x16xf32, #tpu.memory_space<vmem_shared>>) offsets(%dma_start3A_27 : memref<80xi32, #tpu.memory_space<vmem>>) semaphore(%run_scoped3A : memref<!tpu.dma_semaphore, #tpu.memory_space<semaphore_mem>>) {add = true}
        %dma_wait3A = arith.constant 0 : i32
        %dma_wait3A_31 = tpu.memref_slice %arg4[%scan3A_25, %dma_wait3A] : memref<125x80xi32, #tpu.memory_space<vmem>> -> memref<1x80xi32, #tpu.memory_space<vmem>>
        %dma_wait3A_32 = tpu.memref_squeeze %dma_wait3A_31 : memref<1x80xi32, #tpu.memory_space<vmem>> -> memref<80xi32, #tpu.memory_space<vmem>>
        %dma_wait3A_33 = arith.constant 0 : i32
        %dma_wait3A_34 = arith.constant 0 : i32
        %dma_wait3A_35 = tpu.memref_slice %arg7[%dma_wait3A_33, %dma_wait3A_34] : memref<10240x16xf32, #tpu.memory_space<vmem_shared>> -> memref<10240x16xf32, #tpu.memory_space<vmem_shared>>
        tpu.wait_indirect_dma semaphore(%run_scoped3A : memref<!tpu.dma_semaphore, #tpu.memory_space<semaphore_mem>>) src(%arg5 : memref<80x16xf32, #tpu.memory_space<vmem>>) dst(%dma_wait3A_35 : memref<10240x16xf32, #tpu.memory_space<vmem_shared>>)
        tpu.yield
      }) : () -> ()
    }
    %scan3A_19 = arith.constant 125 : i32
    %barrier3A_20 = arith.constant 0 : index
    tpu.barrier barrier_id(%barrier3A_20)
    %mul3A_21 = arith.constant 640 : i32
    %mul3A_22 = arith.muli %arg1, %mul3A_21 : i32
    %mul3A_23 = arith.constant 640 : i32
    %mul3A_24 = arith.muli %arg1, %mul3A_23 : i32
    "tpu.region"() ({
      %run_scoped3A = tpu.sem_alloc : memref<!tpu.dma_semaphore, #tpu.memory_space<semaphore_mem>>
      %dma_start3A = arith.constant 0 : i32
      %dma_start3A_25 = tpu.memref_slice %arg3[%arg0, %mul3A_24, %dma_start3A] : memref<2x10240x16xf32, #tpu.memory_space<hbm>> -> memref<1x640x16xf32, #tpu.memory_space<hbm>>
      %dma_start3A_26 = tpu.memref_squeeze %dma_start3A_25 : memref<1x640x16xf32, #tpu.memory_space<hbm>> -> memref<640x16xf32, #tpu.memory_space<hbm>>
      %dma_start3A_27 = arith.constant 0 : i32
      %dma_start3A_28 = tpu.memref_slice %arg7[%mul3A_22, %dma_start3A_27] : memref<10240x16xf32, #tpu.memory_space<vmem_shared>> -> memref<640x16xf32, #tpu.memory_space<vmem_shared>>
      tpu.enqueue_dma source(%dma_start3A_28 : memref<640x16xf32, #tpu.memory_space<vmem_shared>>) target(%dma_start3A_26 : memref<640x16xf32, #tpu.memory_space<hbm>>) target_semaphore(%run_scoped3A : memref<!tpu.dma_semaphore, #tpu.memory_space<semaphore_mem>>)
      %dma_wait3A = arith.constant 0 : i32
      %dma_wait3A_29 = tpu.memref_slice %arg3[%arg0, %mul3A_24, %dma_wait3A] : memref<2x10240x16xf32, #tpu.memory_space<hbm>> -> memref<1x640x16xf32, #tpu.memory_space<hbm>>
      %dma_wait3A_30 = tpu.memref_squeeze %dma_wait3A_29 : memref<1x640x16xf32, #tpu.memory_space<hbm>> -> memref<640x16xf32, #tpu.memory_space<hbm>>
      %dma_wait3A_31 = arith.constant 0 : i32
      %dma_wait3A_32 = tpu.memref_slice %arg7[%mul3A_22, %dma_wait3A_31] : memref<10240x16xf32, #tpu.memory_space<vmem_shared>> -> memref<640x16xf32, #tpu.memory_space<vmem_shared>>
      tpu.wait_dma2 semaphore(%run_scoped3A : memref<!tpu.dma_semaphore, #tpu.memory_space<semaphore_mem>>) src(%dma_wait3A_32 : memref<640x16xf32, #tpu.memory_space<vmem_shared>>) dst(%dma_wait3A_30 : memref<640x16xf32, #tpu.memory_space<hbm>>)
      tpu.yield
    }) : () -> ()
    return
  }
}

#map = affine_map<(d0, d1) -> (0, 0, 0)>
module attributes {stable_mosaic.version = 14 : i64} {
  func.func @_sc_pass_body(%arg0: i32, %arg1: i32, %arg2: memref<2x10000x64xf32, #tpu.memory_space<hbm>>, %arg3: memref<16x256x80xi32, #tpu.memory_space<hbm>>, %arg4: memref<16x256x80xi32, #tpu.memory_space<hbm>>, %arg5: memref<2x10240x64xf32, #tpu.memory_space<hbm>>, %arg6: memref<256x80xi32, #tpu.memory_space<vmem>>, %arg7: memref<256x80xi32, #tpu.memory_space<vmem>>, %arg8: memref<80x64xf32, #tpu.memory_space<vmem>>, %arg9: memref<80x64xf32, #tpu.memory_space<vmem>>, %arg10: memref<80x64xf32, #tpu.memory_space<vmem>>, %arg11: memref<80x64xf32, #tpu.memory_space<vmem>>, %arg12: memref<80x64xf32, #tpu.memory_space<vmem>>, %arg13: memref<80x64xf32, #tpu.memory_space<vmem>>, %arg14: memref<80x64xf32, #tpu.memory_space<vmem>>, %arg15: memref<80x64xf32, #tpu.memory_space<vmem>>, %arg16: memref<128x64xf32, #tpu.memory_space<vmem>>, %arg17: memref<10240x64xf32, #tpu.memory_space<vmem_shared>>, %arg18: memref<!tpu.dma_semaphore, #tpu.memory_space<semaphore_mem>>, %arg19: memref<!tpu.dma_semaphore, #tpu.memory_space<semaphore_mem>>) attributes {dimension_semantics = [#tpu.dimension_semantics<core_parallel>, #tpu.dimension_semantics<subcore_parallel>], iteration_bounds = array<i64: 2, 16>, scalar_prefetch = 0 : i64, scratch_operands = 14 : i64, tpu.core_type = #tpu.core_type<sc_vector_subcore>, window_params = [{transform_indices = #map}, {transform_indices = #map}, {transform_indices = #map}, {transform_indices = #map}]} {
    %scan3A = arith.constant 0 : i32
    %scan3A_0 = arith.constant 0 : i32
    %scan3A_1 = arith.constant 128 : i32
    %scan3A_2 = arith.addi %scan3A_0, %scan3A_1 : i32
    %scan3A_3 = arith.constant 1 : i32
    scf.for %scan3A_116 = %scan3A_0 to %scan3A_2 step %scan3A_3  : i32 {
      %broadcast_in_dim3A = arith.constant 0.000000e+00 : f32
      %broadcast_in_dim3A_117 = vector.broadcast %broadcast_in_dim3A : f32 to vector<16xf32>
      %swap3A = arith.index_cast %scan3A_116 : i32 to index
      %swap3A_118 = arith.constant 0 : index
      %swap3A_119 = tpu.vector_load %arg16[%swap3A, %swap3A_118] {strides = array<i32>} : memref<128x64xf32, #tpu.memory_space<vmem>>, vector<1x16xf32>,
      %swap3A_120 = vector.shape_cast %swap3A_119 : vector<1x16xf32> to vector<16xf32>
      %swap3A_121 = vector.shape_cast %broadcast_in_dim3A_117 : vector<16xf32> to vector<1x16xf32>
      tpu.vector_store %arg16[%swap3A, %swap3A_118], %swap3A_121 {strides = array<i32>} : memref<128x64xf32, #tpu.memory_space<vmem>>, vector<1x16xf32>,
      %broadcast_in_dim3A_122 = arith.constant 0.000000e+00 : f32
      %broadcast_in_dim3A_123 = vector.broadcast %broadcast_in_dim3A_122 : f32 to vector<16xf32>
      %swap3A_124 = arith.index_cast %scan3A_116 : i32 to index
      %swap3A_125 = arith.constant 16 : index
      %swap3A_126 = tpu.vector_load %arg16[%swap3A_124, %swap3A_125] {strides = array<i32>} : memref<128x64xf32, #tpu.memory_space<vmem>>, vector<1x16xf32>,
      %swap3A_127 = vector.shape_cast %swap3A_126 : vector<1x16xf32> to vector<16xf32>
      %swap3A_128 = vector.shape_cast %broadcast_in_dim3A_123 : vector<16xf32> to vector<1x16xf32>
      tpu.vector_store %arg16[%swap3A_124, %swap3A_125], %swap3A_128 {strides = array<i32>} : memref<128x64xf32, #tpu.memory_space<vmem>>, vector<1x16xf32>,
      %broadcast_in_dim3A_129 = arith.constant 0.000000e+00 : f32
      %broadcast_in_dim3A_130 = vector.broadcast %broadcast_in_dim3A_129 : f32 to vector<16xf32>
      %swap3A_131 = arith.index_cast %scan3A_116 : i32 to index
      %swap3A_132 = arith.constant 32 : index
      %swap3A_133 = tpu.vector_load %arg16[%swap3A_131, %swap3A_132] {strides = array<i32>} : memref<128x64xf32, #tpu.memory_space<vmem>>, vector<1x16xf32>,
      %swap3A_134 = vector.shape_cast %swap3A_133 : vector<1x16xf32> to vector<16xf32>
      %swap3A_135 = vector.shape_cast %broadcast_in_dim3A_130 : vector<16xf32> to vector<1x16xf32>
      tpu.vector_store %arg16[%swap3A_131, %swap3A_132], %swap3A_135 {strides = array<i32>} : memref<128x64xf32, #tpu.memory_space<vmem>>, vector<1x16xf32>,
      %broadcast_in_dim3A_136 = arith.constant 0.000000e+00 : f32
      %broadcast_in_dim3A_137 = vector.broadcast %broadcast_in_dim3A_136 : f32 to vector<16xf32>
      %swap3A_138 = arith.index_cast %scan3A_116 : i32 to index
      %swap3A_139 = arith.constant 48 : index
      %swap3A_140 = tpu.vector_load %arg16[%swap3A_138, %swap3A_139] {strides = array<i32>} : memref<128x64xf32, #tpu.memory_space<vmem>>, vector<1x16xf32>,
      %swap3A_141 = vector.shape_cast %swap3A_140 : vector<1x16xf32> to vector<16xf32>
      %swap3A_142 = vector.shape_cast %broadcast_in_dim3A_137 : vector<16xf32> to vector<1x16xf32>
      tpu.vector_store %arg16[%swap3A_138, %swap3A_139], %swap3A_142 {strides = array<i32>} : memref<128x64xf32, #tpu.memory_space<vmem>>, vector<1x16xf32>,
    }
    %scan3A_4 = arith.constant 128 : i32
    %mul3A = arith.constant 640 : i32
    %mul3A_5 = arith.muli %arg1, %mul3A : i32
    %add3A = arith.constant 0 : i32
    %add3A_6 = arith.addi %mul3A_5, %add3A : i32
    "tpu.region"() ({
      %run_scoped3A = tpu.sem_alloc : memref<!tpu.dma_semaphore, #tpu.memory_space<semaphore_mem>>
      %dma_start3A_116 = arith.constant 0 : i32
      %dma_start3A_117 = tpu.memref_slice %arg17[%add3A_6, %dma_start3A_116] : memref<10240x64xf32, #tpu.memory_space<vmem_shared>> -> memref<128x64xf32, #tpu.memory_space<vmem_shared>>
      %dma_start3A_118 = arith.constant 0 : i32
      %dma_start3A_119 = tpu.memref_slice %arg17[%add3A_6, %dma_start3A_118] : memref<10240x64xf32, #tpu.memory_space<vmem_shared>> -> memref<128x64xf32, #tpu.memory_space<vmem_shared>>
      tpu.enqueue_dma source(%arg16 : memref<128x64xf32, #tpu.memory_space<vmem>>) target(%dma_start3A_119 : memref<128x64xf32, #tpu.memory_space<vmem_shared>>) target_semaphore(%run_scoped3A : memref<!tpu.dma_semaphore, #tpu.memory_space<semaphore_mem>>)
      %dma_wait3A_120 = arith.constant 0 : i32
      %dma_wait3A_121 = tpu.memref_slice %arg17[%add3A_6, %dma_wait3A_120] : memref<10240x64xf32, #tpu.memory_space<vmem_shared>> -> memref<128x64xf32, #tpu.memory_space<vmem_shared>>
      %dma_wait3A_122 = arith.constant 0 : i32
      %dma_wait3A_123 = tpu.memref_slice %arg17[%add3A_6, %dma_wait3A_122] : memref<10240x64xf32, #tpu.memory_space<vmem_shared>> -> memref<128x64xf32, #tpu.memory_space<vmem_shared>>
      tpu.wait_dma2 semaphore(%run_scoped3A : memref<!tpu.dma_semaphore, #tpu.memory_space<semaphore_mem>>) src(%arg16 : memref<128x64xf32, #tpu.memory_space<vmem>>) dst(%dma_wait3A_123 : memref<128x64xf32, #tpu.memory_space<vmem_shared>>)
      tpu.yield
    }) : () -> ()
    %mul3A_7 = arith.constant 640 : i32
    %mul3A_8 = arith.muli %arg1, %mul3A_7 : i32
    %add3A_9 = arith.constant 128 : i32
    %add3A_10 = arith.addi %mul3A_8, %add3A_9 : i32
    "tpu.region"() ({
      %run_scoped3A = tpu.sem_alloc : memref<!tpu.dma_semaphore, #tpu.memory_space<semaphore_mem>>
      %dma_start3A_116 = arith.constant 0 : i32
      %dma_start3A_117 = tpu.memref_slice %arg17[%add3A_10, %dma_start3A_116] : memref<10240x64xf32, #tpu.memory_space<vmem_shared>> -> memref<128x64xf32, #tpu.memory_space<vmem_shared>>
      %dma_start3A_118 = arith.constant 0 : i32
      %dma_start3A_119 = tpu.memref_slice %arg17[%add3A_10, %dma_start3A_118] : memref<10240x64xf32, #tpu.memory_space<vmem_shared>> -> memref<128x64xf32, #tpu.memory_space<vmem_shared>>
      tpu.enqueue_dma source(%arg16 : memref<128x64xf32, #tpu.memory_space<vmem>>) target(%dma_start3A_119 : memref<128x64xf32, #tpu.memory_space<vmem_shared>>) target_semaphore(%run_scoped3A : memref<!tpu.dma_semaphore, #tpu.memory_space<semaphore_mem>>)
      %dma_wait3A_120 = arith.constant 0 : i32
      %dma_wait3A_121 = tpu.memref_slice %arg17[%add3A_10, %dma_wait3A_120] : memref<10240x64xf32, #tpu.memory_space<vmem_shared>> -> memref<128x64xf32, #tpu.memory_space<vmem_shared>>
      %dma_wait3A_122 = arith.constant 0 : i32
      %dma_wait3A_123 = tpu.memref_slice %arg17[%add3A_10, %dma_wait3A_122] : memref<10240x64xf32, #tpu.memory_space<vmem_shared>> -> memref<128x64xf32, #tpu.memory_space<vmem_shared>>
      tpu.wait_dma2 semaphore(%run_scoped3A : memref<!tpu.dma_semaphore, #tpu.memory_space<semaphore_mem>>) src(%arg16 : memref<128x64xf32, #tpu.memory_space<vmem>>) dst(%dma_wait3A_123 : memref<128x64xf32, #tpu.memory_space<vmem_shared>>)
      tpu.yield
    }) : () -> ()
    %mul3A_11 = arith.constant 640 : i32
    %mul3A_12 = arith.muli %arg1, %mul3A_11 : i32
    %add3A_13 = arith.constant 256 : i32
    %add3A_14 = arith.addi %mul3A_12, %add3A_13 : i32
    "tpu.region"() ({
      %run_scoped3A = tpu.sem_alloc : memref<!tpu.dma_semaphore, #tpu.memory_space<semaphore_mem>>
      %dma_start3A_116 = arith.constant 0 : i32
      %dma_start3A_117 = tpu.memref_slice %arg17[%add3A_14, %dma_start3A_116] : memref<10240x64xf32, #tpu.memory_space<vmem_shared>> -> memref<128x64xf32, #tpu.memory_space<vmem_shared>>
      %dma_start3A_118 = arith.constant 0 : i32
      %dma_start3A_119 = tpu.memref_slice %arg17[%add3A_14, %dma_start3A_118] : memref<10240x64xf32, #tpu.memory_space<vmem_shared>> -> memref<128x64xf32, #tpu.memory_space<vmem_shared>>
      tpu.enqueue_dma source(%arg16 : memref<128x64xf32, #tpu.memory_space<vmem>>) target(%dma_start3A_119 : memref<128x64xf32, #tpu.memory_space<vmem_shared>>) target_semaphore(%run_scoped3A : memref<!tpu.dma_semaphore, #tpu.memory_space<semaphore_mem>>)
      %dma_wait3A_120 = arith.constant 0 : i32
      %dma_wait3A_121 = tpu.memref_slice %arg17[%add3A_14, %dma_wait3A_120] : memref<10240x64xf32, #tpu.memory_space<vmem_shared>> -> memref<128x64xf32, #tpu.memory_space<vmem_shared>>
      %dma_wait3A_122 = arith.constant 0 : i32
      %dma_wait3A_123 = tpu.memref_slice %arg17[%add3A_14, %dma_wait3A_122] : memref<10240x64xf32, #tpu.memory_space<vmem_shared>> -> memref<128x64xf32, #tpu.memory_space<vmem_shared>>
      tpu.wait_dma2 semaphore(%run_scoped3A : memref<!tpu.dma_semaphore, #tpu.memory_space<semaphore_mem>>) src(%arg16 : memref<128x64xf32, #tpu.memory_space<vmem>>) dst(%dma_wait3A_123 : memref<128x64xf32, #tpu.memory_space<vmem_shared>>)
      tpu.yield
    }) : () -> ()
    %mul3A_15 = arith.constant 640 : i32
    %mul3A_16 = arith.muli %arg1, %mul3A_15 : i32
    %add3A_17 = arith.constant 384 : i32
    %add3A_18 = arith.addi %mul3A_16, %add3A_17 : i32
    "tpu.region"() ({
      %run_scoped3A = tpu.sem_alloc : memref<!tpu.dma_semaphore, #tpu.memory_space<semaphore_mem>>
      %dma_start3A_116 = arith.constant 0 : i32
      %dma_start3A_117 = tpu.memref_slice %arg17[%add3A_18, %dma_start3A_116] : memref<10240x64xf32, #tpu.memory_space<vmem_shared>> -> memref<128x64xf32, #tpu.memory_space<vmem_shared>>
      %dma_start3A_118 = arith.constant 0 : i32
      %dma_start3A_119 = tpu.memref_slice %arg17[%add3A_18, %dma_start3A_118] : memref<10240x64xf32, #tpu.memory_space<vmem_shared>> -> memref<128x64xf32, #tpu.memory_space<vmem_shared>>
      tpu.enqueue_dma source(%arg16 : memref<128x64xf32, #tpu.memory_space<vmem>>) target(%dma_start3A_119 : memref<128x64xf32, #tpu.memory_space<vmem_shared>>) target_semaphore(%run_scoped3A : memref<!tpu.dma_semaphore, #tpu.memory_space<semaphore_mem>>)
      %dma_wait3A_120 = arith.constant 0 : i32
      %dma_wait3A_121 = tpu.memref_slice %arg17[%add3A_18, %dma_wait3A_120] : memref<10240x64xf32, #tpu.memory_space<vmem_shared>> -> memref<128x64xf32, #tpu.memory_space<vmem_shared>>
      %dma_wait3A_122 = arith.constant 0 : i32
      %dma_wait3A_123 = tpu.memref_slice %arg17[%add3A_18, %dma_wait3A_122] : memref<10240x64xf32, #tpu.memory_space<vmem_shared>> -> memref<128x64xf32, #tpu.memory_space<vmem_shared>>
      tpu.wait_dma2 semaphore(%run_scoped3A : memref<!tpu.dma_semaphore, #tpu.memory_space<semaphore_mem>>) src(%arg16 : memref<128x64xf32, #tpu.memory_space<vmem>>) dst(%dma_wait3A_123 : memref<128x64xf32, #tpu.memory_space<vmem_shared>>)
      tpu.yield
    }) : () -> ()
    %mul3A_19 = arith.constant 640 : i32
    %mul3A_20 = arith.muli %arg1, %mul3A_19 : i32
    %add3A_21 = arith.constant 512 : i32
    %add3A_22 = arith.addi %mul3A_20, %add3A_21 : i32
    "tpu.region"() ({
      %run_scoped3A = tpu.sem_alloc : memref<!tpu.dma_semaphore, #tpu.memory_space<semaphore_mem>>
      %dma_start3A_116 = arith.constant 0 : i32
      %dma_start3A_117 = tpu.memref_slice %arg17[%add3A_22, %dma_start3A_116] : memref<10240x64xf32, #tpu.memory_space<vmem_shared>> -> memref<128x64xf32, #tpu.memory_space<vmem_shared>>
      %dma_start3A_118 = arith.constant 0 : i32
      %dma_start3A_119 = tpu.memref_slice %arg17[%add3A_22, %dma_start3A_118] : memref<10240x64xf32, #tpu.memory_space<vmem_shared>> -> memref<128x64xf32, #tpu.memory_space<vmem_shared>>
      tpu.enqueue_dma source(%arg16 : memref<128x64xf32, #tpu.memory_space<vmem>>) target(%dma_start3A_119 : memref<128x64xf32, #tpu.memory_space<vmem_shared>>) target_semaphore(%run_scoped3A : memref<!tpu.dma_semaphore, #tpu.memory_space<semaphore_mem>>)
      %dma_wait3A_120 = arith.constant 0 : i32
      %dma_wait3A_121 = tpu.memref_slice %arg17[%add3A_22, %dma_wait3A_120] : memref<10240x64xf32, #tpu.memory_space<vmem_shared>> -> memref<128x64xf32, #tpu.memory_space<vmem_shared>>
      %dma_wait3A_122 = arith.constant 0 : i32
      %dma_wait3A_123 = tpu.memref_slice %arg17[%add3A_22, %dma_wait3A_122] : memref<10240x64xf32, #tpu.memory_space<vmem_shared>> -> memref<128x64xf32, #tpu.memory_space<vmem_shared>>
      tpu.wait_dma2 semaphore(%run_scoped3A : memref<!tpu.dma_semaphore, #tpu.memory_space<semaphore_mem>>) src(%arg16 : memref<128x64xf32, #tpu.memory_space<vmem>>) dst(%dma_wait3A_123 : memref<128x64xf32, #tpu.memory_space<vmem_shared>>)
      tpu.yield
    }) : () -> ()
    %barrier3A = arith.constant 0 : index
    tpu.barrier barrier_id(%barrier3A)
    "tpu.region"() ({
      %run_scoped3A = tpu.sem_alloc : memref<!tpu.dma_semaphore, #tpu.memory_space<semaphore_mem>>
      %dma_start3A_116 = arith.constant 0 : i32
      %dma_start3A_117 = arith.constant 0 : i32
      %dma_start3A_118 = tpu.memref_slice %arg3[%arg1, %dma_start3A_116, %dma_start3A_117] : memref<16x256x80xi32, #tpu.memory_space<hbm>> -> memref<1x256x80xi32, #tpu.memory_space<hbm>>
      %dma_start3A_119 = tpu.memref_squeeze %dma_start3A_118 : memref<1x256x80xi32, #tpu.memory_space<hbm>> -> memref<256x80xi32, #tpu.memory_space<hbm>>
      %dma_start3A_120 = arith.constant 0 : i32
      %dma_start3A_121 = arith.constant 0 : i32
      %dma_start3A_122 = tpu.memref_slice %arg3[%arg1, %dma_start3A_120, %dma_start3A_121] : memref<16x256x80xi32, #tpu.memory_space<hbm>> -> memref<1x256x80xi32, #tpu.memory_space<hbm>>
      %dma_start3A_123 = tpu.memref_squeeze %dma_start3A_122 : memref<1x256x80xi32, #tpu.memory_space<hbm>> -> memref<256x80xi32, #tpu.memory_space<hbm>>
      tpu.enqueue_dma source(%dma_start3A_123 : memref<256x80xi32, #tpu.memory_space<hbm>>) target(%arg6 : memref<256x80xi32, #tpu.memory_space<vmem>>) target_semaphore(%run_scoped3A : memref<!tpu.dma_semaphore, #tpu.memory_space<semaphore_mem>>)
      %dma_wait3A_124 = arith.constant 0 : i32
      %dma_wait3A_125 = arith.constant 0 : i32
      %dma_wait3A_126 = tpu.memref_slice %arg3[%arg1, %dma_wait3A_124, %dma_wait3A_125] : memref<16x256x80xi32, #tpu.memory_space<hbm>> -> memref<1x256x80xi32, #tpu.memory_space<hbm>>
      %dma_wait3A_127 = tpu.memref_squeeze %dma_wait3A_126 : memref<1x256x80xi32, #tpu.memory_space<hbm>> -> memref<256x80xi32, #tpu.memory_space<hbm>>
      %dma_wait3A_128 = arith.constant 0 : i32
      %dma_wait3A_129 = arith.constant 0 : i32
      %dma_wait3A_130 = tpu.memref_slice %arg3[%arg1, %dma_wait3A_128, %dma_wait3A_129] : memref<16x256x80xi32, #tpu.memory_space<hbm>> -> memref<1x256x80xi32, #tpu.memory_space<hbm>>
      %dma_wait3A_131 = tpu.memref_squeeze %dma_wait3A_130 : memref<1x256x80xi32, #tpu.memory_space<hbm>> -> memref<256x80xi32, #tpu.memory_space<hbm>>
      tpu.wait_dma2 semaphore(%run_scoped3A : memref<!tpu.dma_semaphore, #tpu.memory_space<semaphore_mem>>) src(%dma_wait3A_131 : memref<256x80xi32, #tpu.memory_space<hbm>>) dst(%arg6 : memref<256x80xi32, #tpu.memory_space<vmem>>)
      tpu.yield
    }) : () -> ()
    "tpu.region"() ({
      %run_scoped3A = tpu.sem_alloc : memref<!tpu.dma_semaphore, #tpu.memory_space<semaphore_mem>>
      %dma_start3A_116 = arith.constant 0 : i32
      %dma_start3A_117 = arith.constant 0 : i32
      %dma_start3A_118 = tpu.memref_slice %arg4[%arg1, %dma_start3A_116, %dma_start3A_117] : memref<16x256x80xi32, #tpu.memory_space<hbm>> -> memref<1x256x80xi32, #tpu.memory_space<hbm>>
      %dma_start3A_119 = tpu.memref_squeeze %dma_start3A_118 : memref<1x256x80xi32, #tpu.memory_space<hbm>> -> memref<256x80xi32, #tpu.memory_space<hbm>>
      %dma_start3A_120 = arith.constant 0 : i32
      %dma_start3A_121 = arith.constant 0 : i32
      %dma_start3A_122 = tpu.memref_slice %arg4[%arg1, %dma_start3A_120, %dma_start3A_121] : memref<16x256x80xi32, #tpu.memory_space<hbm>> -> memref<1x256x80xi32, #tpu.memory_space<hbm>>
      %dma_start3A_123 = tpu.memref_squeeze %dma_start3A_122 : memref<1x256x80xi32, #tpu.memory_space<hbm>> -> memref<256x80xi32, #tpu.memory_space<hbm>>
      tpu.enqueue_dma source(%dma_start3A_123 : memref<256x80xi32, #tpu.memory_space<hbm>>) target(%arg7 : memref<256x80xi32, #tpu.memory_space<vmem>>) target_semaphore(%run_scoped3A : memref<!tpu.dma_semaphore, #tpu.memory_space<semaphore_mem>>)
      %dma_wait3A_124 = arith.constant 0 : i32
      %dma_wait3A_125 = arith.constant 0 : i32
      %dma_wait3A_126 = tpu.memref_slice %arg4[%arg1, %dma_wait3A_124, %dma_wait3A_125] : memref<16x256x80xi32, #tpu.memory_space<hbm>> -> memref<1x256x80xi32, #tpu.memory_space<hbm>>
      %dma_wait3A_127 = tpu.memref_squeeze %dma_wait3A_126 : memref<1x256x80xi32, #tpu.memory_space<hbm>> -> memref<256x80xi32, #tpu.memory_space<hbm>>
      %dma_wait3A_128 = arith.constant 0 : i32
      %dma_wait3A_129 = arith.constant 0 : i32
      %dma_wait3A_130 = tpu.memref_slice %arg4[%arg1, %dma_wait3A_128, %dma_wait3A_129] : memref<16x256x80xi32, #tpu.memory_space<hbm>> -> memref<1x256x80xi32, #tpu.memory_space<hbm>>
      %dma_wait3A_131 = tpu.memref_squeeze %dma_wait3A_130 : memref<1x256x80xi32, #tpu.memory_space<hbm>> -> memref<256x80xi32, #tpu.memory_space<hbm>>
      tpu.wait_dma2 semaphore(%run_scoped3A : memref<!tpu.dma_semaphore, #tpu.memory_space<semaphore_mem>>) src(%dma_wait3A_131 : memref<256x80xi32, #tpu.memory_space<hbm>>) dst(%arg7 : memref<256x80xi32, #tpu.memory_space<vmem>>)
      tpu.yield
    }) : () -> ()
    %dma_start3A = arith.constant 0 : i32
    %dma_start3A_23 = arith.constant 0 : i32
    %dma_start3A_24 = tpu.memref_slice %arg6[%dma_start3A, %dma_start3A_23] : memref<256x80xi32, #tpu.memory_space<vmem>> -> memref<1x80xi32, #tpu.memory_space<vmem>>
    %dma_start3A_25 = tpu.memref_squeeze %dma_start3A_24 : memref<1x80xi32, #tpu.memory_space<vmem>> -> memref<80xi32, #tpu.memory_space<vmem>>
    %dma_start3A_26 = arith.constant 0 : i32
    %dma_start3A_27 = arith.constant 0 : i32
    %dma_start3A_28 = tpu.memref_slice %arg2[%arg0, %dma_start3A_26, %dma_start3A_27] : memref<2x10000x64xf32, #tpu.memory_space<hbm>> -> memref<1x10000x64xf32, #tpu.memory_space<hbm>>
    %dma_start3A_29 = tpu.memref_squeeze %dma_start3A_28 : memref<1x10000x64xf32, #tpu.memory_space<hbm>> -> memref<10000x64xf32, #tpu.memory_space<hbm>>
    %dma_start3A_30 = arith.constant 0 : i32
    %dma_start3A_31 = arith.constant 0 : i32
    %dma_start3A_32 = tpu.memref_slice %dma_start3A_29[%dma_start3A_30, %dma_start3A_31] : memref<10000x64xf32, #tpu.memory_space<hbm>> -> memref<10000x64xf32, #tpu.memory_space<hbm>>
    tpu.enqueue_indirect_dma source(%dma_start3A_32 : memref<10000x64xf32, #tpu.memory_space<hbm>>) target(%arg8 : memref<80x64xf32, #tpu.memory_space<vmem>>) offsets(%dma_start3A_25 : memref<80xi32, #tpu.memory_space<vmem>>) semaphore(%arg18 : memref<!tpu.dma_semaphore, #tpu.memory_space<semaphore_mem>>)
    %dma_start3A_33 = arith.constant 1 : i32
    %dma_start3A_34 = arith.constant 0 : i32
    %dma_start3A_35 = tpu.memref_slice %arg6[%dma_start3A_33, %dma_start3A_34] : memref<256x80xi32, #tpu.memory_space<vmem>> -> memref<1x80xi32, #tpu.memory_space<vmem>>
    %dma_start3A_36 = tpu.memref_squeeze %dma_start3A_35 : memref<1x80xi32, #tpu.memory_space<vmem>> -> memref<80xi32, #tpu.memory_space<vmem>>
    %dma_start3A_37 = arith.constant 0 : i32
    %dma_start3A_38 = arith.constant 0 : i32
    %dma_start3A_39 = tpu.memref_slice %arg2[%arg0, %dma_start3A_37, %dma_start3A_38] : memref<2x10000x64xf32, #tpu.memory_space<hbm>> -> memref<1x10000x64xf32, #tpu.memory_space<hbm>>
    %dma_start3A_40 = tpu.memref_squeeze %dma_start3A_39 : memref<1x10000x64xf32, #tpu.memory_space<hbm>> -> memref<10000x64xf32, #tpu.memory_space<hbm>>
    %dma_start3A_41 = arith.constant 0 : i32
    %dma_start3A_42 = arith.constant 0 : i32
    %dma_start3A_43 = tpu.memref_slice %dma_start3A_40[%dma_start3A_41, %dma_start3A_42] : memref<10000x64xf32, #tpu.memory_space<hbm>> -> memref<10000x64xf32, #tpu.memory_space<hbm>>
    tpu.enqueue_indirect_dma source(%dma_start3A_43 : memref<10000x64xf32, #tpu.memory_space<hbm>>) target(%arg9 : memref<80x64xf32, #tpu.memory_space<vmem>>) offsets(%dma_start3A_36 : memref<80xi32, #tpu.memory_space<vmem>>) semaphore(%arg18 : memref<!tpu.dma_semaphore, #tpu.memory_space<semaphore_mem>>)
    %dma_start3A_44 = arith.constant 2 : i32
    %dma_start3A_45 = arith.constant 0 : i32
    %dma_start3A_46 = tpu.memref_slice %arg6[%dma_start3A_44, %dma_start3A_45] : memref<256x80xi32, #tpu.memory_space<vmem>> -> memref<1x80xi32, #tpu.memory_space<vmem>>
    %dma_start3A_47 = tpu.memref_squeeze %dma_start3A_46 : memref<1x80xi32, #tpu.memory_space<vmem>> -> memref<80xi32, #tpu.memory_space<vmem>>
    %dma_start3A_48 = arith.constant 0 : i32
    %dma_start3A_49 = arith.constant 0 : i32
    %dma_start3A_50 = tpu.memref_slice %arg2[%arg0, %dma_start3A_48, %dma_start3A_49] : memref<2x10000x64xf32, #tpu.memory_space<hbm>> -> memref<1x10000x64xf32, #tpu.memory_space<hbm>>
    %dma_start3A_51 = tpu.memref_squeeze %dma_start3A_50 : memref<1x10000x64xf32, #tpu.memory_space<hbm>> -> memref<10000x64xf32, #tpu.memory_space<hbm>>
    %dma_start3A_52 = arith.constant 0 : i32
    %dma_start3A_53 = arith.constant 0 : i32
    %dma_start3A_54 = tpu.memref_slice %dma_start3A_51[%dma_start3A_52, %dma_start3A_53] : memref<10000x64xf32, #tpu.memory_space<hbm>> -> memref<10000x64xf32, #tpu.memory_space<hbm>>
    tpu.enqueue_indirect_dma source(%dma_start3A_54 : memref<10000x64xf32, #tpu.memory_space<hbm>>) target(%arg10 : memref<80x64xf32, #tpu.memory_space<vmem>>) offsets(%dma_start3A_47 : memref<80xi32, #tpu.memory_space<vmem>>) semaphore(%arg18 : memref<!tpu.dma_semaphore, #tpu.memory_space<semaphore_mem>>)
    %dma_start3A_55 = arith.constant 3 : i32
    %dma_start3A_56 = arith.constant 0 : i32
    %dma_start3A_57 = tpu.memref_slice %arg6[%dma_start3A_55, %dma_start3A_56] : memref<256x80xi32, #tpu.memory_space<vmem>> -> memref<1x80xi32, #tpu.memory_space<vmem>>
    %dma_start3A_58 = tpu.memref_squeeze %dma_start3A_57 : memref<1x80xi32, #tpu.memory_space<vmem>> -> memref<80xi32, #tpu.memory_space<vmem>>
    %dma_start3A_59 = arith.constant 0 : i32
    %dma_start3A_60 = arith.constant 0 : i32
    %dma_start3A_61 = tpu.memref_slice %arg2[%arg0, %dma_start3A_59, %dma_start3A_60] : memref<2x10000x64xf32, #tpu.memory_space<hbm>> -> memref<1x10000x64xf32, #tpu.memory_space<hbm>>
    %dma_start3A_62 = tpu.memref_squeeze %dma_start3A_61 : memref<1x10000x64xf32, #tpu.memory_space<hbm>> -> memref<10000x64xf32, #tpu.memory_space<hbm>>
    %dma_start3A_63 = arith.constant 0 : i32
    %dma_start3A_64 = arith.constant 0 : i32
    %dma_start3A_65 = tpu.memref_slice %dma_start3A_62[%dma_start3A_63, %dma_start3A_64] : memref<10000x64xf32, #tpu.memory_space<hbm>> -> memref<10000x64xf32, #tpu.memory_space<hbm>>
    tpu.enqueue_indirect_dma source(%dma_start3A_65 : memref<10000x64xf32, #tpu.memory_space<hbm>>) target(%arg11 : memref<80x64xf32, #tpu.memory_space<vmem>>) offsets(%dma_start3A_58 : memref<80xi32, #tpu.memory_space<vmem>>) semaphore(%arg18 : memref<!tpu.dma_semaphore, #tpu.memory_space<semaphore_mem>>)
    %dma_start3A_66 = arith.constant 4 : i32
    %dma_start3A_67 = arith.constant 0 : i32
    %dma_start3A_68 = tpu.memref_slice %arg6[%dma_start3A_66, %dma_start3A_67] : memref<256x80xi32, #tpu.memory_space<vmem>> -> memref<1x80xi32, #tpu.memory_space<vmem>>
    %dma_start3A_69 = tpu.memref_squeeze %dma_start3A_68 : memref<1x80xi32, #tpu.memory_space<vmem>> -> memref<80xi32, #tpu.memory_space<vmem>>
    %dma_start3A_70 = arith.constant 0 : i32
    %dma_start3A_71 = arith.constant 0 : i32
    %dma_start3A_72 = tpu.memref_slice %arg2[%arg0, %dma_start3A_70, %dma_start3A_71] : memref<2x10000x64xf32, #tpu.memory_space<hbm>> -> memref<1x10000x64xf32, #tpu.memory_space<hbm>>
    %dma_start3A_73 = tpu.memref_squeeze %dma_start3A_72 : memref<1x10000x64xf32, #tpu.memory_space<hbm>> -> memref<10000x64xf32, #tpu.memory_space<hbm>>
    %dma_start3A_74 = arith.constant 0 : i32
    %dma_start3A_75 = arith.constant 0 : i32
    %dma_start3A_76 = tpu.memref_slice %dma_start3A_73[%dma_start3A_74, %dma_start3A_75] : memref<10000x64xf32, #tpu.memory_space<hbm>> -> memref<10000x64xf32, #tpu.memory_space<hbm>>
    tpu.enqueue_indirect_dma source(%dma_start3A_76 : memref<10000x64xf32, #tpu.memory_space<hbm>>) target(%arg12 : memref<80x64xf32, #tpu.memory_space<vmem>>) offsets(%dma_start3A_69 : memref<80xi32, #tpu.memory_space<vmem>>) semaphore(%arg18 : memref<!tpu.dma_semaphore, #tpu.memory_space<semaphore_mem>>)
    %dma_start3A_77 = arith.constant 5 : i32
    %dma_start3A_78 = arith.constant 0 : i32
    %dma_start3A_79 = tpu.memref_slice %arg6[%dma_start3A_77, %dma_start3A_78] : memref<256x80xi32, #tpu.memory_space<vmem>> -> memref<1x80xi32, #tpu.memory_space<vmem>>
    %dma_start3A_80 = tpu.memref_squeeze %dma_start3A_79 : memref<1x80xi32, #tpu.memory_space<vmem>> -> memref<80xi32, #tpu.memory_space<vmem>>
    %dma_start3A_81 = arith.constant 0 : i32
    %dma_start3A_82 = arith.constant 0 : i32
    %dma_start3A_83 = tpu.memref_slice %arg2[%arg0, %dma_start3A_81, %dma_start3A_82] : memref<2x10000x64xf32, #tpu.memory_space<hbm>> -> memref<1x10000x64xf32, #tpu.memory_space<hbm>>
    %dma_start3A_84 = tpu.memref_squeeze %dma_start3A_83 : memref<1x10000x64xf32, #tpu.memory_space<hbm>> -> memref<10000x64xf32, #tpu.memory_space<hbm>>
    %dma_start3A_85 = arith.constant 0 : i32
    %dma_start3A_86 = arith.constant 0 : i32
    %dma_start3A_87 = tpu.memref_slice %dma_start3A_84[%dma_start3A_85, %dma_start3A_86] : memref<10000x64xf32, #tpu.memory_space<hbm>> -> memref<10000x64xf32, #tpu.memory_space<hbm>>
    tpu.enqueue_indirect_dma source(%dma_start3A_87 : memref<10000x64xf32, #tpu.memory_space<hbm>>) target(%arg13 : memref<80x64xf32, #tpu.memory_space<vmem>>) offsets(%dma_start3A_80 : memref<80xi32, #tpu.memory_space<vmem>>) semaphore(%arg18 : memref<!tpu.dma_semaphore, #tpu.memory_space<semaphore_mem>>)
    %dma_start3A_88 = arith.constant 6 : i32
    %dma_start3A_89 = arith.constant 0 : i32
    %dma_start3A_90 = tpu.memref_slice %arg6[%dma_start3A_88, %dma_start3A_89] : memref<256x80xi32, #tpu.memory_space<vmem>> -> memref<1x80xi32, #tpu.memory_space<vmem>>
    %dma_start3A_91 = tpu.memref_squeeze %dma_start3A_90 : memref<1x80xi32, #tpu.memory_space<vmem>> -> memref<80xi32, #tpu.memory_space<vmem>>
    %dma_start3A_92 = arith.constant 0 : i32
    %dma_start3A_93 = arith.constant 0 : i32
    %dma_start3A_94 = tpu.memref_slice %arg2[%arg0, %dma_start3A_92, %dma_start3A_93] : memref<2x10000x64xf32, #tpu.memory_space<hbm>> -> memref<1x10000x64xf32, #tpu.memory_space<hbm>>
    %dma_start3A_95 = tpu.memref_squeeze %dma_start3A_94 : memref<1x10000x64xf32, #tpu.memory_space<hbm>> -> memref<10000x64xf32, #tpu.memory_space<hbm>>
    %dma_start3A_96 = arith.constant 0 : i32
    %dma_start3A_97 = arith.constant 0 : i32
    %dma_start3A_98 = tpu.memref_slice %dma_start3A_95[%dma_start3A_96, %dma_start3A_97] : memref<10000x64xf32, #tpu.memory_space<hbm>> -> memref<10000x64xf32, #tpu.memory_space<hbm>>
    tpu.enqueue_indirect_dma source(%dma_start3A_98 : memref<10000x64xf32, #tpu.memory_space<hbm>>) target(%arg14 : memref<80x64xf32, #tpu.memory_space<vmem>>) offsets(%dma_start3A_91 : memref<80xi32, #tpu.memory_space<vmem>>) semaphore(%arg18 : memref<!tpu.dma_semaphore, #tpu.memory_space<semaphore_mem>>)
    %scan3A_99 = arith.constant 0 : i32
    %scan3A_100 = arith.constant 0 : i32
    %scan3A_101 = arith.constant 32 : i32
    %scan3A_102 = arith.addi %scan3A_100, %scan3A_101 : i32
    %scan3A_103 = arith.constant 1 : i32
    scf.for %scan3A_116 = %scan3A_100 to %scan3A_102 step %scan3A_103  : i32 {
      %mul3A_117 = arith.constant 8 : i32
      %mul3A_118 = arith.muli %scan3A_116, %mul3A_117 : i32
      %add3A_119 = arith.constant 0 : i32
      %add3A_120 = arith.addi %mul3A_118, %add3A_119 : i32
      %dma_wait3A_121 = arith.constant 0 : i32
      %dma_wait3A_122 = tpu.memref_slice %arg6[%add3A_120, %dma_wait3A_121] : memref<256x80xi32, #tpu.memory_space<vmem>> -> memref<1x80xi32, #tpu.memory_space<vmem>>
      %dma_wait3A_123 = tpu.memref_squeeze %dma_wait3A_122 : memref<1x80xi32, #tpu.memory_space<vmem>> -> memref<80xi32, #tpu.memory_space<vmem>>
      %dma_wait3A_124 = arith.constant 0 : i32
      %dma_wait3A_125 = arith.constant 0 : i32
      %dma_wait3A_126 = tpu.memref_slice %arg2[%arg0, %dma_wait3A_124, %dma_wait3A_125] : memref<2x10000x64xf32, #tpu.memory_space<hbm>> -> memref<1x10000x64xf32, #tpu.memory_space<hbm>>
      %dma_wait3A_127 = tpu.memref_squeeze %dma_wait3A_126 : memref<1x10000x64xf32, #tpu.memory_space<hbm>> -> memref<10000x64xf32, #tpu.memory_space<hbm>>
      %dma_wait3A_128 = arith.constant 0 : i32
      %dma_wait3A_129 = arith.constant 0 : i32
      %dma_wait3A_130 = tpu.memref_slice %dma_wait3A_127[%dma_wait3A_128, %dma_wait3A_129] : memref<10000x64xf32, #tpu.memory_space<hbm>> -> memref<10000x64xf32, #tpu.memory_space<hbm>>
      tpu.wait_indirect_dma semaphore(%arg18 : memref<!tpu.dma_semaphore, #tpu.memory_space<semaphore_mem>>) src(%dma_wait3A_130 : memref<10000x64xf32, #tpu.memory_space<hbm>>) dst(%arg8 : memref<80x64xf32, #tpu.memory_space<vmem>>)
      %dma_start3A_131 = arith.constant 0 : i32
      %dma_start3A_132 = tpu.memref_slice %arg7[%add3A_120, %dma_start3A_131] : memref<256x80xi32, #tpu.memory_space<vmem>> -> memref<1x80xi32, #tpu.memory_space<vmem>>
      %dma_start3A_133 = tpu.memref_squeeze %dma_start3A_132 : memref<1x80xi32, #tpu.memory_space<vmem>> -> memref<80xi32, #tpu.memory_space<vmem>>
      %dma_start3A_134 = arith.constant 0 : i32
      %dma_start3A_135 = arith.constant 0 : i32
      %dma_start3A_136 = tpu.memref_slice %arg17[%dma_start3A_134, %dma_start3A_135] : memref<10240x64xf32, #tpu.memory_space<vmem_shared>> -> memref<10240x64xf32, #tpu.memory_space<vmem_shared>>
      tpu.enqueue_indirect_dma source(%arg8 : memref<80x64xf32, #tpu.memory_space<vmem>>) target(%dma_start3A_136 : memref<10240x64xf32, #tpu.memory_space<vmem_shared>>) offsets(%dma_start3A_133 : memref<80xi32, #tpu.memory_space<vmem>>) semaphore(%arg19 : memref<!tpu.dma_semaphore, #tpu.memory_space<semaphore_mem>>) {add = true}
      %ge3A = arith.constant 1 : i32
      %ge3A_137 = arith.cmpi sge, %scan3A_116, %ge3A : i32
      %convert_element_type3A = arith.extui %ge3A_137 : i1 to i32
      %cond3A = arith.constant 0 : i32
      %cond3A_138 = arith.cmpi ne, %convert_element_type3A, %cond3A : i32
      scf.if %cond3A_138 {
        %sub3A_396 = arith.constant 1 : i32
        %sub3A_397 = arith.subi %add3A_120, %sub3A_396 : i32
        %dma_wait3A_398 = arith.constant 0 : i32
        %dma_wait3A_399 = tpu.memref_slice %arg7[%sub3A_397, %dma_wait3A_398] : memref<256x80xi32, #tpu.memory_space<vmem>> -> memref<1x80xi32, #tpu.memory_space<vmem>>
        %dma_wait3A_400 = tpu.memref_squeeze %dma_wait3A_399 : memref<1x80xi32, #tpu.memory_space<vmem>> -> memref<80xi32, #tpu.memory_space<vmem>>
        %dma_wait3A_401 = arith.constant 0 : i32
        %dma_wait3A_402 = arith.constant 0 : i32
        %dma_wait3A_403 = tpu.memref_slice %arg17[%dma_wait3A_401, %dma_wait3A_402] : memref<10240x64xf32, #tpu.memory_space<vmem_shared>> -> memref<10240x64xf32, #tpu.memory_space<vmem_shared>>
        tpu.wait_indirect_dma semaphore(%arg19 : memref<!tpu.dma_semaphore, #tpu.memory_space<semaphore_mem>>) src(%arg15 : memref<80x64xf32, #tpu.memory_space<vmem>>) dst(%dma_wait3A_403 : memref<10240x64xf32, #tpu.memory_space<vmem_shared>>)
      } else {
      }
      %add3A_139 = arith.constant 8 : i32
      %add3A_140 = arith.addi %add3A_120, %add3A_139 : i32
      %sub3A = arith.constant 1 : i32
      %sub3A_141 = arith.subi %add3A_140, %sub3A : i32
      %dma_start3A_142 = arith.constant 0 : i32
      %dma_start3A_143 = tpu.memref_slice %arg6[%sub3A_141, %dma_start3A_142] : memref<256x80xi32, #tpu.memory_space<vmem>> -> memref<1x80xi32, #tpu.memory_space<vmem>>
      %dma_start3A_144 = tpu.memref_squeeze %dma_start3A_143 : memref<1x80xi32, #tpu.memory_space<vmem>> -> memref<80xi32, #tpu.memory_space<vmem>>
      %dma_start3A_145 = arith.constant 0 : i32
      %dma_start3A_146 = arith.constant 0 : i32
      %dma_start3A_147 = tpu.memref_slice %arg2[%arg0, %dma_start3A_145, %dma_start3A_146] : memref<2x10000x64xf32, #tpu.memory_space<hbm>> -> memref<1x10000x64xf32, #tpu.memory_space<hbm>>
      %dma_start3A_148 = tpu.memref_squeeze %dma_start3A_147 : memref<1x10000x64xf32, #tpu.memory_space<hbm>> -> memref<10000x64xf32, #tpu.memory_space<hbm>>
      %dma_start3A_149 = arith.constant 0 : i32
      %dma_start3A_150 = arith.constant 0 : i32
      %dma_start3A_151 = tpu.memref_slice %dma_start3A_148[%dma_start3A_149, %dma_start3A_150] : memref<10000x64xf32, #tpu.memory_space<hbm>> -> memref<10000x64xf32, #tpu.memory_space<hbm>>
      tpu.enqueue_indirect_dma source(%dma_start3A_151 : memref<10000x64xf32, #tpu.memory_space<hbm>>) target(%arg15 : memref<80x64xf32, #tpu.memory_space<vmem>>) offsets(%dma_start3A_144 : memref<80xi32, #tpu.memory_space<vmem>>) semaphore(%arg18 : memref<!tpu.dma_semaphore, #tpu.memory_space<semaphore_mem>>)
      %mul3A_152 = arith.constant 8 : i32
      %mul3A_153 = arith.muli %scan3A_116, %mul3A_152 : i32
      %add3A_154 = arith.constant 1 : i32
      %add3A_155 = arith.addi %mul3A_153, %add3A_154 : i32
      %dma_wait3A_156 = arith.constant 0 : i32
      %dma_wait3A_157 = tpu.memref_slice %arg6[%add3A_155, %dma_wait3A_156] : memref<256x80xi32, #tpu.memory_space<vmem>> -> memref<1x80xi32, #tpu.memory_space<vmem>>
      %dma_wait3A_158 = tpu.memref_squeeze %dma_wait3A_157 : memref<1x80xi32, #tpu.memory_space<vmem>> -> memref<80xi32, #tpu.memory_space<vmem>>
      %dma_wait3A_159 = arith.constant 0 : i32
      %dma_wait3A_160 = arith.constant 0 : i32
      %dma_wait3A_161 = tpu.memref_slice %arg2[%arg0, %dma_wait3A_159, %dma_wait3A_160] : memref<2x10000x64xf32, #tpu.memory_space<hbm>> -> memref<1x10000x64xf32, #tpu.memory_space<hbm>>
      %dma_wait3A_162 = tpu.memref_squeeze %dma_wait3A_161 : memref<1x10000x64xf32, #tpu.memory_space<hbm>> -> memref<10000x64xf32, #tpu.memory_space<hbm>>
      %dma_wait3A_163 = arith.constant 0 : i32
      %dma_wait3A_164 = arith.constant 0 : i32
      %dma_wait3A_165 = tpu.memref_slice %dma_wait3A_162[%dma_wait3A_163, %dma_wait3A_164] : memref<10000x64xf32, #tpu.memory_space<hbm>> -> memref<10000x64xf32, #tpu.memory_space<hbm>>
      tpu.wait_indirect_dma semaphore(%arg18 : memref<!tpu.dma_semaphore, #tpu.memory_space<semaphore_mem>>) src(%dma_wait3A_165 : memref<10000x64xf32, #tpu.memory_space<hbm>>) dst(%arg9 : memref<80x64xf32, #tpu.memory_space<vmem>>)
      %dma_start3A_166 = arith.constant 0 : i32
      %dma_start3A_167 = tpu.memref_slice %arg7[%add3A_155, %dma_start3A_166] : memref<256x80xi32, #tpu.memory_space<vmem>> -> memref<1x80xi32, #tpu.memory_space<vmem>>
      %dma_start3A_168 = tpu.memref_squeeze %dma_start3A_167 : memref<1x80xi32, #tpu.memory_space<vmem>> -> memref<80xi32, #tpu.memory_space<vmem>>
      %dma_start3A_169 = arith.constant 0 : i32
      %dma_start3A_170 = arith.constant 0 : i32
      %dma_start3A_171 = tpu.memref_slice %arg17[%dma_start3A_169, %dma_start3A_170] : memref<10240x64xf32, #tpu.memory_space<vmem_shared>> -> memref<10240x64xf32, #tpu.memory_space<vmem_shared>>
      tpu.enqueue_indirect_dma source(%arg9 : memref<80x64xf32, #tpu.memory_space<vmem>>) target(%dma_start3A_171 : memref<10240x64xf32, #tpu.memory_space<vmem_shared>>) offsets(%dma_start3A_168 : memref<80xi32, #tpu.memory_space<vmem>>) semaphore(%arg19 : memref<!tpu.dma_semaphore, #tpu.memory_space<semaphore_mem>>) {add = true}
      %sub3A_172 = arith.constant 1 : i32
      %sub3A_173 = arith.subi %add3A_155, %sub3A_172 : i32
      %dma_wait3A_174 = arith.constant 0 : i32
      %dma_wait3A_175 = tpu.memref_slice %arg7[%sub3A_173, %dma_wait3A_174] : memref<256x80xi32, #tpu.memory_space<vmem>> -> memref<1x80xi32, #tpu.memory_space<vmem>>
      %dma_wait3A_176 = tpu.memref_squeeze %dma_wait3A_175 : memref<1x80xi32, #tpu.memory_space<vmem>> -> memref<80xi32, #tpu.memory_space<vmem>>
      %dma_wait3A_177 = arith.constant 0 : i32
      %dma_wait3A_178 = arith.constant 0 : i32
      %dma_wait3A_179 = tpu.memref_slice %arg17[%dma_wait3A_177, %dma_wait3A_178] : memref<10240x64xf32, #tpu.memory_space<vmem_shared>> -> memref<10240x64xf32, #tpu.memory_space<vmem_shared>>
      tpu.wait_indirect_dma semaphore(%arg19 : memref<!tpu.dma_semaphore, #tpu.memory_space<semaphore_mem>>) src(%arg8 : memref<80x64xf32, #tpu.memory_space<vmem>>) dst(%dma_wait3A_179 : memref<10240x64xf32, #tpu.memory_space<vmem_shared>>)
      %add3A_180 = arith.constant 1 : i32
      %add3A_181 = arith.addi %scan3A_116, %add3A_180 : i32
      %lt3A = arith.constant 32 : i32
      %lt3A_182 = arith.cmpi slt, %add3A_181, %lt3A : i32
      %convert_element_type3A_183 = arith.extui %lt3A_182 : i1 to i32
      %cond3A_184 = arith.constant 0 : i32
      %cond3A_185 = arith.cmpi ne, %convert_element_type3A_183, %cond3A_184 : i32
      scf.if %cond3A_185 {
        %add3A_396 = arith.constant 8 : i32
        %add3A_397 = arith.addi %add3A_155, %add3A_396 : i32
        %sub3A_398 = arith.constant 1 : i32
        %sub3A_399 = arith.subi %add3A_397, %sub3A_398 : i32
        %dma_start3A_400 = arith.constant 0 : i32
        %dma_start3A_401 = tpu.memref_slice %arg6[%sub3A_399, %dma_start3A_400] : memref<256x80xi32, #tpu.memory_space<vmem>> -> memref<1x80xi32, #tpu.memory_space<vmem>>
        %dma_start3A_402 = tpu.memref_squeeze %dma_start3A_401 : memref<1x80xi32, #tpu.memory_space<vmem>> -> memref<80xi32, #tpu.memory_space<vmem>>
        %dma_start3A_403 = arith.constant 0 : i32
        %dma_start3A_404 = arith.constant 0 : i32
        %dma_start3A_405 = tpu.memref_slice %arg2[%arg0, %dma_start3A_403, %dma_start3A_404] : memref<2x10000x64xf32, #tpu.memory_space<hbm>> -> memref<1x10000x64xf32, #tpu.memory_space<hbm>>
        %dma_start3A_406 = tpu.memref_squeeze %dma_start3A_405 : memref<1x10000x64xf32, #tpu.memory_space<hbm>> -> memref<10000x64xf32, #tpu.memory_space<hbm>>
        %dma_start3A_407 = arith.constant 0 : i32
        %dma_start3A_408 = arith.constant 0 : i32
        %dma_start3A_409 = tpu.memref_slice %dma_start3A_406[%dma_start3A_407, %dma_start3A_408] : memref<10000x64xf32, #tpu.memory_space<hbm>> -> memref<10000x64xf32, #tpu.memory_space<hbm>>
        tpu.enqueue_indirect_dma source(%dma_start3A_409 : memref<10000x64xf32, #tpu.memory_space<hbm>>) target(%arg8 : memref<80x64xf32, #tpu.memory_space<vmem>>) offsets(%dma_start3A_402 : memref<80xi32, #tpu.memory_space<vmem>>) semaphore(%arg18 : memref<!tpu.dma_semaphore, #tpu.memory_space<semaphore_mem>>)
      } else {
      }
      %mul3A_186 = arith.constant 8 : i32
      %mul3A_187 = arith.muli %scan3A_116, %mul3A_186 : i32
      %add3A_188 = arith.constant 2 : i32
      %add3A_189 = arith.addi %mul3A_187, %add3A_188 : i32
      %dma_wait3A_190 = arith.constant 0 : i32
      %dma_wait3A_191 = tpu.memref_slice %arg6[%add3A_189, %dma_wait3A_190] : memref<256x80xi32, #tpu.memory_space<vmem>> -> memref<1x80xi32, #tpu.memory_space<vmem>>
      %dma_wait3A_192 = tpu.memref_squeeze %dma_wait3A_191 : memref<1x80xi32, #tpu.memory_space<vmem>> -> memref<80xi32, #tpu.memory_space<vmem>>
      %dma_wait3A_193 = arith.constant 0 : i32
      %dma_wait3A_194 = arith.constant 0 : i32
      %dma_wait3A_195 = tpu.memref_slice %arg2[%arg0, %dma_wait3A_193, %dma_wait3A_194] : memref<2x10000x64xf32, #tpu.memory_space<hbm>> -> memref<1x10000x64xf32, #tpu.memory_space<hbm>>
      %dma_wait3A_196 = tpu.memref_squeeze %dma_wait3A_195 : memref<1x10000x64xf32, #tpu.memory_space<hbm>> -> memref<10000x64xf32, #tpu.memory_space<hbm>>
      %dma_wait3A_197 = arith.constant 0 : i32
      %dma_wait3A_198 = arith.constant 0 : i32
      %dma_wait3A_199 = tpu.memref_slice %dma_wait3A_196[%dma_wait3A_197, %dma_wait3A_198] : memref<10000x64xf32, #tpu.memory_space<hbm>> -> memref<10000x64xf32, #tpu.memory_space<hbm>>
      tpu.wait_indirect_dma semaphore(%arg18 : memref<!tpu.dma_semaphore, #tpu.memory_space<semaphore_mem>>) src(%dma_wait3A_199 : memref<10000x64xf32, #tpu.memory_space<hbm>>) dst(%arg10 : memref<80x64xf32, #tpu.memory_space<vmem>>)
      %dma_start3A_200 = arith.constant 0 : i32
      %dma_start3A_201 = tpu.memref_slice %arg7[%add3A_189, %dma_start3A_200] : memref<256x80xi32, #tpu.memory_space<vmem>> -> memref<1x80xi32, #tpu.memory_space<vmem>>
      %dma_start3A_202 = tpu.memref_squeeze %dma_start3A_201 : memref<1x80xi32, #tpu.memory_space<vmem>> -> memref<80xi32, #tpu.memory_space<vmem>>
      %dma_start3A_203 = arith.constant 0 : i32
      %dma_start3A_204 = arith.constant 0 : i32
      %dma_start3A_205 = tpu.memref_slice %arg17[%dma_start3A_203, %dma_start3A_204] : memref<10240x64xf32, #tpu.memory_space<vmem_shared>> -> memref<10240x64xf32, #tpu.memory_space<vmem_shared>>
      tpu.enqueue_indirect_dma source(%arg10 : memref<80x64xf32, #tpu.memory_space<vmem>>) target(%dma_start3A_205 : memref<10240x64xf32, #tpu.memory_space<vmem_shared>>) offsets(%dma_start3A_202 : memref<80xi32, #tpu.memory_space<vmem>>) semaphore(%arg19 : memref<!tpu.dma_semaphore, #tpu.memory_space<semaphore_mem>>) {add = true}
      %sub3A_206 = arith.constant 1 : i32
      %sub3A_207 = arith.subi %add3A_189, %sub3A_206 : i32
      %dma_wait3A_208 = arith.constant 0 : i32
      %dma_wait3A_209 = tpu.memref_slice %arg7[%sub3A_207, %dma_wait3A_208] : memref<256x80xi32, #tpu.memory_space<vmem>> -> memref<1x80xi32, #tpu.memory_space<vmem>>
      %dma_wait3A_210 = tpu.memref_squeeze %dma_wait3A_209 : memref<1x80xi32, #tpu.memory_space<vmem>> -> memref<80xi32, #tpu.memory_space<vmem>>
      %dma_wait3A_211 = arith.constant 0 : i32
      %dma_wait3A_212 = arith.constant 0 : i32
      %dma_wait3A_213 = tpu.memref_slice %arg17[%dma_wait3A_211, %dma_wait3A_212] : memref<10240x64xf32, #tpu.memory_space<vmem_shared>> -> memref<10240x64xf32, #tpu.memory_space<vmem_shared>>
      tpu.wait_indirect_dma semaphore(%arg19 : memref<!tpu.dma_semaphore, #tpu.memory_space<semaphore_mem>>) src(%arg9 : memref<80x64xf32, #tpu.memory_space<vmem>>) dst(%dma_wait3A_213 : memref<10240x64xf32, #tpu.memory_space<vmem_shared>>)
      %add3A_214 = arith.constant 1 : i32
      %add3A_215 = arith.addi %scan3A_116, %add3A_214 : i32
      %lt3A_216 = arith.constant 32 : i32
      %lt3A_217 = arith.cmpi slt, %add3A_215, %lt3A_216 : i32
      %convert_element_type3A_218 = arith.extui %lt3A_217 : i1 to i32
      %cond3A_219 = arith.constant 0 : i32
      %cond3A_220 = arith.cmpi ne, %convert_element_type3A_218, %cond3A_219 : i32
      scf.if %cond3A_220 {
        %add3A_396 = arith.constant 8 : i32
        %add3A_397 = arith.addi %add3A_189, %add3A_396 : i32
        %sub3A_398 = arith.constant 1 : i32
        %sub3A_399 = arith.subi %add3A_397, %sub3A_398 : i32
        %dma_start3A_400 = arith.constant 0 : i32
        %dma_start3A_401 = tpu.memref_slice %arg6[%sub3A_399, %dma_start3A_400] : memref<256x80xi32, #tpu.memory_space<vmem>> -> memref<1x80xi32, #tpu.memory_space<vmem>>
        %dma_start3A_402 = tpu.memref_squeeze %dma_start3A_401 : memref<1x80xi32, #tpu.memory_space<vmem>> -> memref<80xi32, #tpu.memory_space<vmem>>
        %dma_start3A_403 = arith.constant 0 : i32
        %dma_start3A_404 = arith.constant 0 : i32
        %dma_start3A_405 = tpu.memref_slice %arg2[%arg0, %dma_start3A_403, %dma_start3A_404] : memref<2x10000x64xf32, #tpu.memory_space<hbm>> -> memref<1x10000x64xf32, #tpu.memory_space<hbm>>
        %dma_start3A_406 = tpu.memref_squeeze %dma_start3A_405 : memref<1x10000x64xf32, #tpu.memory_space<hbm>> -> memref<10000x64xf32, #tpu.memory_space<hbm>>
        %dma_start3A_407 = arith.constant 0 : i32
        %dma_start3A_408 = arith.constant 0 : i32
        %dma_start3A_409 = tpu.memref_slice %dma_start3A_406[%dma_start3A_407, %dma_start3A_408] : memref<10000x64xf32, #tpu.memory_space<hbm>> -> memref<10000x64xf32, #tpu.memory_space<hbm>>
        tpu.enqueue_indirect_dma source(%dma_start3A_409 : memref<10000x64xf32, #tpu.memory_space<hbm>>) target(%arg9 : memref<80x64xf32, #tpu.memory_space<vmem>>) offsets(%dma_start3A_402 : memref<80xi32, #tpu.memory_space<vmem>>) semaphore(%arg18 : memref<!tpu.dma_semaphore, #tpu.memory_space<semaphore_mem>>)
      } else {
      }
      %mul3A_221 = arith.constant 8 : i32
      %mul3A_222 = arith.muli %scan3A_116, %mul3A_221 : i32
      %add3A_223 = arith.constant 3 : i32
      %add3A_224 = arith.addi %mul3A_222, %add3A_223 : i32
      %dma_wait3A_225 = arith.constant 0 : i32
      %dma_wait3A_226 = tpu.memref_slice %arg6[%add3A_224, %dma_wait3A_225] : memref<256x80xi32, #tpu.memory_space<vmem>> -> memref<1x80xi32, #tpu.memory_space<vmem>>
      %dma_wait3A_227 = tpu.memref_squeeze %dma_wait3A_226 : memref<1x80xi32, #tpu.memory_space<vmem>> -> memref<80xi32, #tpu.memory_space<vmem>>
      %dma_wait3A_228 = arith.constant 0 : i32
      %dma_wait3A_229 = arith.constant 0 : i32
      %dma_wait3A_230 = tpu.memref_slice %arg2[%arg0, %dma_wait3A_228, %dma_wait3A_229] : memref<2x10000x64xf32, #tpu.memory_space<hbm>> -> memref<1x10000x64xf32, #tpu.memory_space<hbm>>
      %dma_wait3A_231 = tpu.memref_squeeze %dma_wait3A_230 : memref<1x10000x64xf32, #tpu.memory_space<hbm>> -> memref<10000x64xf32, #tpu.memory_space<hbm>>
      %dma_wait3A_232 = arith.constant 0 : i32
      %dma_wait3A_233 = arith.constant 0 : i32
      %dma_wait3A_234 = tpu.memref_slice %dma_wait3A_231[%dma_wait3A_232, %dma_wait3A_233] : memref<10000x64xf32, #tpu.memory_space<hbm>> -> memref<10000x64xf32, #tpu.memory_space<hbm>>
      tpu.wait_indirect_dma semaphore(%arg18 : memref<!tpu.dma_semaphore, #tpu.memory_space<semaphore_mem>>) src(%dma_wait3A_234 : memref<10000x64xf32, #tpu.memory_space<hbm>>) dst(%arg11 : memref<80x64xf32, #tpu.memory_space<vmem>>)
      %dma_start3A_235 = arith.constant 0 : i32
      %dma_start3A_236 = tpu.memref_slice %arg7[%add3A_224, %dma_start3A_235] : memref<256x80xi32, #tpu.memory_space<vmem>> -> memref<1x80xi32, #tpu.memory_space<vmem>>
      %dma_start3A_237 = tpu.memref_squeeze %dma_start3A_236 : memref<1x80xi32, #tpu.memory_space<vmem>> -> memref<80xi32, #tpu.memory_space<vmem>>
      %dma_start3A_238 = arith.constant 0 : i32
      %dma_start3A_239 = arith.constant 0 : i32
      %dma_start3A_240 = tpu.memref_slice %arg17[%dma_start3A_238, %dma_start3A_239] : memref<10240x64xf32, #tpu.memory_space<vmem_shared>> -> memref<10240x64xf32, #tpu.memory_space<vmem_shared>>
      tpu.enqueue_indirect_dma source(%arg11 : memref<80x64xf32, #tpu.memory_space<vmem>>) target(%dma_start3A_240 : memref<10240x64xf32, #tpu.memory_space<vmem_shared>>) offsets(%dma_start3A_237 : memref<80xi32, #tpu.memory_space<vmem>>) semaphore(%arg19 : memref<!tpu.dma_semaphore, #tpu.memory_space<semaphore_mem>>) {add = true}
      %sub3A_241 = arith.constant 1 : i32
      %sub3A_242 = arith.subi %add3A_224, %sub3A_241 : i32
      %dma_wait3A_243 = arith.constant 0 : i32
      %dma_wait3A_244 = tpu.memref_slice %arg7[%sub3A_242, %dma_wait3A_243] : memref<256x80xi32, #tpu.memory_space<vmem>> -> memref<1x80xi32, #tpu.memory_space<vmem>>
      %dma_wait3A_245 = tpu.memref_squeeze %dma_wait3A_244 : memref<1x80xi32, #tpu.memory_space<vmem>> -> memref<80xi32, #tpu.memory_space<vmem>>
      %dma_wait3A_246 = arith.constant 0 : i32
      %dma_wait3A_247 = arith.constant 0 : i32
      %dma_wait3A_248 = tpu.memref_slice %arg17[%dma_wait3A_246, %dma_wait3A_247] : memref<10240x64xf32, #tpu.memory_space<vmem_shared>> -> memref<10240x64xf32, #tpu.memory_space<vmem_shared>>
      tpu.wait_indirect_dma semaphore(%arg19 : memref<!tpu.dma_semaphore, #tpu.memory_space<semaphore_mem>>) src(%arg10 : memref<80x64xf32, #tpu.memory_space<vmem>>) dst(%dma_wait3A_248 : memref<10240x64xf32, #tpu.memory_space<vmem_shared>>)
      %add3A_249 = arith.constant 1 : i32
      %add3A_250 = arith.addi %scan3A_116, %add3A_249 : i32
      %lt3A_251 = arith.constant 32 : i32
      %lt3A_252 = arith.cmpi slt, %add3A_250, %lt3A_251 : i32
      %convert_element_type3A_253 = arith.extui %lt3A_252 : i1 to i32
      %cond3A_254 = arith.constant 0 : i32
      %cond3A_255 = arith.cmpi ne, %convert_element_type3A_253, %cond3A_254 : i32
      scf.if %cond3A_255 {
        %add3A_396 = arith.constant 8 : i32
        %add3A_397 = arith.addi %add3A_224, %add3A_396 : i32
        %sub3A_398 = arith.constant 1 : i32
        %sub3A_399 = arith.subi %add3A_397, %sub3A_398 : i32
        %dma_start3A_400 = arith.constant 0 : i32
        %dma_start3A_401 = tpu.memref_slice %arg6[%sub3A_399, %dma_start3A_400] : memref<256x80xi32, #tpu.memory_space<vmem>> -> memref<1x80xi32, #tpu.memory_space<vmem>>
        %dma_start3A_402 = tpu.memref_squeeze %dma_start3A_401 : memref<1x80xi32, #tpu.memory_space<vmem>> -> memref<80xi32, #tpu.memory_space<vmem>>
        %dma_start3A_403 = arith.constant 0 : i32
        %dma_start3A_404 = arith.constant 0 : i32
        %dma_start3A_405 = tpu.memref_slice %arg2[%arg0, %dma_start3A_403, %dma_start3A_404] : memref<2x10000x64xf32, #tpu.memory_space<hbm>> -> memref<1x10000x64xf32, #tpu.memory_space<hbm>>
        %dma_start3A_406 = tpu.memref_squeeze %dma_start3A_405 : memref<1x10000x64xf32, #tpu.memory_space<hbm>> -> memref<10000x64xf32, #tpu.memory_space<hbm>>
        %dma_start3A_407 = arith.constant 0 : i32
        %dma_start3A_408 = arith.constant 0 : i32
        %dma_start3A_409 = tpu.memref_slice %dma_start3A_406[%dma_start3A_407, %dma_start3A_408] : memref<10000x64xf32, #tpu.memory_space<hbm>> -> memref<10000x64xf32, #tpu.memory_space<hbm>>
        tpu.enqueue_indirect_dma source(%dma_start3A_409 : memref<10000x64xf32, #tpu.memory_space<hbm>>) target(%arg10 : memref<80x64xf32, #tpu.memory_space<vmem>>) offsets(%dma_start3A_402 : memref<80xi32, #tpu.memory_space<vmem>>) semaphore(%arg18 : memref<!tpu.dma_semaphore, #tpu.memory_space<semaphore_mem>>)
      } else {
      }
      %mul3A_256 = arith.constant 8 : i32
      %mul3A_257 = arith.muli %scan3A_116, %mul3A_256 : i32
      %add3A_258 = arith.constant 4 : i32
      %add3A_259 = arith.addi %mul3A_257, %add3A_258 : i32
      %dma_wait3A_260 = arith.constant 0 : i32
      %dma_wait3A_261 = tpu.memref_slice %arg6[%add3A_259, %dma_wait3A_260] : memref<256x80xi32, #tpu.memory_space<vmem>> -> memref<1x80xi32, #tpu.memory_space<vmem>>
      %dma_wait3A_262 = tpu.memref_squeeze %dma_wait3A_261 : memref<1x80xi32, #tpu.memory_space<vmem>> -> memref<80xi32, #tpu.memory_space<vmem>>
      %dma_wait3A_263 = arith.constant 0 : i32
      %dma_wait3A_264 = arith.constant 0 : i32
      %dma_wait3A_265 = tpu.memref_slice %arg2[%arg0, %dma_wait3A_263, %dma_wait3A_264] : memref<2x10000x64xf32, #tpu.memory_space<hbm>> -> memref<1x10000x64xf32, #tpu.memory_space<hbm>>
      %dma_wait3A_266 = tpu.memref_squeeze %dma_wait3A_265 : memref<1x10000x64xf32, #tpu.memory_space<hbm>> -> memref<10000x64xf32, #tpu.memory_space<hbm>>
      %dma_wait3A_267 = arith.constant 0 : i32
      %dma_wait3A_268 = arith.constant 0 : i32
      %dma_wait3A_269 = tpu.memref_slice %dma_wait3A_266[%dma_wait3A_267, %dma_wait3A_268] : memref<10000x64xf32, #tpu.memory_space<hbm>> -> memref<10000x64xf32, #tpu.memory_space<hbm>>
      tpu.wait_indirect_dma semaphore(%arg18 : memref<!tpu.dma_semaphore, #tpu.memory_space<semaphore_mem>>) src(%dma_wait3A_269 : memref<10000x64xf32, #tpu.memory_space<hbm>>) dst(%arg12 : memref<80x64xf32, #tpu.memory_space<vmem>>)
      %dma_start3A_270 = arith.constant 0 : i32
      %dma_start3A_271 = tpu.memref_slice %arg7[%add3A_259, %dma_start3A_270] : memref<256x80xi32, #tpu.memory_space<vmem>> -> memref<1x80xi32, #tpu.memory_space<vmem>>
      %dma_start3A_272 = tpu.memref_squeeze %dma_start3A_271 : memref<1x80xi32, #tpu.memory_space<vmem>> -> memref<80xi32, #tpu.memory_space<vmem>>
      %dma_start3A_273 = arith.constant 0 : i32
      %dma_start3A_274 = arith.constant 0 : i32
      %dma_start3A_275 = tpu.memref_slice %arg17[%dma_start3A_273, %dma_start3A_274] : memref<10240x64xf32, #tpu.memory_space<vmem_shared>> -> memref<10240x64xf32, #tpu.memory_space<vmem_shared>>
      tpu.enqueue_indirect_dma source(%arg12 : memref<80x64xf32, #tpu.memory_space<vmem>>) target(%dma_start3A_275 : memref<10240x64xf32, #tpu.memory_space<vmem_shared>>) offsets(%dma_start3A_272 : memref<80xi32, #tpu.memory_space<vmem>>) semaphore(%arg19 : memref<!tpu.dma_semaphore, #tpu.memory_space<semaphore_mem>>) {add = true}
      %sub3A_276 = arith.constant 1 : i32
      %sub3A_277 = arith.subi %add3A_259, %sub3A_276 : i32
      %dma_wait3A_278 = arith.constant 0 : i32
      %dma_wait3A_279 = tpu.memref_slice %arg7[%sub3A_277, %dma_wait3A_278] : memref<256x80xi32, #tpu.memory_space<vmem>> -> memref<1x80xi32, #tpu.memory_space<vmem>>
      %dma_wait3A_280 = tpu.memref_squeeze %dma_wait3A_279 : memref<1x80xi32, #tpu.memory_space<vmem>> -> memref<80xi32, #tpu.memory_space<vmem>>
      %dma_wait3A_281 = arith.constant 0 : i32
      %dma_wait3A_282 = arith.constant 0 : i32
      %dma_wait3A_283 = tpu.memref_slice %arg17[%dma_wait3A_281, %dma_wait3A_282] : memref<10240x64xf32, #tpu.memory_space<vmem_shared>> -> memref<10240x64xf32, #tpu.memory_space<vmem_shared>>
      tpu.wait_indirect_dma semaphore(%arg19 : memref<!tpu.dma_semaphore, #tpu.memory_space<semaphore_mem>>) src(%arg11 : memref<80x64xf32, #tpu.memory_space<vmem>>) dst(%dma_wait3A_283 : memref<10240x64xf32, #tpu.memory_space<vmem_shared>>)
      %add3A_284 = arith.constant 1 : i32
      %add3A_285 = arith.addi %scan3A_116, %add3A_284 : i32
      %lt3A_286 = arith.constant 32 : i32
      %lt3A_287 = arith.cmpi slt, %add3A_285, %lt3A_286 : i32
      %convert_element_type3A_288 = arith.extui %lt3A_287 : i1 to i32
      %cond3A_289 = arith.constant 0 : i32
      %cond3A_290 = arith.cmpi ne, %convert_element_type3A_288, %cond3A_289 : i32
      scf.if %cond3A_290 {
        %add3A_396 = arith.constant 8 : i32
        %add3A_397 = arith.addi %add3A_259, %add3A_396 : i32
        %sub3A_398 = arith.constant 1 : i32
        %sub3A_399 = arith.subi %add3A_397, %sub3A_398 : i32
        %dma_start3A_400 = arith.constant 0 : i32
        %dma_start3A_401 = tpu.memref_slice %arg6[%sub3A_399, %dma_start3A_400] : memref<256x80xi32, #tpu.memory_space<vmem>> -> memref<1x80xi32, #tpu.memory_space<vmem>>
        %dma_start3A_402 = tpu.memref_squeeze %dma_start3A_401 : memref<1x80xi32, #tpu.memory_space<vmem>> -> memref<80xi32, #tpu.memory_space<vmem>>
        %dma_start3A_403 = arith.constant 0 : i32
        %dma_start3A_404 = arith.constant 0 : i32
        %dma_start3A_405 = tpu.memref_slice %arg2[%arg0, %dma_start3A_403, %dma_start3A_404] : memref<2x10000x64xf32, #tpu.memory_space<hbm>> -> memref<1x10000x64xf32, #tpu.memory_space<hbm>>
        %dma_start3A_406 = tpu.memref_squeeze %dma_start3A_405 : memref<1x10000x64xf32, #tpu.memory_space<hbm>> -> memref<10000x64xf32, #tpu.memory_space<hbm>>
        %dma_start3A_407 = arith.constant 0 : i32
        %dma_start3A_408 = arith.constant 0 : i32
        %dma_start3A_409 = tpu.memref_slice %dma_start3A_406[%dma_start3A_407, %dma_start3A_408] : memref<10000x64xf32, #tpu.memory_space<hbm>> -> memref<10000x64xf32, #tpu.memory_space<hbm>>
        tpu.enqueue_indirect_dma source(%dma_start3A_409 : memref<10000x64xf32, #tpu.memory_space<hbm>>) target(%arg11 : memref<80x64xf32, #tpu.memory_space<vmem>>) offsets(%dma_start3A_402 : memref<80xi32, #tpu.memory_space<vmem>>) semaphore(%arg18 : memref<!tpu.dma_semaphore, #tpu.memory_space<semaphore_mem>>)
      } else {
      }
      %mul3A_291 = arith.constant 8 : i32
      %mul3A_292 = arith.muli %scan3A_116, %mul3A_291 : i32
      %add3A_293 = arith.constant 5 : i32
      %add3A_294 = arith.addi %mul3A_292, %add3A_293 : i32
      %dma_wait3A_295 = arith.constant 0 : i32
      %dma_wait3A_296 = tpu.memref_slice %arg6[%add3A_294, %dma_wait3A_295] : memref<256x80xi32, #tpu.memory_space<vmem>> -> memref<1x80xi32, #tpu.memory_space<vmem>>
      %dma_wait3A_297 = tpu.memref_squeeze %dma_wait3A_296 : memref<1x80xi32, #tpu.memory_space<vmem>> -> memref<80xi32, #tpu.memory_space<vmem>>
      %dma_wait3A_298 = arith.constant 0 : i32
      %dma_wait3A_299 = arith.constant 0 : i32
      %dma_wait3A_300 = tpu.memref_slice %arg2[%arg0, %dma_wait3A_298, %dma_wait3A_299] : memref<2x10000x64xf32, #tpu.memory_space<hbm>> -> memref<1x10000x64xf32, #tpu.memory_space<hbm>>
      %dma_wait3A_301 = tpu.memref_squeeze %dma_wait3A_300 : memref<1x10000x64xf32, #tpu.memory_space<hbm>> -> memref<10000x64xf32, #tpu.memory_space<hbm>>
      %dma_wait3A_302 = arith.constant 0 : i32
      %dma_wait3A_303 = arith.constant 0 : i32
      %dma_wait3A_304 = tpu.memref_slice %dma_wait3A_301[%dma_wait3A_302, %dma_wait3A_303] : memref<10000x64xf32, #tpu.memory_space<hbm>> -> memref<10000x64xf32, #tpu.memory_space<hbm>>
      tpu.wait_indirect_dma semaphore(%arg18 : memref<!tpu.dma_semaphore, #tpu.memory_space<semaphore_mem>>) src(%dma_wait3A_304 : memref<10000x64xf32, #tpu.memory_space<hbm>>) dst(%arg13 : memref<80x64xf32, #tpu.memory_space<vmem>>)
      %dma_start3A_305 = arith.constant 0 : i32
      %dma_start3A_306 = tpu.memref_slice %arg7[%add3A_294, %dma_start3A_305] : memref<256x80xi32, #tpu.memory_space<vmem>> -> memref<1x80xi32, #tpu.memory_space<vmem>>
      %dma_start3A_307 = tpu.memref_squeeze %dma_start3A_306 : memref<1x80xi32, #tpu.memory_space<vmem>> -> memref<80xi32, #tpu.memory_space<vmem>>
      %dma_start3A_308 = arith.constant 0 : i32
      %dma_start3A_309 = arith.constant 0 : i32
      %dma_start3A_310 = tpu.memref_slice %arg17[%dma_start3A_308, %dma_start3A_309] : memref<10240x64xf32, #tpu.memory_space<vmem_shared>> -> memref<10240x64xf32, #tpu.memory_space<vmem_shared>>
      tpu.enqueue_indirect_dma source(%arg13 : memref<80x64xf32, #tpu.memory_space<vmem>>) target(%dma_start3A_310 : memref<10240x64xf32, #tpu.memory_space<vmem_shared>>) offsets(%dma_start3A_307 : memref<80xi32, #tpu.memory_space<vmem>>) semaphore(%arg19 : memref<!tpu.dma_semaphore, #tpu.memory_space<semaphore_mem>>) {add = true}
      %sub3A_311 = arith.constant 1 : i32
      %sub3A_312 = arith.subi %add3A_294, %sub3A_311 : i32
      %dma_wait3A_313 = arith.constant 0 : i32
      %dma_wait3A_314 = tpu.memref_slice %arg7[%sub3A_312, %dma_wait3A_313] : memref<256x80xi32, #tpu.memory_space<vmem>> -> memref<1x80xi32, #tpu.memory_space<vmem>>
      %dma_wait3A_315 = tpu.memref_squeeze %dma_wait3A_314 : memref<1x80xi32, #tpu.memory_space<vmem>> -> memref<80xi32, #tpu.memory_space<vmem>>
      %dma_wait3A_316 = arith.constant 0 : i32
      %dma_wait3A_317 = arith.constant 0 : i32
      %dma_wait3A_318 = tpu.memref_slice %arg17[%dma_wait3A_316, %dma_wait3A_317] : memref<10240x64xf32, #tpu.memory_space<vmem_shared>> -> memref<10240x64xf32, #tpu.memory_space<vmem_shared>>
      tpu.wait_indirect_dma semaphore(%arg19 : memref<!tpu.dma_semaphore, #tpu.memory_space<semaphore_mem>>) src(%arg12 : memref<80x64xf32, #tpu.memory_space<vmem>>) dst(%dma_wait3A_318 : memref<10240x64xf32, #tpu.memory_space<vmem_shared>>)
      %add3A_319 = arith.constant 1 : i32
      %add3A_320 = arith.addi %scan3A_116, %add3A_319 : i32
      %lt3A_321 = arith.constant 32 : i32
      %lt3A_322 = arith.cmpi slt, %add3A_320, %lt3A_321 : i32
      %convert_element_type3A_323 = arith.extui %lt3A_322 : i1 to i32
      %cond3A_324 = arith.constant 0 : i32
      %cond3A_325 = arith.cmpi ne, %convert_element_type3A_323, %cond3A_324 : i32
      scf.if %cond3A_325 {
        %add3A_396 = arith.constant 8 : i32
        %add3A_397 = arith.addi %add3A_294, %add3A_396 : i32
        %sub3A_398 = arith.constant 1 : i32
        %sub3A_399 = arith.subi %add3A_397, %sub3A_398 : i32
        %dma_start3A_400 = arith.constant 0 : i32
        %dma_start3A_401 = tpu.memref_slice %arg6[%sub3A_399, %dma_start3A_400] : memref<256x80xi32, #tpu.memory_space<vmem>> -> memref<1x80xi32, #tpu.memory_space<vmem>>
        %dma_start3A_402 = tpu.memref_squeeze %dma_start3A_401 : memref<1x80xi32, #tpu.memory_space<vmem>> -> memref<80xi32, #tpu.memory_space<vmem>>
        %dma_start3A_403 = arith.constant 0 : i32
        %dma_start3A_404 = arith.constant 0 : i32
        %dma_start3A_405 = tpu.memref_slice %arg2[%arg0, %dma_start3A_403, %dma_start3A_404] : memref<2x10000x64xf32, #tpu.memory_space<hbm>> -> memref<1x10000x64xf32, #tpu.memory_space<hbm>>
        %dma_start3A_406 = tpu.memref_squeeze %dma_start3A_405 : memref<1x10000x64xf32, #tpu.memory_space<hbm>> -> memref<10000x64xf32, #tpu.memory_space<hbm>>
        %dma_start3A_407 = arith.constant 0 : i32
        %dma_start3A_408 = arith.constant 0 : i32
        %dma_start3A_409 = tpu.memref_slice %dma_start3A_406[%dma_start3A_407, %dma_start3A_408] : memref<10000x64xf32, #tpu.memory_space<hbm>> -> memref<10000x64xf32, #tpu.memory_space<hbm>>
        tpu.enqueue_indirect_dma source(%dma_start3A_409 : memref<10000x64xf32, #tpu.memory_space<hbm>>) target(%arg12 : memref<80x64xf32, #tpu.memory_space<vmem>>) offsets(%dma_start3A_402 : memref<80xi32, #tpu.memory_space<vmem>>) semaphore(%arg18 : memref<!tpu.dma_semaphore, #tpu.memory_space<semaphore_mem>>)
      } else {
      }
      %mul3A_326 = arith.constant 8 : i32
      %mul3A_327 = arith.muli %scan3A_116, %mul3A_326 : i32
      %add3A_328 = arith.constant 6 : i32
      %add3A_329 = arith.addi %mul3A_327, %add3A_328 : i32
      %dma_wait3A_330 = arith.constant 0 : i32
      %dma_wait3A_331 = tpu.memref_slice %arg6[%add3A_329, %dma_wait3A_330] : memref<256x80xi32, #tpu.memory_space<vmem>> -> memref<1x80xi32, #tpu.memory_space<vmem>>
      %dma_wait3A_332 = tpu.memref_squeeze %dma_wait3A_331 : memref<1x80xi32, #tpu.memory_space<vmem>> -> memref<80xi32, #tpu.memory_space<vmem>>
      %dma_wait3A_333 = arith.constant 0 : i32
      %dma_wait3A_334 = arith.constant 0 : i32
      %dma_wait3A_335 = tpu.memref_slice %arg2[%arg0, %dma_wait3A_333, %dma_wait3A_334] : memref<2x10000x64xf32, #tpu.memory_space<hbm>> -> memref<1x10000x64xf32, #tpu.memory_space<hbm>>
      %dma_wait3A_336 = tpu.memref_squeeze %dma_wait3A_335 : memref<1x10000x64xf32, #tpu.memory_space<hbm>> -> memref<10000x64xf32, #tpu.memory_space<hbm>>
      %dma_wait3A_337 = arith.constant 0 : i32
      %dma_wait3A_338 = arith.constant 0 : i32
      %dma_wait3A_339 = tpu.memref_slice %dma_wait3A_336[%dma_wait3A_337, %dma_wait3A_338] : memref<10000x64xf32, #tpu.memory_space<hbm>> -> memref<10000x64xf32, #tpu.memory_space<hbm>>
      tpu.wait_indirect_dma semaphore(%arg18 : memref<!tpu.dma_semaphore, #tpu.memory_space<semaphore_mem>>) src(%dma_wait3A_339 : memref<10000x64xf32, #tpu.memory_space<hbm>>) dst(%arg14 : memref<80x64xf32, #tpu.memory_space<vmem>>)
      %dma_start3A_340 = arith.constant 0 : i32
      %dma_start3A_341 = tpu.memref_slice %arg7[%add3A_329, %dma_start3A_340] : memref<256x80xi32, #tpu.memory_space<vmem>> -> memref<1x80xi32, #tpu.memory_space<vmem>>
      %dma_start3A_342 = tpu.memref_squeeze %dma_start3A_341 : memref<1x80xi32, #tpu.memory_space<vmem>> -> memref<80xi32, #tpu.memory_space<vmem>>
      %dma_start3A_343 = arith.constant 0 : i32
      %dma_start3A_344 = arith.constant 0 : i32
      %dma_start3A_345 = tpu.memref_slice %arg17[%dma_start3A_343, %dma_start3A_344] : memref<10240x64xf32, #tpu.memory_space<vmem_shared>> -> memref<10240x64xf32, #tpu.memory_space<vmem_shared>>
      tpu.enqueue_indirect_dma source(%arg14 : memref<80x64xf32, #tpu.memory_space<vmem>>) target(%dma_start3A_345 : memref<10240x64xf32, #tpu.memory_space<vmem_shared>>) offsets(%dma_start3A_342 : memref<80xi32, #tpu.memory_space<vmem>>) semaphore(%arg19 : memref<!tpu.dma_semaphore, #tpu.memory_space<semaphore_mem>>) {add = true}
      %sub3A_346 = arith.constant 1 : i32
      %sub3A_347 = arith.subi %add3A_329, %sub3A_346 : i32
      %dma_wait3A_348 = arith.constant 0 : i32
      %dma_wait3A_349 = tpu.memref_slice %arg7[%sub3A_347, %dma_wait3A_348] : memref<256x80xi32, #tpu.memory_space<vmem>> -> memref<1x80xi32, #tpu.memory_space<vmem>>
      %dma_wait3A_350 = tpu.memref_squeeze %dma_wait3A_349 : memref<1x80xi32, #tpu.memory_space<vmem>> -> memref<80xi32, #tpu.memory_space<vmem>>
      %dma_wait3A_351 = arith.constant 0 : i32
      %dma_wait3A_352 = arith.constant 0 : i32
      %dma_wait3A_353 = tpu.memref_slice %arg17[%dma_wait3A_351, %dma_wait3A_352] : memref<10240x64xf32, #tpu.memory_space<vmem_shared>> -> memref<10240x64xf32, #tpu.memory_space<vmem_shared>>
      tpu.wait_indirect_dma semaphore(%arg19 : memref<!tpu.dma_semaphore, #tpu.memory_space<semaphore_mem>>) src(%arg13 : memref<80x64xf32, #tpu.memory_space<vmem>>) dst(%dma_wait3A_353 : memref<10240x64xf32, #tpu.memory_space<vmem_shared>>)
      %add3A_354 = arith.constant 1 : i32
      %add3A_355 = arith.addi %scan3A_116, %add3A_354 : i32
      %lt3A_356 = arith.constant 32 : i32
      %lt3A_357 = arith.cmpi slt, %add3A_355, %lt3A_356 : i32
      %convert_element_type3A_358 = arith.extui %lt3A_357 : i1 to i32
      %cond3A_359 = arith.constant 0 : i32
      %cond3A_360 = arith.cmpi ne, %convert_element_type3A_358, %cond3A_359 : i32
      scf.if %cond3A_360 {
        %add3A_396 = arith.constant 8 : i32
        %add3A_397 = arith.addi %add3A_329, %add3A_396 : i32
        %sub3A_398 = arith.constant 1 : i32
        %sub3A_399 = arith.subi %add3A_397, %sub3A_398 : i32
        %dma_start3A_400 = arith.constant 0 : i32
        %dma_start3A_401 = tpu.memref_slice %arg6[%sub3A_399, %dma_start3A_400] : memref<256x80xi32, #tpu.memory_space<vmem>> -> memref<1x80xi32, #tpu.memory_space<vmem>>
        %dma_start3A_402 = tpu.memref_squeeze %dma_start3A_401 : memref<1x80xi32, #tpu.memory_space<vmem>> -> memref<80xi32, #tpu.memory_space<vmem>>
        %dma_start3A_403 = arith.constant 0 : i32
        %dma_start3A_404 = arith.constant 0 : i32
        %dma_start3A_405 = tpu.memref_slice %arg2[%arg0, %dma_start3A_403, %dma_start3A_404] : memref<2x10000x64xf32, #tpu.memory_space<hbm>> -> memref<1x10000x64xf32, #tpu.memory_space<hbm>>
        %dma_start3A_406 = tpu.memref_squeeze %dma_start3A_405 : memref<1x10000x64xf32, #tpu.memory_space<hbm>> -> memref<10000x64xf32, #tpu.memory_space<hbm>>
        %dma_start3A_407 = arith.constant 0 : i32
        %dma_start3A_408 = arith.constant 0 : i32
        %dma_start3A_409 = tpu.memref_slice %dma_start3A_406[%dma_start3A_407, %dma_start3A_408] : memref<10000x64xf32, #tpu.memory_space<hbm>> -> memref<10000x64xf32, #tpu.memory_space<hbm>>
        tpu.enqueue_indirect_dma source(%dma_start3A_409 : memref<10000x64xf32, #tpu.memory_space<hbm>>) target(%arg13 : memref<80x64xf32, #tpu.memory_space<vmem>>) offsets(%dma_start3A_402 : memref<80xi32, #tpu.memory_space<vmem>>) semaphore(%arg18 : memref<!tpu.dma_semaphore, #tpu.memory_space<semaphore_mem>>)
      } else {
      }
      %mul3A_361 = arith.constant 8 : i32
      %mul3A_362 = arith.muli %scan3A_116, %mul3A_361 : i32
      %add3A_363 = arith.constant 7 : i32
      %add3A_364 = arith.addi %mul3A_362, %add3A_363 : i32
      %dma_wait3A_365 = arith.constant 0 : i32
      %dma_wait3A_366 = tpu.memref_slice %arg6[%add3A_364, %dma_wait3A_365] : memref<256x80xi32, #tpu.memory_space<vmem>> -> memref<1x80xi32, #tpu.memory_space<vmem>>
      %dma_wait3A_367 = tpu.memref_squeeze %dma_wait3A_366 : memref<1x80xi32, #tpu.memory_space<vmem>> -> memref<80xi32, #tpu.memory_space<vmem>>
      %dma_wait3A_368 = arith.constant 0 : i32
      %dma_wait3A_369 = arith.constant 0 : i32
      %dma_wait3A_370 = tpu.memref_slice %arg2[%arg0, %dma_wait3A_368, %dma_wait3A_369] : memref<2x10000x64xf32, #tpu.memory_space<hbm>> -> memref<1x10000x64xf32, #tpu.memory_space<hbm>>
      %dma_wait3A_371 = tpu.memref_squeeze %dma_wait3A_370 : memref<1x10000x64xf32, #tpu.memory_space<hbm>> -> memref<10000x64xf32, #tpu.memory_space<hbm>>
      %dma_wait3A_372 = arith.constant 0 : i32
      %dma_wait3A_373 = arith.constant 0 : i32
      %dma_wait3A_374 = tpu.memref_slice %dma_wait3A_371[%dma_wait3A_372, %dma_wait3A_373] : memref<10000x64xf32, #tpu.memory_space<hbm>> -> memref<10000x64xf32, #tpu.memory_space<hbm>>
      tpu.wait_indirect_dma semaphore(%arg18 : memref<!tpu.dma_semaphore, #tpu.memory_space<semaphore_mem>>) src(%dma_wait3A_374 : memref<10000x64xf32, #tpu.memory_space<hbm>>) dst(%arg15 : memref<80x64xf32, #tpu.memory_space<vmem>>)
      %dma_start3A_375 = arith.constant 0 : i32
      %dma_start3A_376 = tpu.memref_slice %arg7[%add3A_364, %dma_start3A_375] : memref<256x80xi32, #tpu.memory_space<vmem>> -> memref<1x80xi32, #tpu.memory_space<vmem>>
      %dma_start3A_377 = tpu.memref_squeeze %dma_start3A_376 : memref<1x80xi32, #tpu.memory_space<vmem>> -> memref<80xi32, #tpu.memory_space<vmem>>
      %dma_start3A_378 = arith.constant 0 : i32
      %dma_start3A_379 = arith.constant 0 : i32
      %dma_start3A_380 = tpu.memref_slice %arg17[%dma_start3A_378, %dma_start3A_379] : memref<10240x64xf32, #tpu.memory_space<vmem_shared>> -> memref<10240x64xf32, #tpu.memory_space<vmem_shared>>
      tpu.enqueue_indirect_dma source(%arg15 : memref<80x64xf32, #tpu.memory_space<vmem>>) target(%dma_start3A_380 : memref<10240x64xf32, #tpu.memory_space<vmem_shared>>) offsets(%dma_start3A_377 : memref<80xi32, #tpu.memory_space<vmem>>) semaphore(%arg19 : memref<!tpu.dma_semaphore, #tpu.memory_space<semaphore_mem>>) {add = true}
      %sub3A_381 = arith.constant 1 : i32
      %sub3A_382 = arith.subi %add3A_364, %sub3A_381 : i32
      %dma_wait3A_383 = arith.constant 0 : i32
      %dma_wait3A_384 = tpu.memref_slice %arg7[%sub3A_382, %dma_wait3A_383] : memref<256x80xi32, #tpu.memory_space<vmem>> -> memref<1x80xi32, #tpu.memory_space<vmem>>
      %dma_wait3A_385 = tpu.memref_squeeze %dma_wait3A_384 : memref<1x80xi32, #tpu.memory_space<vmem>> -> memref<80xi32, #tpu.memory_space<vmem>>
      %dma_wait3A_386 = arith.constant 0 : i32
      %dma_wait3A_387 = arith.constant 0 : i32
      %dma_wait3A_388 = tpu.memref_slice %arg17[%dma_wait3A_386, %dma_wait3A_387] : memref<10240x64xf32, #tpu.memory_space<vmem_shared>> -> memref<10240x64xf32, #tpu.memory_space<vmem_shared>>
      tpu.wait_indirect_dma semaphore(%arg19 : memref<!tpu.dma_semaphore, #tpu.memory_space<semaphore_mem>>) src(%arg14 : memref<80x64xf32, #tpu.memory_space<vmem>>) dst(%dma_wait3A_388 : memref<10240x64xf32, #tpu.memory_space<vmem_shared>>)
      %add3A_389 = arith.constant 1 : i32
      %add3A_390 = arith.addi %scan3A_116, %add3A_389 : i32
      %lt3A_391 = arith.constant 32 : i32
      %lt3A_392 = arith.cmpi slt, %add3A_390, %lt3A_391 : i32
      %convert_element_type3A_393 = arith.extui %lt3A_392 : i1 to i32
      %cond3A_394 = arith.constant 0 : i32
      %cond3A_395 = arith.cmpi ne, %convert_element_type3A_393, %cond3A_394 : i32
      scf.if %cond3A_395 {
        %add3A_396 = arith.constant 8 : i32
        %add3A_397 = arith.addi %add3A_364, %add3A_396 : i32
        %sub3A_398 = arith.constant 1 : i32
        %sub3A_399 = arith.subi %add3A_397, %sub3A_398 : i32
        %dma_start3A_400 = arith.constant 0 : i32
        %dma_start3A_401 = tpu.memref_slice %arg6[%sub3A_399, %dma_start3A_400] : memref<256x80xi32, #tpu.memory_space<vmem>> -> memref<1x80xi32, #tpu.memory_space<vmem>>
        %dma_start3A_402 = tpu.memref_squeeze %dma_start3A_401 : memref<1x80xi32, #tpu.memory_space<vmem>> -> memref<80xi32, #tpu.memory_space<vmem>>
        %dma_start3A_403 = arith.constant 0 : i32
        %dma_start3A_404 = arith.constant 0 : i32
        %dma_start3A_405 = tpu.memref_slice %arg2[%arg0, %dma_start3A_403, %dma_start3A_404] : memref<2x10000x64xf32, #tpu.memory_space<hbm>> -> memref<1x10000x64xf32, #tpu.memory_space<hbm>>
        %dma_start3A_406 = tpu.memref_squeeze %dma_start3A_405 : memref<1x10000x64xf32, #tpu.memory_space<hbm>> -> memref<10000x64xf32, #tpu.memory_space<hbm>>
        %dma_start3A_407 = arith.constant 0 : i32
        %dma_start3A_408 = arith.constant 0 : i32
        %dma_start3A_409 = tpu.memref_slice %dma_start3A_406[%dma_start3A_407, %dma_start3A_408] : memref<10000x64xf32, #tpu.memory_space<hbm>> -> memref<10000x64xf32, #tpu.memory_space<hbm>>
        tpu.enqueue_indirect_dma source(%dma_start3A_409 : memref<10000x64xf32, #tpu.memory_space<hbm>>) target(%arg14 : memref<80x64xf32, #tpu.memory_space<vmem>>) offsets(%dma_start3A_402 : memref<80xi32, #tpu.memory_space<vmem>>) semaphore(%arg18 : memref<!tpu.dma_semaphore, #tpu.memory_space<semaphore_mem>>)
      } else {
      }
    }
    %scan3A_104 = arith.constant 32 : i32
    %dma_wait3A = arith.constant 255 : i32
    %dma_wait3A_105 = arith.constant 0 : i32
    %dma_wait3A_106 = tpu.memref_slice %arg7[%dma_wait3A, %dma_wait3A_105] : memref<256x80xi32, #tpu.memory_space<vmem>> -> memref<1x80xi32, #tpu.memory_space<vmem>>
    %dma_wait3A_107 = tpu.memref_squeeze %dma_wait3A_106 : memref<1x80xi32, #tpu.memory_space<vmem>> -> memref<80xi32, #tpu.memory_space<vmem>>
    %dma_wait3A_108 = arith.constant 0 : i32
    %dma_wait3A_109 = arith.constant 0 : i32
    %dma_wait3A_110 = tpu.memref_slice %arg17[%dma_wait3A_108, %dma_wait3A_109] : memref<10240x64xf32, #tpu.memory_space<vmem_shared>> -> memref<10240x64xf32, #tpu.memory_space<vmem_shared>>
    tpu.wait_indirect_dma semaphore(%arg19 : memref<!tpu.dma_semaphore, #tpu.memory_space<semaphore_mem>>) src(%arg15 : memref<80x64xf32, #tpu.memory_space<vmem>>) dst(%dma_wait3A_110 : memref<10240x64xf32, #tpu.memory_space<vmem_shared>>)
    %barrier3A_111 = arith.constant 0 : index
    tpu.barrier barrier_id(%barrier3A_111)
    %mul3A_112 = arith.constant 640 : i32
    %mul3A_113 = arith.muli %arg1, %mul3A_112 : i32
    %mul3A_114 = arith.constant 640 : i32
    %mul3A_115 = arith.muli %arg1, %mul3A_114 : i32
    "tpu.region"() ({
      %run_scoped3A = tpu.sem_alloc : memref<!tpu.dma_semaphore, #tpu.memory_space<semaphore_mem>>
      %dma_start3A_116 = arith.constant 0 : i32
      %dma_start3A_117 = tpu.memref_slice %arg5[%arg0, %mul3A_115, %dma_start3A_116] : memref<2x10240x64xf32, #tpu.memory_space<hbm>> -> memref<1x640x64xf32, #tpu.memory_space<hbm>>
      %dma_start3A_118 = tpu.memref_squeeze %dma_start3A_117 : memref<1x640x64xf32, #tpu.memory_space<hbm>> -> memref<640x64xf32, #tpu.memory_space<hbm>>
      %dma_start3A_119 = arith.constant 0 : i32
      %dma_start3A_120 = tpu.memref_slice %arg17[%mul3A_113, %dma_start3A_119] : memref<10240x64xf32, #tpu.memory_space<vmem_shared>> -> memref<640x64xf32, #tpu.memory_space<vmem_shared>>
      tpu.enqueue_dma source(%dma_start3A_120 : memref<640x64xf32, #tpu.memory_space<vmem_shared>>) target(%dma_start3A_118 : memref<640x64xf32, #tpu.memory_space<hbm>>) target_semaphore(%run_scoped3A : memref<!tpu.dma_semaphore, #tpu.memory_space<semaphore_mem>>)
      %dma_wait3A_121 = arith.constant 0 : i32
      %dma_wait3A_122 = tpu.memref_slice %arg5[%arg0, %mul3A_115, %dma_wait3A_121] : memref<2x10240x64xf32, #tpu.memory_space<hbm>> -> memref<1x640x64xf32, #tpu.memory_space<hbm>>
      %dma_wait3A_123 = tpu.memref_squeeze %dma_wait3A_122 : memref<1x640x64xf32, #tpu.memory_space<hbm>> -> memref<640x64xf32, #tpu.memory_space<hbm>>
      %dma_wait3A_124 = arith.constant 0 : i32
      %dma_wait3A_125 = tpu.memref_slice %arg17[%mul3A_113, %dma_wait3A_124] : memref<10240x64xf32, #tpu.memory_space<vmem_shared>> -> memref<640x64xf32, #tpu.memory_space<vmem_shared>>
      tpu.wait_dma2 semaphore(%run_scoped3A : memref<!tpu.dma_semaphore, #tpu.memory_space<semaphore_mem>>) src(%dma_wait3A_125 : memref<640x64xf32, #tpu.memory_space<vmem_shared>>) dst(%dma_wait3A_123 : memref<640x64xf32, #tpu.memory_space<hbm>>)
      tpu.yield
    }) : () -> ()
    return
  }
}

#map = affine_map<(d0, d1) -> (0, 0, 0)>
module attributes {stable_mosaic.version = 14 : i64} {
  func.func @_sc_pass_body(%arg0: i32, %arg1: i32, %arg2: memref<2x10000x64xf32, #tpu.memory_space<hbm>>, %arg3: memref<16x256x80xi32, #tpu.memory_space<hbm>>, %arg4: memref<16x256x80xi32, #tpu.memory_space<hbm>>, %arg5: memref<2x10240x64xf32, #tpu.memory_space<hbm>>, %arg6: memref<256x80xi32, #tpu.memory_space<vmem>>, %arg7: memref<256x80xi32, #tpu.memory_space<vmem>>, %arg8: memref<80x64xf32, #tpu.memory_space<vmem>>, %arg9: memref<80x64xf32, #tpu.memory_space<vmem>>, %arg10: memref<80x64xf32, #tpu.memory_space<vmem>>, %arg11: memref<80x64xf32, #tpu.memory_space<vmem>>, %arg12: memref<80x64xf32, #tpu.memory_space<vmem>>, %arg13: memref<80x64xf32, #tpu.memory_space<vmem>>, %arg14: memref<80x64xf32, #tpu.memory_space<vmem>>, %arg15: memref<80x64xf32, #tpu.memory_space<vmem>>, %arg16: memref<128x64xf32, #tpu.memory_space<vmem>>, %arg17: memref<10240x64xf32, #tpu.memory_space<vmem_shared>>, %arg18: memref<!tpu.dma_semaphore, #tpu.memory_space<semaphore_mem>>, %arg19: memref<!tpu.dma_semaphore, #tpu.memory_space<semaphore_mem>>) attributes {dimension_semantics = [#tpu.dimension_semantics<core_parallel>, #tpu.dimension_semantics<subcore_parallel>], iteration_bounds = array<i64: 2, 16>, scalar_prefetch = 0 : i64, scratch_operands = 14 : i64, tpu.core_type = #tpu.core_type<sc_vector_subcore>, window_params = [{transform_indices = #map}, {transform_indices = #map}, {transform_indices = #map}, {transform_indices = #map}]} {
    %scan3A = arith.constant 0 : i32
    %scan3A_0 = arith.constant 0 : i32
    %scan3A_1 = arith.constant 128 : i32
    %scan3A_2 = arith.addi %scan3A_0, %scan3A_1 : i32
    %scan3A_3 = arith.constant 1 : i32
    scf.for %scan3A_116 = %scan3A_0 to %scan3A_2 step %scan3A_3  : i32 {
      %broadcast_in_dim3A = arith.constant 0.000000e+00 : f32
      %broadcast_in_dim3A_117 = vector.broadcast %broadcast_in_dim3A : f32 to vector<16xf32>
      %swap3A = arith.index_cast %scan3A_116 : i32 to index
      %swap3A_118 = arith.constant 0 : index
      %swap3A_119 = tpu.vector_load %arg16[%swap3A, %swap3A_118] {strides = array<i32>} : memref<128x64xf32, #tpu.memory_space<vmem>>, vector<1x16xf32>,
      %swap3A_120 = vector.shape_cast %swap3A_119 : vector<1x16xf32> to vector<16xf32>
      %swap3A_121 = vector.shape_cast %broadcast_in_dim3A_117 : vector<16xf32> to vector<1x16xf32>
      tpu.vector_store %arg16[%swap3A, %swap3A_118], %swap3A_121 {strides = array<i32>} : memref<128x64xf32, #tpu.memory_space<vmem>>, vector<1x16xf32>,
      %broadcast_in_dim3A_122 = arith.constant 0.000000e+00 : f32
      %broadcast_in_dim3A_123 = vector.broadcast %broadcast_in_dim3A_122 : f32 to vector<16xf32>
      %swap3A_124 = arith.index_cast %scan3A_116 : i32 to index
      %swap3A_125 = arith.constant 16 : index
      %swap3A_126 = tpu.vector_load %arg16[%swap3A_124, %swap3A_125] {strides = array<i32>} : memref<128x64xf32, #tpu.memory_space<vmem>>, vector<1x16xf32>,
      %swap3A_127 = vector.shape_cast %swap3A_126 : vector<1x16xf32> to vector<16xf32>
      %swap3A_128 = vector.shape_cast %broadcast_in_dim3A_123 : vector<16xf32> to vector<1x16xf32>
      tpu.vector_store %arg16[%swap3A_124, %swap3A_125], %swap3A_128 {strides = array<i32>} : memref<128x64xf32, #tpu.memory_space<vmem>>, vector<1x16xf32>,
      %broadcast_in_dim3A_129 = arith.constant 0.000000e+00 : f32
      %broadcast_in_dim3A_130 = vector.broadcast %broadcast_in_dim3A_129 : f32 to vector<16xf32>
      %swap3A_131 = arith.index_cast %scan3A_116 : i32 to index
      %swap3A_132 = arith.constant 32 : index
      %swap3A_133 = tpu.vector_load %arg16[%swap3A_131, %swap3A_132] {strides = array<i32>} : memref<128x64xf32, #tpu.memory_space<vmem>>, vector<1x16xf32>,
      %swap3A_134 = vector.shape_cast %swap3A_133 : vector<1x16xf32> to vector<16xf32>
      %swap3A_135 = vector.shape_cast %broadcast_in_dim3A_130 : vector<16xf32> to vector<1x16xf32>
      tpu.vector_store %arg16[%swap3A_131, %swap3A_132], %swap3A_135 {strides = array<i32>} : memref<128x64xf32, #tpu.memory_space<vmem>>, vector<1x16xf32>,
      %broadcast_in_dim3A_136 = arith.constant 0.000000e+00 : f32
      %broadcast_in_dim3A_137 = vector.broadcast %broadcast_in_dim3A_136 : f32 to vector<16xf32>
      %swap3A_138 = arith.index_cast %scan3A_116 : i32 to index
      %swap3A_139 = arith.constant 48 : index
      %swap3A_140 = tpu.vector_load %arg16[%swap3A_138, %swap3A_139] {strides = array<i32>} : memref<128x64xf32, #tpu.memory_space<vmem>>, vector<1x16xf32>,
      %swap3A_141 = vector.shape_cast %swap3A_140 : vector<1x16xf32> to vector<16xf32>
      %swap3A_142 = vector.shape_cast %broadcast_in_dim3A_137 : vector<16xf32> to vector<1x16xf32>
      tpu.vector_store %arg16[%swap3A_138, %swap3A_139], %swap3A_142 {strides = array<i32>} : memref<128x64xf32, #tpu.memory_space<vmem>>, vector<1x16xf32>,
    }
    %scan3A_4 = arith.constant 128 : i32
    %mul3A = arith.constant 640 : i32
    %mul3A_5 = arith.muli %arg1, %mul3A : i32
    %add3A = arith.constant 0 : i32
    %add3A_6 = arith.addi %mul3A_5, %add3A : i32
    "tpu.region"() ({
      %run_scoped3A = tpu.sem_alloc : memref<!tpu.dma_semaphore, #tpu.memory_space<semaphore_mem>>
      %dma_start3A_116 = arith.constant 0 : i32
      %dma_start3A_117 = tpu.memref_slice %arg17[%add3A_6, %dma_start3A_116] : memref<10240x64xf32, #tpu.memory_space<vmem_shared>> -> memref<128x64xf32, #tpu.memory_space<vmem_shared>>
      %dma_start3A_118 = arith.constant 0 : i32
      %dma_start3A_119 = tpu.memref_slice %arg17[%add3A_6, %dma_start3A_118] : memref<10240x64xf32, #tpu.memory_space<vmem_shared>> -> memref<128x64xf32, #tpu.memory_space<vmem_shared>>
      tpu.enqueue_dma source(%arg16 : memref<128x64xf32, #tpu.memory_space<vmem>>) target(%dma_start3A_119 : memref<128x64xf32, #tpu.memory_space<vmem_shared>>) target_semaphore(%run_scoped3A : memref<!tpu.dma_semaphore, #tpu.memory_space<semaphore_mem>>)
      %dma_wait3A_120 = arith.constant 0 : i32
      %dma_wait3A_121 = tpu.memref_slice %arg17[%add3A_6, %dma_wait3A_120] : memref<10240x64xf32, #tpu.memory_space<vmem_shared>> -> memref<128x64xf32, #tpu.memory_space<vmem_shared>>
      %dma_wait3A_122 = arith.constant 0 : i32
      %dma_wait3A_123 = tpu.memref_slice %arg17[%add3A_6, %dma_wait3A_122] : memref<10240x64xf32, #tpu.memory_space<vmem_shared>> -> memref<128x64xf32, #tpu.memory_space<vmem_shared>>
      tpu.wait_dma2 semaphore(%run_scoped3A : memref<!tpu.dma_semaphore, #tpu.memory_space<semaphore_mem>>) src(%arg16 : memref<128x64xf32, #tpu.memory_space<vmem>>) dst(%dma_wait3A_123 : memref<128x64xf32, #tpu.memory_space<vmem_shared>>)
      tpu.yield
    }) : () -> ()
    %mul3A_7 = arith.constant 640 : i32
    %mul3A_8 = arith.muli %arg1, %mul3A_7 : i32
    %add3A_9 = arith.constant 128 : i32
    %add3A_10 = arith.addi %mul3A_8, %add3A_9 : i32
    "tpu.region"() ({
      %run_scoped3A = tpu.sem_alloc : memref<!tpu.dma_semaphore, #tpu.memory_space<semaphore_mem>>
      %dma_start3A_116 = arith.constant 0 : i32
      %dma_start3A_117 = tpu.memref_slice %arg17[%add3A_10, %dma_start3A_116] : memref<10240x64xf32, #tpu.memory_space<vmem_shared>> -> memref<128x64xf32, #tpu.memory_space<vmem_shared>>
      %dma_start3A_118 = arith.constant 0 : i32
      %dma_start3A_119 = tpu.memref_slice %arg17[%add3A_10, %dma_start3A_118] : memref<10240x64xf32, #tpu.memory_space<vmem_shared>> -> memref<128x64xf32, #tpu.memory_space<vmem_shared>>
      tpu.enqueue_dma source(%arg16 : memref<128x64xf32, #tpu.memory_space<vmem>>) target(%dma_start3A_119 : memref<128x64xf32, #tpu.memory_space<vmem_shared>>) target_semaphore(%run_scoped3A : memref<!tpu.dma_semaphore, #tpu.memory_space<semaphore_mem>>)
      %dma_wait3A_120 = arith.constant 0 : i32
      %dma_wait3A_121 = tpu.memref_slice %arg17[%add3A_10, %dma_wait3A_120] : memref<10240x64xf32, #tpu.memory_space<vmem_shared>> -> memref<128x64xf32, #tpu.memory_space<vmem_shared>>
      %dma_wait3A_122 = arith.constant 0 : i32
      %dma_wait3A_123 = tpu.memref_slice %arg17[%add3A_10, %dma_wait3A_122] : memref<10240x64xf32, #tpu.memory_space<vmem_shared>> -> memref<128x64xf32, #tpu.memory_space<vmem_shared>>
      tpu.wait_dma2 semaphore(%run_scoped3A : memref<!tpu.dma_semaphore, #tpu.memory_space<semaphore_mem>>) src(%arg16 : memref<128x64xf32, #tpu.memory_space<vmem>>) dst(%dma_wait3A_123 : memref<128x64xf32, #tpu.memory_space<vmem_shared>>)
      tpu.yield
    }) : () -> ()
    %mul3A_11 = arith.constant 640 : i32
    %mul3A_12 = arith.muli %arg1, %mul3A_11 : i32
    %add3A_13 = arith.constant 256 : i32
    %add3A_14 = arith.addi %mul3A_12, %add3A_13 : i32
    "tpu.region"() ({
      %run_scoped3A = tpu.sem_alloc : memref<!tpu.dma_semaphore, #tpu.memory_space<semaphore_mem>>
      %dma_start3A_116 = arith.constant 0 : i32
      %dma_start3A_117 = tpu.memref_slice %arg17[%add3A_14, %dma_start3A_116] : memref<10240x64xf32, #tpu.memory_space<vmem_shared>> -> memref<128x64xf32, #tpu.memory_space<vmem_shared>>
      %dma_start3A_118 = arith.constant 0 : i32
      %dma_start3A_119 = tpu.memref_slice %arg17[%add3A_14, %dma_start3A_118] : memref<10240x64xf32, #tpu.memory_space<vmem_shared>> -> memref<128x64xf32, #tpu.memory_space<vmem_shared>>
      tpu.enqueue_dma source(%arg16 : memref<128x64xf32, #tpu.memory_space<vmem>>) target(%dma_start3A_119 : memref<128x64xf32, #tpu.memory_space<vmem_shared>>) target_semaphore(%run_scoped3A : memref<!tpu.dma_semaphore, #tpu.memory_space<semaphore_mem>>)
      %dma_wait3A_120 = arith.constant 0 : i32
      %dma_wait3A_121 = tpu.memref_slice %arg17[%add3A_14, %dma_wait3A_120] : memref<10240x64xf32, #tpu.memory_space<vmem_shared>> -> memref<128x64xf32, #tpu.memory_space<vmem_shared>>
      %dma_wait3A_122 = arith.constant 0 : i32
      %dma_wait3A_123 = tpu.memref_slice %arg17[%add3A_14, %dma_wait3A_122] : memref<10240x64xf32, #tpu.memory_space<vmem_shared>> -> memref<128x64xf32, #tpu.memory_space<vmem_shared>>
      tpu.wait_dma2 semaphore(%run_scoped3A : memref<!tpu.dma_semaphore, #tpu.memory_space<semaphore_mem>>) src(%arg16 : memref<128x64xf32, #tpu.memory_space<vmem>>) dst(%dma_wait3A_123 : memref<128x64xf32, #tpu.memory_space<vmem_shared>>)
      tpu.yield
    }) : () -> ()
    %mul3A_15 = arith.constant 640 : i32
    %mul3A_16 = arith.muli %arg1, %mul3A_15 : i32
    %add3A_17 = arith.constant 384 : i32
    %add3A_18 = arith.addi %mul3A_16, %add3A_17 : i32
    "tpu.region"() ({
      %run_scoped3A = tpu.sem_alloc : memref<!tpu.dma_semaphore, #tpu.memory_space<semaphore_mem>>
      %dma_start3A_116 = arith.constant 0 : i32
      %dma_start3A_117 = tpu.memref_slice %arg17[%add3A_18, %dma_start3A_116] : memref<10240x64xf32, #tpu.memory_space<vmem_shared>> -> memref<128x64xf32, #tpu.memory_space<vmem_shared>>
      %dma_start3A_118 = arith.constant 0 : i32
      %dma_start3A_119 = tpu.memref_slice %arg17[%add3A_18, %dma_start3A_118] : memref<10240x64xf32, #tpu.memory_space<vmem_shared>> -> memref<128x64xf32, #tpu.memory_space<vmem_shared>>
      tpu.enqueue_dma source(%arg16 : memref<128x64xf32, #tpu.memory_space<vmem>>) target(%dma_start3A_119 : memref<128x64xf32, #tpu.memory_space<vmem_shared>>) target_semaphore(%run_scoped3A : memref<!tpu.dma_semaphore, #tpu.memory_space<semaphore_mem>>)
      %dma_wait3A_120 = arith.constant 0 : i32
      %dma_wait3A_121 = tpu.memref_slice %arg17[%add3A_18, %dma_wait3A_120] : memref<10240x64xf32, #tpu.memory_space<vmem_shared>> -> memref<128x64xf32, #tpu.memory_space<vmem_shared>>
      %dma_wait3A_122 = arith.constant 0 : i32
      %dma_wait3A_123 = tpu.memref_slice %arg17[%add3A_18, %dma_wait3A_122] : memref<10240x64xf32, #tpu.memory_space<vmem_shared>> -> memref<128x64xf32, #tpu.memory_space<vmem_shared>>
      tpu.wait_dma2 semaphore(%run_scoped3A : memref<!tpu.dma_semaphore, #tpu.memory_space<semaphore_mem>>) src(%arg16 : memref<128x64xf32, #tpu.memory_space<vmem>>) dst(%dma_wait3A_123 : memref<128x64xf32, #tpu.memory_space<vmem_shared>>)
      tpu.yield
    }) : () -> ()
    %mul3A_19 = arith.constant 640 : i32
    %mul3A_20 = arith.muli %arg1, %mul3A_19 : i32
    %add3A_21 = arith.constant 512 : i32
    %add3A_22 = arith.addi %mul3A_20, %add3A_21 : i32
    "tpu.region"() ({
      %run_scoped3A = tpu.sem_alloc : memref<!tpu.dma_semaphore, #tpu.memory_space<semaphore_mem>>
      %dma_start3A_116 = arith.constant 0 : i32
      %dma_start3A_117 = tpu.memref_slice %arg17[%add3A_22, %dma_start3A_116] : memref<10240x64xf32, #tpu.memory_space<vmem_shared>> -> memref<128x64xf32, #tpu.memory_space<vmem_shared>>
      %dma_start3A_118 = arith.constant 0 : i32
      %dma_start3A_119 = tpu.memref_slice %arg17[%add3A_22, %dma_start3A_118] : memref<10240x64xf32, #tpu.memory_space<vmem_shared>> -> memref<128x64xf32, #tpu.memory_space<vmem_shared>>
      tpu.enqueue_dma source(%arg16 : memref<128x64xf32, #tpu.memory_space<vmem>>) target(%dma_start3A_119 : memref<128x64xf32, #tpu.memory_space<vmem_shared>>) target_semaphore(%run_scoped3A : memref<!tpu.dma_semaphore, #tpu.memory_space<semaphore_mem>>)
      %dma_wait3A_120 = arith.constant 0 : i32
      %dma_wait3A_121 = tpu.memref_slice %arg17[%add3A_22, %dma_wait3A_120] : memref<10240x64xf32, #tpu.memory_space<vmem_shared>> -> memref<128x64xf32, #tpu.memory_space<vmem_shared>>
      %dma_wait3A_122 = arith.constant 0 : i32
      %dma_wait3A_123 = tpu.memref_slice %arg17[%add3A_22, %dma_wait3A_122] : memref<10240x64xf32, #tpu.memory_space<vmem_shared>> -> memref<128x64xf32, #tpu.memory_space<vmem_shared>>
      tpu.wait_dma2 semaphore(%run_scoped3A : memref<!tpu.dma_semaphore, #tpu.memory_space<semaphore_mem>>) src(%arg16 : memref<128x64xf32, #tpu.memory_space<vmem>>) dst(%dma_wait3A_123 : memref<128x64xf32, #tpu.memory_space<vmem_shared>>)
      tpu.yield
    }) : () -> ()
    %barrier3A = arith.constant 0 : index
    tpu.barrier barrier_id(%barrier3A)
    "tpu.region"() ({
      %run_scoped3A = tpu.sem_alloc : memref<!tpu.dma_semaphore, #tpu.memory_space<semaphore_mem>>
      %dma_start3A_116 = arith.constant 0 : i32
      %dma_start3A_117 = arith.constant 0 : i32
      %dma_start3A_118 = tpu.memref_slice %arg3[%arg1, %dma_start3A_116, %dma_start3A_117] : memref<16x256x80xi32, #tpu.memory_space<hbm>> -> memref<1x256x80xi32, #tpu.memory_space<hbm>>
      %dma_start3A_119 = tpu.memref_squeeze %dma_start3A_118 : memref<1x256x80xi32, #tpu.memory_space<hbm>> -> memref<256x80xi32, #tpu.memory_space<hbm>>
      %dma_start3A_120 = arith.constant 0 : i32
      %dma_start3A_121 = arith.constant 0 : i32
      %dma_start3A_122 = tpu.memref_slice %arg3[%arg1, %dma_start3A_120, %dma_start3A_121] : memref<16x256x80xi32, #tpu.memory_space<hbm>> -> memref<1x256x80xi32, #tpu.memory_space<hbm>>
      %dma_start3A_123 = tpu.memref_squeeze %dma_start3A_122 : memref<1x256x80xi32, #tpu.memory_space<hbm>> -> memref<256x80xi32, #tpu.memory_space<hbm>>
      tpu.enqueue_dma source(%dma_start3A_123 : memref<256x80xi32, #tpu.memory_space<hbm>>) target(%arg6 : memref<256x80xi32, #tpu.memory_space<vmem>>) target_semaphore(%run_scoped3A : memref<!tpu.dma_semaphore, #tpu.memory_space<semaphore_mem>>)
      %dma_wait3A_124 = arith.constant 0 : i32
      %dma_wait3A_125 = arith.constant 0 : i32
      %dma_wait3A_126 = tpu.memref_slice %arg3[%arg1, %dma_wait3A_124, %dma_wait3A_125] : memref<16x256x80xi32, #tpu.memory_space<hbm>> -> memref<1x256x80xi32, #tpu.memory_space<hbm>>
      %dma_wait3A_127 = tpu.memref_squeeze %dma_wait3A_126 : memref<1x256x80xi32, #tpu.memory_space<hbm>> -> memref<256x80xi32, #tpu.memory_space<hbm>>
      %dma_wait3A_128 = arith.constant 0 : i32
      %dma_wait3A_129 = arith.constant 0 : i32
      %dma_wait3A_130 = tpu.memref_slice %arg3[%arg1, %dma_wait3A_128, %dma_wait3A_129] : memref<16x256x80xi32, #tpu.memory_space<hbm>> -> memref<1x256x80xi32, #tpu.memory_space<hbm>>
      %dma_wait3A_131 = tpu.memref_squeeze %dma_wait3A_130 : memref<1x256x80xi32, #tpu.memory_space<hbm>> -> memref<256x80xi32, #tpu.memory_space<hbm>>
      tpu.wait_dma2 semaphore(%run_scoped3A : memref<!tpu.dma_semaphore, #tpu.memory_space<semaphore_mem>>) src(%dma_wait3A_131 : memref<256x80xi32, #tpu.memory_space<hbm>>) dst(%arg6 : memref<256x80xi32, #tpu.memory_space<vmem>>)
      tpu.yield
    }) : () -> ()
    "tpu.region"() ({
      %run_scoped3A = tpu.sem_alloc : memref<!tpu.dma_semaphore, #tpu.memory_space<semaphore_mem>>
      %dma_start3A_116 = arith.constant 0 : i32
      %dma_start3A_117 = arith.constant 0 : i32
      %dma_start3A_118 = tpu.memref_slice %arg4[%arg1, %dma_start3A_116, %dma_start3A_117] : memref<16x256x80xi32, #tpu.memory_space<hbm>> -> memref<1x256x80xi32, #tpu.memory_space<hbm>>
      %dma_start3A_119 = tpu.memref_squeeze %dma_start3A_118 : memref<1x256x80xi32, #tpu.memory_space<hbm>> -> memref<256x80xi32, #tpu.memory_space<hbm>>
      %dma_start3A_120 = arith.constant 0 : i32
      %dma_start3A_121 = arith.constant 0 : i32
      %dma_start3A_122 = tpu.memref_slice %arg4[%arg1, %dma_start3A_120, %dma_start3A_121] : memref<16x256x80xi32, #tpu.memory_space<hbm>> -> memref<1x256x80xi32, #tpu.memory_space<hbm>>
      %dma_start3A_123 = tpu.memref_squeeze %dma_start3A_122 : memref<1x256x80xi32, #tpu.memory_space<hbm>> -> memref<256x80xi32, #tpu.memory_space<hbm>>
      tpu.enqueue_dma source(%dma_start3A_123 : memref<256x80xi32, #tpu.memory_space<hbm>>) target(%arg7 : memref<256x80xi32, #tpu.memory_space<vmem>>) target_semaphore(%run_scoped3A : memref<!tpu.dma_semaphore, #tpu.memory_space<semaphore_mem>>)
      %dma_wait3A_124 = arith.constant 0 : i32
      %dma_wait3A_125 = arith.constant 0 : i32
      %dma_wait3A_126 = tpu.memref_slice %arg4[%arg1, %dma_wait3A_124, %dma_wait3A_125] : memref<16x256x80xi32, #tpu.memory_space<hbm>> -> memref<1x256x80xi32, #tpu.memory_space<hbm>>
      %dma_wait3A_127 = tpu.memref_squeeze %dma_wait3A_126 : memref<1x256x80xi32, #tpu.memory_space<hbm>> -> memref<256x80xi32, #tpu.memory_space<hbm>>
      %dma_wait3A_128 = arith.constant 0 : i32
      %dma_wait3A_129 = arith.constant 0 : i32
      %dma_wait3A_130 = tpu.memref_slice %arg4[%arg1, %dma_wait3A_128, %dma_wait3A_129] : memref<16x256x80xi32, #tpu.memory_space<hbm>> -> memref<1x256x80xi32, #tpu.memory_space<hbm>>
      %dma_wait3A_131 = tpu.memref_squeeze %dma_wait3A_130 : memref<1x256x80xi32, #tpu.memory_space<hbm>> -> memref<256x80xi32, #tpu.memory_space<hbm>>
      tpu.wait_dma2 semaphore(%run_scoped3A : memref<!tpu.dma_semaphore, #tpu.memory_space<semaphore_mem>>) src(%dma_wait3A_131 : memref<256x80xi32, #tpu.memory_space<hbm>>) dst(%arg7 : memref<256x80xi32, #tpu.memory_space<vmem>>)
      tpu.yield
    }) : () -> ()
    %dma_start3A = arith.constant 0 : i32
    %dma_start3A_23 = arith.constant 0 : i32
    %dma_start3A_24 = tpu.memref_slice %arg6[%dma_start3A, %dma_start3A_23] : memref<256x80xi32, #tpu.memory_space<vmem>> -> memref<1x80xi32, #tpu.memory_space<vmem>>
    %dma_start3A_25 = tpu.memref_squeeze %dma_start3A_24 : memref<1x80xi32, #tpu.memory_space<vmem>> -> memref<80xi32, #tpu.memory_space<vmem>>
    %dma_start3A_26 = arith.constant 0 : i32
    %dma_start3A_27 = arith.constant 0 : i32
    %dma_start3A_28 = tpu.memref_slice %arg2[%arg0, %dma_start3A_26, %dma_start3A_27] : memref<2x10000x64xf32, #tpu.memory_space<hbm>> -> memref<1x10000x64xf32, #tpu.memory_space<hbm>>
    %dma_start3A_29 = tpu.memref_squeeze %dma_start3A_28 : memref<1x10000x64xf32, #tpu.memory_space<hbm>> -> memref<10000x64xf32, #tpu.memory_space<hbm>>
    %dma_start3A_30 = arith.constant 0 : i32
    %dma_start3A_31 = arith.constant 0 : i32
    %dma_start3A_32 = tpu.memref_slice %dma_start3A_29[%dma_start3A_30, %dma_start3A_31] : memref<10000x64xf32, #tpu.memory_space<hbm>> -> memref<10000x64xf32, #tpu.memory_space<hbm>>
    tpu.enqueue_indirect_dma source(%dma_start3A_32 : memref<10000x64xf32, #tpu.memory_space<hbm>>) target(%arg8 : memref<80x64xf32, #tpu.memory_space<vmem>>) offsets(%dma_start3A_25 : memref<80xi32, #tpu.memory_space<vmem>>) semaphore(%arg18 : memref<!tpu.dma_semaphore, #tpu.memory_space<semaphore_mem>>)
    %dma_start3A_33 = arith.constant 1 : i32
    %dma_start3A_34 = arith.constant 0 : i32
    %dma_start3A_35 = tpu.memref_slice %arg6[%dma_start3A_33, %dma_start3A_34] : memref<256x80xi32, #tpu.memory_space<vmem>> -> memref<1x80xi32, #tpu.memory_space<vmem>>
    %dma_start3A_36 = tpu.memref_squeeze %dma_start3A_35 : memref<1x80xi32, #tpu.memory_space<vmem>> -> memref<80xi32, #tpu.memory_space<vmem>>
    %dma_start3A_37 = arith.constant 0 : i32
    %dma_start3A_38 = arith.constant 0 : i32
    %dma_start3A_39 = tpu.memref_slice %arg2[%arg0, %dma_start3A_37, %dma_start3A_38] : memref<2x10000x64xf32, #tpu.memory_space<hbm>> -> memref<1x10000x64xf32, #tpu.memory_space<hbm>>
    %dma_start3A_40 = tpu.memref_squeeze %dma_start3A_39 : memref<1x10000x64xf32, #tpu.memory_space<hbm>> -> memref<10000x64xf32, #tpu.memory_space<hbm>>
    %dma_start3A_41 = arith.constant 0 : i32
    %dma_start3A_42 = arith.constant 0 : i32
    %dma_start3A_43 = tpu.memref_slice %dma_start3A_40[%dma_start3A_41, %dma_start3A_42] : memref<10000x64xf32, #tpu.memory_space<hbm>> -> memref<10000x64xf32, #tpu.memory_space<hbm>>
    tpu.enqueue_indirect_dma source(%dma_start3A_43 : memref<10000x64xf32, #tpu.memory_space<hbm>>) target(%arg9 : memref<80x64xf32, #tpu.memory_space<vmem>>) offsets(%dma_start3A_36 : memref<80xi32, #tpu.memory_space<vmem>>) semaphore(%arg18 : memref<!tpu.dma_semaphore, #tpu.memory_space<semaphore_mem>>)
    %dma_start3A_44 = arith.constant 2 : i32
    %dma_start3A_45 = arith.constant 0 : i32
    %dma_start3A_46 = tpu.memref_slice %arg6[%dma_start3A_44, %dma_start3A_45] : memref<256x80xi32, #tpu.memory_space<vmem>> -> memref<1x80xi32, #tpu.memory_space<vmem>>
    %dma_start3A_47 = tpu.memref_squeeze %dma_start3A_46 : memref<1x80xi32, #tpu.memory_space<vmem>> -> memref<80xi32, #tpu.memory_space<vmem>>
    %dma_start3A_48 = arith.constant 0 : i32
    %dma_start3A_49 = arith.constant 0 : i32
    %dma_start3A_50 = tpu.memref_slice %arg2[%arg0, %dma_start3A_48, %dma_start3A_49] : memref<2x10000x64xf32, #tpu.memory_space<hbm>> -> memref<1x10000x64xf32, #tpu.memory_space<hbm>>
    %dma_start3A_51 = tpu.memref_squeeze %dma_start3A_50 : memref<1x10000x64xf32, #tpu.memory_space<hbm>> -> memref<10000x64xf32, #tpu.memory_space<hbm>>
    %dma_start3A_52 = arith.constant 0 : i32
    %dma_start3A_53 = arith.constant 0 : i32
    %dma_start3A_54 = tpu.memref_slice %dma_start3A_51[%dma_start3A_52, %dma_start3A_53] : memref<10000x64xf32, #tpu.memory_space<hbm>> -> memref<10000x64xf32, #tpu.memory_space<hbm>>
    tpu.enqueue_indirect_dma source(%dma_start3A_54 : memref<10000x64xf32, #tpu.memory_space<hbm>>) target(%arg10 : memref<80x64xf32, #tpu.memory_space<vmem>>) offsets(%dma_start3A_47 : memref<80xi32, #tpu.memory_space<vmem>>) semaphore(%arg18 : memref<!tpu.dma_semaphore, #tpu.memory_space<semaphore_mem>>)
    %dma_start3A_55 = arith.constant 3 : i32
    %dma_start3A_56 = arith.constant 0 : i32
    %dma_start3A_57 = tpu.memref_slice %arg6[%dma_start3A_55, %dma_start3A_56] : memref<256x80xi32, #tpu.memory_space<vmem>> -> memref<1x80xi32, #tpu.memory_space<vmem>>
    %dma_start3A_58 = tpu.memref_squeeze %dma_start3A_57 : memref<1x80xi32, #tpu.memory_space<vmem>> -> memref<80xi32, #tpu.memory_space<vmem>>
    %dma_start3A_59 = arith.constant 0 : i32
    %dma_start3A_60 = arith.constant 0 : i32
    %dma_start3A_61 = tpu.memref_slice %arg2[%arg0, %dma_start3A_59, %dma_start3A_60] : memref<2x10000x64xf32, #tpu.memory_space<hbm>> -> memref<1x10000x64xf32, #tpu.memory_space<hbm>>
    %dma_start3A_62 = tpu.memref_squeeze %dma_start3A_61 : memref<1x10000x64xf32, #tpu.memory_space<hbm>> -> memref<10000x64xf32, #tpu.memory_space<hbm>>
    %dma_start3A_63 = arith.constant 0 : i32
    %dma_start3A_64 = arith.constant 0 : i32
    %dma_start3A_65 = tpu.memref_slice %dma_start3A_62[%dma_start3A_63, %dma_start3A_64] : memref<10000x64xf32, #tpu.memory_space<hbm>> -> memref<10000x64xf32, #tpu.memory_space<hbm>>
    tpu.enqueue_indirect_dma source(%dma_start3A_65 : memref<10000x64xf32, #tpu.memory_space<hbm>>) target(%arg11 : memref<80x64xf32, #tpu.memory_space<vmem>>) offsets(%dma_start3A_58 : memref<80xi32, #tpu.memory_space<vmem>>) semaphore(%arg18 : memref<!tpu.dma_semaphore, #tpu.memory_space<semaphore_mem>>)
    %dma_start3A_66 = arith.constant 4 : i32
    %dma_start3A_67 = arith.constant 0 : i32
    %dma_start3A_68 = tpu.memref_slice %arg6[%dma_start3A_66, %dma_start3A_67] : memref<256x80xi32, #tpu.memory_space<vmem>> -> memref<1x80xi32, #tpu.memory_space<vmem>>
    %dma_start3A_69 = tpu.memref_squeeze %dma_start3A_68 : memref<1x80xi32, #tpu.memory_space<vmem>> -> memref<80xi32, #tpu.memory_space<vmem>>
    %dma_start3A_70 = arith.constant 0 : i32
    %dma_start3A_71 = arith.constant 0 : i32
    %dma_start3A_72 = tpu.memref_slice %arg2[%arg0, %dma_start3A_70, %dma_start3A_71] : memref<2x10000x64xf32, #tpu.memory_space<hbm>> -> memref<1x10000x64xf32, #tpu.memory_space<hbm>>
    %dma_start3A_73 = tpu.memref_squeeze %dma_start3A_72 : memref<1x10000x64xf32, #tpu.memory_space<hbm>> -> memref<10000x64xf32, #tpu.memory_space<hbm>>
    %dma_start3A_74 = arith.constant 0 : i32
    %dma_start3A_75 = arith.constant 0 : i32
    %dma_start3A_76 = tpu.memref_slice %dma_start3A_73[%dma_start3A_74, %dma_start3A_75] : memref<10000x64xf32, #tpu.memory_space<hbm>> -> memref<10000x64xf32, #tpu.memory_space<hbm>>
    tpu.enqueue_indirect_dma source(%dma_start3A_76 : memref<10000x64xf32, #tpu.memory_space<hbm>>) target(%arg12 : memref<80x64xf32, #tpu.memory_space<vmem>>) offsets(%dma_start3A_69 : memref<80xi32, #tpu.memory_space<vmem>>) semaphore(%arg18 : memref<!tpu.dma_semaphore, #tpu.memory_space<semaphore_mem>>)
    %dma_start3A_77 = arith.constant 5 : i32
    %dma_start3A_78 = arith.constant 0 : i32
    %dma_start3A_79 = tpu.memref_slice %arg6[%dma_start3A_77, %dma_start3A_78] : memref<256x80xi32, #tpu.memory_space<vmem>> -> memref<1x80xi32, #tpu.memory_space<vmem>>
    %dma_start3A_80 = tpu.memref_squeeze %dma_start3A_79 : memref<1x80xi32, #tpu.memory_space<vmem>> -> memref<80xi32, #tpu.memory_space<vmem>>
    %dma_start3A_81 = arith.constant 0 : i32
    %dma_start3A_82 = arith.constant 0 : i32
    %dma_start3A_83 = tpu.memref_slice %arg2[%arg0, %dma_start3A_81, %dma_start3A_82] : memref<2x10000x64xf32, #tpu.memory_space<hbm>> -> memref<1x10000x64xf32, #tpu.memory_space<hbm>>
    %dma_start3A_84 = tpu.memref_squeeze %dma_start3A_83 : memref<1x10000x64xf32, #tpu.memory_space<hbm>> -> memref<10000x64xf32, #tpu.memory_space<hbm>>
    %dma_start3A_85 = arith.constant 0 : i32
    %dma_start3A_86 = arith.constant 0 : i32
    %dma_start3A_87 = tpu.memref_slice %dma_start3A_84[%dma_start3A_85, %dma_start3A_86] : memref<10000x64xf32, #tpu.memory_space<hbm>> -> memref<10000x64xf32, #tpu.memory_space<hbm>>
    tpu.enqueue_indirect_dma source(%dma_start3A_87 : memref<10000x64xf32, #tpu.memory_space<hbm>>) target(%arg13 : memref<80x64xf32, #tpu.memory_space<vmem>>) offsets(%dma_start3A_80 : memref<80xi32, #tpu.memory_space<vmem>>) semaphore(%arg18 : memref<!tpu.dma_semaphore, #tpu.memory_space<semaphore_mem>>)
    %dma_start3A_88 = arith.constant 6 : i32
    %dma_start3A_89 = arith.constant 0 : i32
    %dma_start3A_90 = tpu.memref_slice %arg6[%dma_start3A_88, %dma_start3A_89] : memref<256x80xi32, #tpu.memory_space<vmem>> -> memref<1x80xi32, #tpu.memory_space<vmem>>
    %dma_start3A_91 = tpu.memref_squeeze %dma_start3A_90 : memref<1x80xi32, #tpu.memory_space<vmem>> -> memref<80xi32, #tpu.memory_space<vmem>>
    %dma_start3A_92 = arith.constant 0 : i32
    %dma_start3A_93 = arith.constant 0 : i32
    %dma_start3A_94 = tpu.memref_slice %arg2[%arg0, %dma_start3A_92, %dma_start3A_93] : memref<2x10000x64xf32, #tpu.memory_space<hbm>> -> memref<1x10000x64xf32, #tpu.memory_space<hbm>>
    %dma_start3A_95 = tpu.memref_squeeze %dma_start3A_94 : memref<1x10000x64xf32, #tpu.memory_space<hbm>> -> memref<10000x64xf32, #tpu.memory_space<hbm>>
    %dma_start3A_96 = arith.constant 0 : i32
    %dma_start3A_97 = arith.constant 0 : i32
    %dma_start3A_98 = tpu.memref_slice %dma_start3A_95[%dma_start3A_96, %dma_start3A_97] : memref<10000x64xf32, #tpu.memory_space<hbm>> -> memref<10000x64xf32, #tpu.memory_space<hbm>>
    tpu.enqueue_indirect_dma source(%dma_start3A_98 : memref<10000x64xf32, #tpu.memory_space<hbm>>) target(%arg14 : memref<80x64xf32, #tpu.memory_space<vmem>>) offsets(%dma_start3A_91 : memref<80xi32, #tpu.memory_space<vmem>>) semaphore(%arg18 : memref<!tpu.dma_semaphore, #tpu.memory_space<semaphore_mem>>)
    %scan3A_99 = arith.constant 0 : i32
    %scan3A_100 = arith.constant 0 : i32
    %scan3A_101 = arith.constant 32 : i32
    %scan3A_102 = arith.addi %scan3A_100, %scan3A_101 : i32
    %scan3A_103 = arith.constant 1 : i32
    scf.for %scan3A_116 = %scan3A_100 to %scan3A_102 step %scan3A_103  : i32 {
      %mul3A_117 = arith.constant 8 : i32
      %mul3A_118 = arith.muli %scan3A_116, %mul3A_117 : i32
      %add3A_119 = arith.constant 0 : i32
      %add3A_120 = arith.addi %mul3A_118, %add3A_119 : i32
      %dma_wait3A_121 = arith.constant 0 : i32
      %dma_wait3A_122 = tpu.memref_slice %arg6[%add3A_120, %dma_wait3A_121] : memref<256x80xi32, #tpu.memory_space<vmem>> -> memref<1x80xi32, #tpu.memory_space<vmem>>
      %dma_wait3A_123 = tpu.memref_squeeze %dma_wait3A_122 : memref<1x80xi32, #tpu.memory_space<vmem>> -> memref<80xi32, #tpu.memory_space<vmem>>
      %dma_wait3A_124 = arith.constant 0 : i32
      %dma_wait3A_125 = arith.constant 0 : i32
      %dma_wait3A_126 = tpu.memref_slice %arg2[%arg0, %dma_wait3A_124, %dma_wait3A_125] : memref<2x10000x64xf32, #tpu.memory_space<hbm>> -> memref<1x10000x64xf32, #tpu.memory_space<hbm>>
      %dma_wait3A_127 = tpu.memref_squeeze %dma_wait3A_126 : memref<1x10000x64xf32, #tpu.memory_space<hbm>> -> memref<10000x64xf32, #tpu.memory_space<hbm>>
      %dma_wait3A_128 = arith.constant 0 : i32
      %dma_wait3A_129 = arith.constant 0 : i32
      %dma_wait3A_130 = tpu.memref_slice %dma_wait3A_127[%dma_wait3A_128, %dma_wait3A_129] : memref<10000x64xf32, #tpu.memory_space<hbm>> -> memref<10000x64xf32, #tpu.memory_space<hbm>>
      tpu.wait_indirect_dma semaphore(%arg18 : memref<!tpu.dma_semaphore, #tpu.memory_space<semaphore_mem>>) src(%dma_wait3A_130 : memref<10000x64xf32, #tpu.memory_space<hbm>>) dst(%arg8 : memref<80x64xf32, #tpu.memory_space<vmem>>)
      %dma_start3A_131 = arith.constant 0 : i32
      %dma_start3A_132 = tpu.memref_slice %arg7[%add3A_120, %dma_start3A_131] : memref<256x80xi32, #tpu.memory_space<vmem>> -> memref<1x80xi32, #tpu.memory_space<vmem>>
      %dma_start3A_133 = tpu.memref_squeeze %dma_start3A_132 : memref<1x80xi32, #tpu.memory_space<vmem>> -> memref<80xi32, #tpu.memory_space<vmem>>
      %dma_start3A_134 = arith.constant 0 : i32
      %dma_start3A_135 = arith.constant 0 : i32
      %dma_start3A_136 = tpu.memref_slice %arg17[%dma_start3A_134, %dma_start3A_135] : memref<10240x64xf32, #tpu.memory_space<vmem_shared>> -> memref<10240x64xf32, #tpu.memory_space<vmem_shared>>
      tpu.enqueue_indirect_dma source(%arg8 : memref<80x64xf32, #tpu.memory_space<vmem>>) target(%dma_start3A_136 : memref<10240x64xf32, #tpu.memory_space<vmem_shared>>) offsets(%dma_start3A_133 : memref<80xi32, #tpu.memory_space<vmem>>) semaphore(%arg19 : memref<!tpu.dma_semaphore, #tpu.memory_space<semaphore_mem>>) {add = true}
      %ge3A = arith.constant 1 : i32
      %ge3A_137 = arith.cmpi sge, %scan3A_116, %ge3A : i32
      %convert_element_type3A = arith.extui %ge3A_137 : i1 to i32
      %cond3A = arith.constant 0 : i32
      %cond3A_138 = arith.cmpi ne, %convert_element_type3A, %cond3A : i32
      scf.if %cond3A_138 {
        %sub3A_396 = arith.constant 1 : i32
        %sub3A_397 = arith.subi %add3A_120, %sub3A_396 : i32
        %dma_wait3A_398 = arith.constant 0 : i32
        %dma_wait3A_399 = tpu.memref_slice %arg7[%sub3A_397, %dma_wait3A_398] : memref<256x80xi32, #tpu.memory_space<vmem>> -> memref<1x80xi32, #tpu.memory_space<vmem>>
        %dma_wait3A_400 = tpu.memref_squeeze %dma_wait3A_399 : memref<1x80xi32, #tpu.memory_space<vmem>> -> memref<80xi32, #tpu.memory_space<vmem>>
        %dma_wait3A_401 = arith.constant 0 : i32
        %dma_wait3A_402 = arith.constant 0 : i32
        %dma_wait3A_403 = tpu.memref_slice %arg17[%dma_wait3A_401, %dma_wait3A_402] : memref<10240x64xf32, #tpu.memory_space<vmem_shared>> -> memref<10240x64xf32, #tpu.memory_space<vmem_shared>>
        tpu.wait_indirect_dma semaphore(%arg19 : memref<!tpu.dma_semaphore, #tpu.memory_space<semaphore_mem>>) src(%arg15 : memref<80x64xf32, #tpu.memory_space<vmem>>) dst(%dma_wait3A_403 : memref<10240x64xf32, #tpu.memory_space<vmem_shared>>)
      } else {
      }
      %add3A_139 = arith.constant 8 : i32
      %add3A_140 = arith.addi %add3A_120, %add3A_139 : i32
      %sub3A = arith.constant 1 : i32
      %sub3A_141 = arith.subi %add3A_140, %sub3A : i32
      %dma_start3A_142 = arith.constant 0 : i32
      %dma_start3A_143 = tpu.memref_slice %arg6[%sub3A_141, %dma_start3A_142] : memref<256x80xi32, #tpu.memory_space<vmem>> -> memref<1x80xi32, #tpu.memory_space<vmem>>
      %dma_start3A_144 = tpu.memref_squeeze %dma_start3A_143 : memref<1x80xi32, #tpu.memory_space<vmem>> -> memref<80xi32, #tpu.memory_space<vmem>>
      %dma_start3A_145 = arith.constant 0 : i32
      %dma_start3A_146 = arith.constant 0 : i32
      %dma_start3A_147 = tpu.memref_slice %arg2[%arg0, %dma_start3A_145, %dma_start3A_146] : memref<2x10000x64xf32, #tpu.memory_space<hbm>> -> memref<1x10000x64xf32, #tpu.memory_space<hbm>>
      %dma_start3A_148 = tpu.memref_squeeze %dma_start3A_147 : memref<1x10000x64xf32, #tpu.memory_space<hbm>> -> memref<10000x64xf32, #tpu.memory_space<hbm>>
      %dma_start3A_149 = arith.constant 0 : i32
      %dma_start3A_150 = arith.constant 0 : i32
      %dma_start3A_151 = tpu.memref_slice %dma_start3A_148[%dma_start3A_149, %dma_start3A_150] : memref<10000x64xf32, #tpu.memory_space<hbm>> -> memref<10000x64xf32, #tpu.memory_space<hbm>>
      tpu.enqueue_indirect_dma source(%dma_start3A_151 : memref<10000x64xf32, #tpu.memory_space<hbm>>) target(%arg15 : memref<80x64xf32, #tpu.memory_space<vmem>>) offsets(%dma_start3A_144 : memref<80xi32, #tpu.memory_space<vmem>>) semaphore(%arg18 : memref<!tpu.dma_semaphore, #tpu.memory_space<semaphore_mem>>)
      %mul3A_152 = arith.constant 8 : i32
      %mul3A_153 = arith.muli %scan3A_116, %mul3A_152 : i32
      %add3A_154 = arith.constant 1 : i32
      %add3A_155 = arith.addi %mul3A_153, %add3A_154 : i32
      %dma_wait3A_156 = arith.constant 0 : i32
      %dma_wait3A_157 = tpu.memref_slice %arg6[%add3A_155, %dma_wait3A_156] : memref<256x80xi32, #tpu.memory_space<vmem>> -> memref<1x80xi32, #tpu.memory_space<vmem>>
      %dma_wait3A_158 = tpu.memref_squeeze %dma_wait3A_157 : memref<1x80xi32, #tpu.memory_space<vmem>> -> memref<80xi32, #tpu.memory_space<vmem>>
      %dma_wait3A_159 = arith.constant 0 : i32
      %dma_wait3A_160 = arith.constant 0 : i32
      %dma_wait3A_161 = tpu.memref_slice %arg2[%arg0, %dma_wait3A_159, %dma_wait3A_160] : memref<2x10000x64xf32, #tpu.memory_space<hbm>> -> memref<1x10000x64xf32, #tpu.memory_space<hbm>>
      %dma_wait3A_162 = tpu.memref_squeeze %dma_wait3A_161 : memref<1x10000x64xf32, #tpu.memory_space<hbm>> -> memref<10000x64xf32, #tpu.memory_space<hbm>>
      %dma_wait3A_163 = arith.constant 0 : i32
      %dma_wait3A_164 = arith.constant 0 : i32
      %dma_wait3A_165 = tpu.memref_slice %dma_wait3A_162[%dma_wait3A_163, %dma_wait3A_164] : memref<10000x64xf32, #tpu.memory_space<hbm>> -> memref<10000x64xf32, #tpu.memory_space<hbm>>
      tpu.wait_indirect_dma semaphore(%arg18 : memref<!tpu.dma_semaphore, #tpu.memory_space<semaphore_mem>>) src(%dma_wait3A_165 : memref<10000x64xf32, #tpu.memory_space<hbm>>) dst(%arg9 : memref<80x64xf32, #tpu.memory_space<vmem>>)
      %dma_start3A_166 = arith.constant 0 : i32
      %dma_start3A_167 = tpu.memref_slice %arg7[%add3A_155, %dma_start3A_166] : memref<256x80xi32, #tpu.memory_space<vmem>> -> memref<1x80xi32, #tpu.memory_space<vmem>>
      %dma_start3A_168 = tpu.memref_squeeze %dma_start3A_167 : memref<1x80xi32, #tpu.memory_space<vmem>> -> memref<80xi32, #tpu.memory_space<vmem>>
      %dma_start3A_169 = arith.constant 0 : i32
      %dma_start3A_170 = arith.constant 0 : i32
      %dma_start3A_171 = tpu.memref_slice %arg17[%dma_start3A_169, %dma_start3A_170] : memref<10240x64xf32, #tpu.memory_space<vmem_shared>> -> memref<10240x64xf32, #tpu.memory_space<vmem_shared>>
      tpu.enqueue_indirect_dma source(%arg9 : memref<80x64xf32, #tpu.memory_space<vmem>>) target(%dma_start3A_171 : memref<10240x64xf32, #tpu.memory_space<vmem_shared>>) offsets(%dma_start3A_168 : memref<80xi32, #tpu.memory_space<vmem>>) semaphore(%arg19 : memref<!tpu.dma_semaphore, #tpu.memory_space<semaphore_mem>>) {add = true}
      %sub3A_172 = arith.constant 1 : i32
      %sub3A_173 = arith.subi %add3A_155, %sub3A_172 : i32
      %dma_wait3A_174 = arith.constant 0 : i32
      %dma_wait3A_175 = tpu.memref_slice %arg7[%sub3A_173, %dma_wait3A_174] : memref<256x80xi32, #tpu.memory_space<vmem>> -> memref<1x80xi32, #tpu.memory_space<vmem>>
      %dma_wait3A_176 = tpu.memref_squeeze %dma_wait3A_175 : memref<1x80xi32, #tpu.memory_space<vmem>> -> memref<80xi32, #tpu.memory_space<vmem>>
      %dma_wait3A_177 = arith.constant 0 : i32
      %dma_wait3A_178 = arith.constant 0 : i32
      %dma_wait3A_179 = tpu.memref_slice %arg17[%dma_wait3A_177, %dma_wait3A_178] : memref<10240x64xf32, #tpu.memory_space<vmem_shared>> -> memref<10240x64xf32, #tpu.memory_space<vmem_shared>>
      tpu.wait_indirect_dma semaphore(%arg19 : memref<!tpu.dma_semaphore, #tpu.memory_space<semaphore_mem>>) src(%arg8 : memref<80x64xf32, #tpu.memory_space<vmem>>) dst(%dma_wait3A_179 : memref<10240x64xf32, #tpu.memory_space<vmem_shared>>)
      %add3A_180 = arith.constant 1 : i32
      %add3A_181 = arith.addi %scan3A_116, %add3A_180 : i32
      %lt3A = arith.constant 32 : i32
      %lt3A_182 = arith.cmpi slt, %add3A_181, %lt3A : i32
      %convert_element_type3A_183 = arith.extui %lt3A_182 : i1 to i32
      %cond3A_184 = arith.constant 0 : i32
      %cond3A_185 = arith.cmpi ne, %convert_element_type3A_183, %cond3A_184 : i32
      scf.if %cond3A_185 {
        %add3A_396 = arith.constant 8 : i32
        %add3A_397 = arith.addi %add3A_155, %add3A_396 : i32
        %sub3A_398 = arith.constant 1 : i32
        %sub3A_399 = arith.subi %add3A_397, %sub3A_398 : i32
        %dma_start3A_400 = arith.constant 0 : i32
        %dma_start3A_401 = tpu.memref_slice %arg6[%sub3A_399, %dma_start3A_400] : memref<256x80xi32, #tpu.memory_space<vmem>> -> memref<1x80xi32, #tpu.memory_space<vmem>>
        %dma_start3A_402 = tpu.memref_squeeze %dma_start3A_401 : memref<1x80xi32, #tpu.memory_space<vmem>> -> memref<80xi32, #tpu.memory_space<vmem>>
        %dma_start3A_403 = arith.constant 0 : i32
        %dma_start3A_404 = arith.constant 0 : i32
        %dma_start3A_405 = tpu.memref_slice %arg2[%arg0, %dma_start3A_403, %dma_start3A_404] : memref<2x10000x64xf32, #tpu.memory_space<hbm>> -> memref<1x10000x64xf32, #tpu.memory_space<hbm>>
        %dma_start3A_406 = tpu.memref_squeeze %dma_start3A_405 : memref<1x10000x64xf32, #tpu.memory_space<hbm>> -> memref<10000x64xf32, #tpu.memory_space<hbm>>
        %dma_start3A_407 = arith.constant 0 : i32
        %dma_start3A_408 = arith.constant 0 : i32
        %dma_start3A_409 = tpu.memref_slice %dma_start3A_406[%dma_start3A_407, %dma_start3A_408] : memref<10000x64xf32, #tpu.memory_space<hbm>> -> memref<10000x64xf32, #tpu.memory_space<hbm>>
        tpu.enqueue_indirect_dma source(%dma_start3A_409 : memref<10000x64xf32, #tpu.memory_space<hbm>>) target(%arg8 : memref<80x64xf32, #tpu.memory_space<vmem>>) offsets(%dma_start3A_402 : memref<80xi32, #tpu.memory_space<vmem>>) semaphore(%arg18 : memref<!tpu.dma_semaphore, #tpu.memory_space<semaphore_mem>>)
      } else {
      }
      %mul3A_186 = arith.constant 8 : i32
      %mul3A_187 = arith.muli %scan3A_116, %mul3A_186 : i32
      %add3A_188 = arith.constant 2 : i32
      %add3A_189 = arith.addi %mul3A_187, %add3A_188 : i32
      %dma_wait3A_190 = arith.constant 0 : i32
      %dma_wait3A_191 = tpu.memref_slice %arg6[%add3A_189, %dma_wait3A_190] : memref<256x80xi32, #tpu.memory_space<vmem>> -> memref<1x80xi32, #tpu.memory_space<vmem>>
      %dma_wait3A_192 = tpu.memref_squeeze %dma_wait3A_191 : memref<1x80xi32, #tpu.memory_space<vmem>> -> memref<80xi32, #tpu.memory_space<vmem>>
      %dma_wait3A_193 = arith.constant 0 : i32
      %dma_wait3A_194 = arith.constant 0 : i32
      %dma_wait3A_195 = tpu.memref_slice %arg2[%arg0, %dma_wait3A_193, %dma_wait3A_194] : memref<2x10000x64xf32, #tpu.memory_space<hbm>> -> memref<1x10000x64xf32, #tpu.memory_space<hbm>>
      %dma_wait3A_196 = tpu.memref_squeeze %dma_wait3A_195 : memref<1x10000x64xf32, #tpu.memory_space<hbm>> -> memref<10000x64xf32, #tpu.memory_space<hbm>>
      %dma_wait3A_197 = arith.constant 0 : i32
      %dma_wait3A_198 = arith.constant 0 : i32
      %dma_wait3A_199 = tpu.memref_slice %dma_wait3A_196[%dma_wait3A_197, %dma_wait3A_198] : memref<10000x64xf32, #tpu.memory_space<hbm>> -> memref<10000x64xf32, #tpu.memory_space<hbm>>
      tpu.wait_indirect_dma semaphore(%arg18 : memref<!tpu.dma_semaphore, #tpu.memory_space<semaphore_mem>>) src(%dma_wait3A_199 : memref<10000x64xf32, #tpu.memory_space<hbm>>) dst(%arg10 : memref<80x64xf32, #tpu.memory_space<vmem>>)
      %dma_start3A_200 = arith.constant 0 : i32
      %dma_start3A_201 = tpu.memref_slice %arg7[%add3A_189, %dma_start3A_200] : memref<256x80xi32, #tpu.memory_space<vmem>> -> memref<1x80xi32, #tpu.memory_space<vmem>>
      %dma_start3A_202 = tpu.memref_squeeze %dma_start3A_201 : memref<1x80xi32, #tpu.memory_space<vmem>> -> memref<80xi32, #tpu.memory_space<vmem>>
      %dma_start3A_203 = arith.constant 0 : i32
      %dma_start3A_204 = arith.constant 0 : i32
      %dma_start3A_205 = tpu.memref_slice %arg17[%dma_start3A_203, %dma_start3A_204] : memref<10240x64xf32, #tpu.memory_space<vmem_shared>> -> memref<10240x64xf32, #tpu.memory_space<vmem_shared>>
      tpu.enqueue_indirect_dma source(%arg10 : memref<80x64xf32, #tpu.memory_space<vmem>>) target(%dma_start3A_205 : memref<10240x64xf32, #tpu.memory_space<vmem_shared>>) offsets(%dma_start3A_202 : memref<80xi32, #tpu.memory_space<vmem>>) semaphore(%arg19 : memref<!tpu.dma_semaphore, #tpu.memory_space<semaphore_mem>>) {add = true}
      %sub3A_206 = arith.constant 1 : i32
      %sub3A_207 = arith.subi %add3A_189, %sub3A_206 : i32
      %dma_wait3A_208 = arith.constant 0 : i32
      %dma_wait3A_209 = tpu.memref_slice %arg7[%sub3A_207, %dma_wait3A_208] : memref<256x80xi32, #tpu.memory_space<vmem>> -> memref<1x80xi32, #tpu.memory_space<vmem>>
      %dma_wait3A_210 = tpu.memref_squeeze %dma_wait3A_209 : memref<1x80xi32, #tpu.memory_space<vmem>> -> memref<80xi32, #tpu.memory_space<vmem>>
      %dma_wait3A_211 = arith.constant 0 : i32
      %dma_wait3A_212 = arith.constant 0 : i32
      %dma_wait3A_213 = tpu.memref_slice %arg17[%dma_wait3A_211, %dma_wait3A_212] : memref<10240x64xf32, #tpu.memory_space<vmem_shared>> -> memref<10240x64xf32, #tpu.memory_space<vmem_shared>>
      tpu.wait_indirect_dma semaphore(%arg19 : memref<!tpu.dma_semaphore, #tpu.memory_space<semaphore_mem>>) src(%arg9 : memref<80x64xf32, #tpu.memory_space<vmem>>) dst(%dma_wait3A_213 : memref<10240x64xf32, #tpu.memory_space<vmem_shared>>)
      %add3A_214 = arith.constant 1 : i32
      %add3A_215 = arith.addi %scan3A_116, %add3A_214 : i32
      %lt3A_216 = arith.constant 32 : i32
      %lt3A_217 = arith.cmpi slt, %add3A_215, %lt3A_216 : i32
      %convert_element_type3A_218 = arith.extui %lt3A_217 : i1 to i32
      %cond3A_219 = arith.constant 0 : i32
      %cond3A_220 = arith.cmpi ne, %convert_element_type3A_218, %cond3A_219 : i32
      scf.if %cond3A_220 {
        %add3A_396 = arith.constant 8 : i32
        %add3A_397 = arith.addi %add3A_189, %add3A_396 : i32
        %sub3A_398 = arith.constant 1 : i32
        %sub3A_399 = arith.subi %add3A_397, %sub3A_398 : i32
        %dma_start3A_400 = arith.constant 0 : i32
        %dma_start3A_401 = tpu.memref_slice %arg6[%sub3A_399, %dma_start3A_400] : memref<256x80xi32, #tpu.memory_space<vmem>> -> memref<1x80xi32, #tpu.memory_space<vmem>>
        %dma_start3A_402 = tpu.memref_squeeze %dma_start3A_401 : memref<1x80xi32, #tpu.memory_space<vmem>> -> memref<80xi32, #tpu.memory_space<vmem>>
        %dma_start3A_403 = arith.constant 0 : i32
        %dma_start3A_404 = arith.constant 0 : i32
        %dma_start3A_405 = tpu.memref_slice %arg2[%arg0, %dma_start3A_403, %dma_start3A_404] : memref<2x10000x64xf32, #tpu.memory_space<hbm>> -> memref<1x10000x64xf32, #tpu.memory_space<hbm>>
        %dma_start3A_406 = tpu.memref_squeeze %dma_start3A_405 : memref<1x10000x64xf32, #tpu.memory_space<hbm>> -> memref<10000x64xf32, #tpu.memory_space<hbm>>
        %dma_start3A_407 = arith.constant 0 : i32
        %dma_start3A_408 = arith.constant 0 : i32
        %dma_start3A_409 = tpu.memref_slice %dma_start3A_406[%dma_start3A_407, %dma_start3A_408] : memref<10000x64xf32, #tpu.memory_space<hbm>> -> memref<10000x64xf32, #tpu.memory_space<hbm>>
        tpu.enqueue_indirect_dma source(%dma_start3A_409 : memref<10000x64xf32, #tpu.memory_space<hbm>>) target(%arg9 : memref<80x64xf32, #tpu.memory_space<vmem>>) offsets(%dma_start3A_402 : memref<80xi32, #tpu.memory_space<vmem>>) semaphore(%arg18 : memref<!tpu.dma_semaphore, #tpu.memory_space<semaphore_mem>>)
      } else {
      }
      %mul3A_221 = arith.constant 8 : i32
      %mul3A_222 = arith.muli %scan3A_116, %mul3A_221 : i32
      %add3A_223 = arith.constant 3 : i32
      %add3A_224 = arith.addi %mul3A_222, %add3A_223 : i32
      %dma_wait3A_225 = arith.constant 0 : i32
      %dma_wait3A_226 = tpu.memref_slice %arg6[%add3A_224, %dma_wait3A_225] : memref<256x80xi32, #tpu.memory_space<vmem>> -> memref<1x80xi32, #tpu.memory_space<vmem>>
      %dma_wait3A_227 = tpu.memref_squeeze %dma_wait3A_226 : memref<1x80xi32, #tpu.memory_space<vmem>> -> memref<80xi32, #tpu.memory_space<vmem>>
      %dma_wait3A_228 = arith.constant 0 : i32
      %dma_wait3A_229 = arith.constant 0 : i32
      %dma_wait3A_230 = tpu.memref_slice %arg2[%arg0, %dma_wait3A_228, %dma_wait3A_229] : memref<2x10000x64xf32, #tpu.memory_space<hbm>> -> memref<1x10000x64xf32, #tpu.memory_space<hbm>>
      %dma_wait3A_231 = tpu.memref_squeeze %dma_wait3A_230 : memref<1x10000x64xf32, #tpu.memory_space<hbm>> -> memref<10000x64xf32, #tpu.memory_space<hbm>>
      %dma_wait3A_232 = arith.constant 0 : i32
      %dma_wait3A_233 = arith.constant 0 : i32
      %dma_wait3A_234 = tpu.memref_slice %dma_wait3A_231[%dma_wait3A_232, %dma_wait3A_233] : memref<10000x64xf32, #tpu.memory_space<hbm>> -> memref<10000x64xf32, #tpu.memory_space<hbm>>
      tpu.wait_indirect_dma semaphore(%arg18 : memref<!tpu.dma_semaphore, #tpu.memory_space<semaphore_mem>>) src(%dma_wait3A_234 : memref<10000x64xf32, #tpu.memory_space<hbm>>) dst(%arg11 : memref<80x64xf32, #tpu.memory_space<vmem>>)
      %dma_start3A_235 = arith.constant 0 : i32
      %dma_start3A_236 = tpu.memref_slice %arg7[%add3A_224, %dma_start3A_235] : memref<256x80xi32, #tpu.memory_space<vmem>> -> memref<1x80xi32, #tpu.memory_space<vmem>>
      %dma_start3A_237 = tpu.memref_squeeze %dma_start3A_236 : memref<1x80xi32, #tpu.memory_space<vmem>> -> memref<80xi32, #tpu.memory_space<vmem>>
      %dma_start3A_238 = arith.constant 0 : i32
      %dma_start3A_239 = arith.constant 0 : i32
      %dma_start3A_240 = tpu.memref_slice %arg17[%dma_start3A_238, %dma_start3A_239] : memref<10240x64xf32, #tpu.memory_space<vmem_shared>> -> memref<10240x64xf32, #tpu.memory_space<vmem_shared>>
      tpu.enqueue_indirect_dma source(%arg11 : memref<80x64xf32, #tpu.memory_space<vmem>>) target(%dma_start3A_240 : memref<10240x64xf32, #tpu.memory_space<vmem_shared>>) offsets(%dma_start3A_237 : memref<80xi32, #tpu.memory_space<vmem>>) semaphore(%arg19 : memref<!tpu.dma_semaphore, #tpu.memory_space<semaphore_mem>>) {add = true}
      %sub3A_241 = arith.constant 1 : i32
      %sub3A_242 = arith.subi %add3A_224, %sub3A_241 : i32
      %dma_wait3A_243 = arith.constant 0 : i32
      %dma_wait3A_244 = tpu.memref_slice %arg7[%sub3A_242, %dma_wait3A_243] : memref<256x80xi32, #tpu.memory_space<vmem>> -> memref<1x80xi32, #tpu.memory_space<vmem>>
      %dma_wait3A_245 = tpu.memref_squeeze %dma_wait3A_244 : memref<1x80xi32, #tpu.memory_space<vmem>> -> memref<80xi32, #tpu.memory_space<vmem>>
      %dma_wait3A_246 = arith.constant 0 : i32
      %dma_wait3A_247 = arith.constant 0 : i32
      %dma_wait3A_248 = tpu.memref_slice %arg17[%dma_wait3A_246, %dma_wait3A_247] : memref<10240x64xf32, #tpu.memory_space<vmem_shared>> -> memref<10240x64xf32, #tpu.memory_space<vmem_shared>>
      tpu.wait_indirect_dma semaphore(%arg19 : memref<!tpu.dma_semaphore, #tpu.memory_space<semaphore_mem>>) src(%arg10 : memref<80x64xf32, #tpu.memory_space<vmem>>) dst(%dma_wait3A_248 : memref<10240x64xf32, #tpu.memory_space<vmem_shared>>)
      %add3A_249 = arith.constant 1 : i32
      %add3A_250 = arith.addi %scan3A_116, %add3A_249 : i32
      %lt3A_251 = arith.constant 32 : i32
      %lt3A_252 = arith.cmpi slt, %add3A_250, %lt3A_251 : i32
      %convert_element_type3A_253 = arith.extui %lt3A_252 : i1 to i32
      %cond3A_254 = arith.constant 0 : i32
      %cond3A_255 = arith.cmpi ne, %convert_element_type3A_253, %cond3A_254 : i32
      scf.if %cond3A_255 {
        %add3A_396 = arith.constant 8 : i32
        %add3A_397 = arith.addi %add3A_224, %add3A_396 : i32
        %sub3A_398 = arith.constant 1 : i32
        %sub3A_399 = arith.subi %add3A_397, %sub3A_398 : i32
        %dma_start3A_400 = arith.constant 0 : i32
        %dma_start3A_401 = tpu.memref_slice %arg6[%sub3A_399, %dma_start3A_400] : memref<256x80xi32, #tpu.memory_space<vmem>> -> memref<1x80xi32, #tpu.memory_space<vmem>>
        %dma_start3A_402 = tpu.memref_squeeze %dma_start3A_401 : memref<1x80xi32, #tpu.memory_space<vmem>> -> memref<80xi32, #tpu.memory_space<vmem>>
        %dma_start3A_403 = arith.constant 0 : i32
        %dma_start3A_404 = arith.constant 0 : i32
        %dma_start3A_405 = tpu.memref_slice %arg2[%arg0, %dma_start3A_403, %dma_start3A_404] : memref<2x10000x64xf32, #tpu.memory_space<hbm>> -> memref<1x10000x64xf32, #tpu.memory_space<hbm>>
        %dma_start3A_406 = tpu.memref_squeeze %dma_start3A_405 : memref<1x10000x64xf32, #tpu.memory_space<hbm>> -> memref<10000x64xf32, #tpu.memory_space<hbm>>
        %dma_start3A_407 = arith.constant 0 : i32
        %dma_start3A_408 = arith.constant 0 : i32
        %dma_start3A_409 = tpu.memref_slice %dma_start3A_406[%dma_start3A_407, %dma_start3A_408] : memref<10000x64xf32, #tpu.memory_space<hbm>> -> memref<10000x64xf32, #tpu.memory_space<hbm>>
        tpu.enqueue_indirect_dma source(%dma_start3A_409 : memref<10000x64xf32, #tpu.memory_space<hbm>>) target(%arg10 : memref<80x64xf32, #tpu.memory_space<vmem>>) offsets(%dma_start3A_402 : memref<80xi32, #tpu.memory_space<vmem>>) semaphore(%arg18 : memref<!tpu.dma_semaphore, #tpu.memory_space<semaphore_mem>>)
      } else {
      }
      %mul3A_256 = arith.constant 8 : i32
      %mul3A_257 = arith.muli %scan3A_116, %mul3A_256 : i32
      %add3A_258 = arith.constant 4 : i32
      %add3A_259 = arith.addi %mul3A_257, %add3A_258 : i32
      %dma_wait3A_260 = arith.constant 0 : i32
      %dma_wait3A_261 = tpu.memref_slice %arg6[%add3A_259, %dma_wait3A_260] : memref<256x80xi32, #tpu.memory_space<vmem>> -> memref<1x80xi32, #tpu.memory_space<vmem>>
      %dma_wait3A_262 = tpu.memref_squeeze %dma_wait3A_261 : memref<1x80xi32, #tpu.memory_space<vmem>> -> memref<80xi32, #tpu.memory_space<vmem>>
      %dma_wait3A_263 = arith.constant 0 : i32
      %dma_wait3A_264 = arith.constant 0 : i32
      %dma_wait3A_265 = tpu.memref_slice %arg2[%arg0, %dma_wait3A_263, %dma_wait3A_264] : memref<2x10000x64xf32, #tpu.memory_space<hbm>> -> memref<1x10000x64xf32, #tpu.memory_space<hbm>>
      %dma_wait3A_266 = tpu.memref_squeeze %dma_wait3A_265 : memref<1x10000x64xf32, #tpu.memory_space<hbm>> -> memref<10000x64xf32, #tpu.memory_space<hbm>>
      %dma_wait3A_267 = arith.constant 0 : i32
      %dma_wait3A_268 = arith.constant 0 : i32
      %dma_wait3A_269 = tpu.memref_slice %dma_wait3A_266[%dma_wait3A_267, %dma_wait3A_268] : memref<10000x64xf32, #tpu.memory_space<hbm>> -> memref<10000x64xf32, #tpu.memory_space<hbm>>
      tpu.wait_indirect_dma semaphore(%arg18 : memref<!tpu.dma_semaphore, #tpu.memory_space<semaphore_mem>>) src(%dma_wait3A_269 : memref<10000x64xf32, #tpu.memory_space<hbm>>) dst(%arg12 : memref<80x64xf32, #tpu.memory_space<vmem>>)
      %dma_start3A_270 = arith.constant 0 : i32
      %dma_start3A_271 = tpu.memref_slice %arg7[%add3A_259, %dma_start3A_270] : memref<256x80xi32, #tpu.memory_space<vmem>> -> memref<1x80xi32, #tpu.memory_space<vmem>>
      %dma_start3A_272 = tpu.memref_squeeze %dma_start3A_271 : memref<1x80xi32, #tpu.memory_space<vmem>> -> memref<80xi32, #tpu.memory_space<vmem>>
      %dma_start3A_273 = arith.constant 0 : i32
      %dma_start3A_274 = arith.constant 0 : i32
      %dma_start3A_275 = tpu.memref_slice %arg17[%dma_start3A_273, %dma_start3A_274] : memref<10240x64xf32, #tpu.memory_space<vmem_shared>> -> memref<10240x64xf32, #tpu.memory_space<vmem_shared>>
      tpu.enqueue_indirect_dma source(%arg12 : memref<80x64xf32, #tpu.memory_space<vmem>>) target(%dma_start3A_275 : memref<10240x64xf32, #tpu.memory_space<vmem_shared>>) offsets(%dma_start3A_272 : memref<80xi32, #tpu.memory_space<vmem>>) semaphore(%arg19 : memref<!tpu.dma_semaphore, #tpu.memory_space<semaphore_mem>>) {add = true}
      %sub3A_276 = arith.constant 1 : i32
      %sub3A_277 = arith.subi %add3A_259, %sub3A_276 : i32
      %dma_wait3A_278 = arith.constant 0 : i32
      %dma_wait3A_279 = tpu.memref_slice %arg7[%sub3A_277, %dma_wait3A_278] : memref<256x80xi32, #tpu.memory_space<vmem>> -> memref<1x80xi32, #tpu.memory_space<vmem>>
      %dma_wait3A_280 = tpu.memref_squeeze %dma_wait3A_279 : memref<1x80xi32, #tpu.memory_space<vmem>> -> memref<80xi32, #tpu.memory_space<vmem>>
      %dma_wait3A_281 = arith.constant 0 : i32
      %dma_wait3A_282 = arith.constant 0 : i32
      %dma_wait3A_283 = tpu.memref_slice %arg17[%dma_wait3A_281, %dma_wait3A_282] : memref<10240x64xf32, #tpu.memory_space<vmem_shared>> -> memref<10240x64xf32, #tpu.memory_space<vmem_shared>>
      tpu.wait_indirect_dma semaphore(%arg19 : memref<!tpu.dma_semaphore, #tpu.memory_space<semaphore_mem>>) src(%arg11 : memref<80x64xf32, #tpu.memory_space<vmem>>) dst(%dma_wait3A_283 : memref<10240x64xf32, #tpu.memory_space<vmem_shared>>)
      %add3A_284 = arith.constant 1 : i32
      %add3A_285 = arith.addi %scan3A_116, %add3A_284 : i32
      %lt3A_286 = arith.constant 32 : i32
      %lt3A_287 = arith.cmpi slt, %add3A_285, %lt3A_286 : i32
      %convert_element_type3A_288 = arith.extui %lt3A_287 : i1 to i32
      %cond3A_289 = arith.constant 0 : i32
      %cond3A_290 = arith.cmpi ne, %convert_element_type3A_288, %cond3A_289 : i32
      scf.if %cond3A_290 {
        %add3A_396 = arith.constant 8 : i32
        %add3A_397 = arith.addi %add3A_259, %add3A_396 : i32
        %sub3A_398 = arith.constant 1 : i32
        %sub3A_399 = arith.subi %add3A_397, %sub3A_398 : i32
        %dma_start3A_400 = arith.constant 0 : i32
        %dma_start3A_401 = tpu.memref_slice %arg6[%sub3A_399, %dma_start3A_400] : memref<256x80xi32, #tpu.memory_space<vmem>> -> memref<1x80xi32, #tpu.memory_space<vmem>>
        %dma_start3A_402 = tpu.memref_squeeze %dma_start3A_401 : memref<1x80xi32, #tpu.memory_space<vmem>> -> memref<80xi32, #tpu.memory_space<vmem>>
        %dma_start3A_403 = arith.constant 0 : i32
        %dma_start3A_404 = arith.constant 0 : i32
        %dma_start3A_405 = tpu.memref_slice %arg2[%arg0, %dma_start3A_403, %dma_start3A_404] : memref<2x10000x64xf32, #tpu.memory_space<hbm>> -> memref<1x10000x64xf32, #tpu.memory_space<hbm>>
        %dma_start3A_406 = tpu.memref_squeeze %dma_start3A_405 : memref<1x10000x64xf32, #tpu.memory_space<hbm>> -> memref<10000x64xf32, #tpu.memory_space<hbm>>
        %dma_start3A_407 = arith.constant 0 : i32
        %dma_start3A_408 = arith.constant 0 : i32
        %dma_start3A_409 = tpu.memref_slice %dma_start3A_406[%dma_start3A_407, %dma_start3A_408] : memref<10000x64xf32, #tpu.memory_space<hbm>> -> memref<10000x64xf32, #tpu.memory_space<hbm>>
        tpu.enqueue_indirect_dma source(%dma_start3A_409 : memref<10000x64xf32, #tpu.memory_space<hbm>>) target(%arg11 : memref<80x64xf32, #tpu.memory_space<vmem>>) offsets(%dma_start3A_402 : memref<80xi32, #tpu.memory_space<vmem>>) semaphore(%arg18 : memref<!tpu.dma_semaphore, #tpu.memory_space<semaphore_mem>>)
      } else {
      }
      %mul3A_291 = arith.constant 8 : i32
      %mul3A_292 = arith.muli %scan3A_116, %mul3A_291 : i32
      %add3A_293 = arith.constant 5 : i32
      %add3A_294 = arith.addi %mul3A_292, %add3A_293 : i32
      %dma_wait3A_295 = arith.constant 0 : i32
      %dma_wait3A_296 = tpu.memref_slice %arg6[%add3A_294, %dma_wait3A_295] : memref<256x80xi32, #tpu.memory_space<vmem>> -> memref<1x80xi32, #tpu.memory_space<vmem>>
      %dma_wait3A_297 = tpu.memref_squeeze %dma_wait3A_296 : memref<1x80xi32, #tpu.memory_space<vmem>> -> memref<80xi32, #tpu.memory_space<vmem>>
      %dma_wait3A_298 = arith.constant 0 : i32
      %dma_wait3A_299 = arith.constant 0 : i32
      %dma_wait3A_300 = tpu.memref_slice %arg2[%arg0, %dma_wait3A_298, %dma_wait3A_299] : memref<2x10000x64xf32, #tpu.memory_space<hbm>> -> memref<1x10000x64xf32, #tpu.memory_space<hbm>>
      %dma_wait3A_301 = tpu.memref_squeeze %dma_wait3A_300 : memref<1x10000x64xf32, #tpu.memory_space<hbm>> -> memref<10000x64xf32, #tpu.memory_space<hbm>>
      %dma_wait3A_302 = arith.constant 0 : i32
      %dma_wait3A_303 = arith.constant 0 : i32
      %dma_wait3A_304 = tpu.memref_slice %dma_wait3A_301[%dma_wait3A_302, %dma_wait3A_303] : memref<10000x64xf32, #tpu.memory_space<hbm>> -> memref<10000x64xf32, #tpu.memory_space<hbm>>
      tpu.wait_indirect_dma semaphore(%arg18 : memref<!tpu.dma_semaphore, #tpu.memory_space<semaphore_mem>>) src(%dma_wait3A_304 : memref<10000x64xf32, #tpu.memory_space<hbm>>) dst(%arg13 : memref<80x64xf32, #tpu.memory_space<vmem>>)
      %dma_start3A_305 = arith.constant 0 : i32
      %dma_start3A_306 = tpu.memref_slice %arg7[%add3A_294, %dma_start3A_305] : memref<256x80xi32, #tpu.memory_space<vmem>> -> memref<1x80xi32, #tpu.memory_space<vmem>>
      %dma_start3A_307 = tpu.memref_squeeze %dma_start3A_306 : memref<1x80xi32, #tpu.memory_space<vmem>> -> memref<80xi32, #tpu.memory_space<vmem>>
      %dma_start3A_308 = arith.constant 0 : i32
      %dma_start3A_309 = arith.constant 0 : i32
      %dma_start3A_310 = tpu.memref_slice %arg17[%dma_start3A_308, %dma_start3A_309] : memref<10240x64xf32, #tpu.memory_space<vmem_shared>> -> memref<10240x64xf32, #tpu.memory_space<vmem_shared>>
      tpu.enqueue_indirect_dma source(%arg13 : memref<80x64xf32, #tpu.memory_space<vmem>>) target(%dma_start3A_310 : memref<10240x64xf32, #tpu.memory_space<vmem_shared>>) offsets(%dma_start3A_307 : memref<80xi32, #tpu.memory_space<vmem>>) semaphore(%arg19 : memref<!tpu.dma_semaphore, #tpu.memory_space<semaphore_mem>>) {add = true}
      %sub3A_311 = arith.constant 1 : i32
      %sub3A_312 = arith.subi %add3A_294, %sub3A_311 : i32
      %dma_wait3A_313 = arith.constant 0 : i32
      %dma_wait3A_314 = tpu.memref_slice %arg7[%sub3A_312, %dma_wait3A_313] : memref<256x80xi32, #tpu.memory_space<vmem>> -> memref<1x80xi32, #tpu.memory_space<vmem>>
      %dma_wait3A_315 = tpu.memref_squeeze %dma_wait3A_314 : memref<1x80xi32, #tpu.memory_space<vmem>> -> memref<80xi32, #tpu.memory_space<vmem>>
      %dma_wait3A_316 = arith.constant 0 : i32
      %dma_wait3A_317 = arith.constant 0 : i32
      %dma_wait3A_318 = tpu.memref_slice %arg17[%dma_wait3A_316, %dma_wait3A_317] : memref<10240x64xf32, #tpu.memory_space<vmem_shared>> -> memref<10240x64xf32, #tpu.memory_space<vmem_shared>>
      tpu.wait_indirect_dma semaphore(%arg19 : memref<!tpu.dma_semaphore, #tpu.memory_space<semaphore_mem>>) src(%arg12 : memref<80x64xf32, #tpu.memory_space<vmem>>) dst(%dma_wait3A_318 : memref<10240x64xf32, #tpu.memory_space<vmem_shared>>)
      %add3A_319 = arith.constant 1 : i32
      %add3A_320 = arith.addi %scan3A_116, %add3A_319 : i32
      %lt3A_321 = arith.constant 32 : i32
      %lt3A_322 = arith.cmpi slt, %add3A_320, %lt3A_321 : i32
      %convert_element_type3A_323 = arith.extui %lt3A_322 : i1 to i32
      %cond3A_324 = arith.constant 0 : i32
      %cond3A_325 = arith.cmpi ne, %convert_element_type3A_323, %cond3A_324 : i32
      scf.if %cond3A_325 {
        %add3A_396 = arith.constant 8 : i32
        %add3A_397 = arith.addi %add3A_294, %add3A_396 : i32
        %sub3A_398 = arith.constant 1 : i32
        %sub3A_399 = arith.subi %add3A_397, %sub3A_398 : i32
        %dma_start3A_400 = arith.constant 0 : i32
        %dma_start3A_401 = tpu.memref_slice %arg6[%sub3A_399, %dma_start3A_400] : memref<256x80xi32, #tpu.memory_space<vmem>> -> memref<1x80xi32, #tpu.memory_space<vmem>>
        %dma_start3A_402 = tpu.memref_squeeze %dma_start3A_401 : memref<1x80xi32, #tpu.memory_space<vmem>> -> memref<80xi32, #tpu.memory_space<vmem>>
        %dma_start3A_403 = arith.constant 0 : i32
        %dma_start3A_404 = arith.constant 0 : i32
        %dma_start3A_405 = tpu.memref_slice %arg2[%arg0, %dma_start3A_403, %dma_start3A_404] : memref<2x10000x64xf32, #tpu.memory_space<hbm>> -> memref<1x10000x64xf32, #tpu.memory_space<hbm>>
        %dma_start3A_406 = tpu.memref_squeeze %dma_start3A_405 : memref<1x10000x64xf32, #tpu.memory_space<hbm>> -> memref<10000x64xf32, #tpu.memory_space<hbm>>
        %dma_start3A_407 = arith.constant 0 : i32
        %dma_start3A_408 = arith.constant 0 : i32
        %dma_start3A_409 = tpu.memref_slice %dma_start3A_406[%dma_start3A_407, %dma_start3A_408] : memref<10000x64xf32, #tpu.memory_space<hbm>> -> memref<10000x64xf32, #tpu.memory_space<hbm>>
        tpu.enqueue_indirect_dma source(%dma_start3A_409 : memref<10000x64xf32, #tpu.memory_space<hbm>>) target(%arg12 : memref<80x64xf32, #tpu.memory_space<vmem>>) offsets(%dma_start3A_402 : memref<80xi32, #tpu.memory_space<vmem>>) semaphore(%arg18 : memref<!tpu.dma_semaphore, #tpu.memory_space<semaphore_mem>>)
      } else {
      }
      %mul3A_326 = arith.constant 8 : i32
      %mul3A_327 = arith.muli %scan3A_116, %mul3A_326 : i32
      %add3A_328 = arith.constant 6 : i32
      %add3A_329 = arith.addi %mul3A_327, %add3A_328 : i32
      %dma_wait3A_330 = arith.constant 0 : i32
      %dma_wait3A_331 = tpu.memref_slice %arg6[%add3A_329, %dma_wait3A_330] : memref<256x80xi32, #tpu.memory_space<vmem>> -> memref<1x80xi32, #tpu.memory_space<vmem>>
      %dma_wait3A_332 = tpu.memref_squeeze %dma_wait3A_331 : memref<1x80xi32, #tpu.memory_space<vmem>> -> memref<80xi32, #tpu.memory_space<vmem>>
      %dma_wait3A_333 = arith.constant 0 : i32
      %dma_wait3A_334 = arith.constant 0 : i32
      %dma_wait3A_335 = tpu.memref_slice %arg2[%arg0, %dma_wait3A_333, %dma_wait3A_334] : memref<2x10000x64xf32, #tpu.memory_space<hbm>> -> memref<1x10000x64xf32, #tpu.memory_space<hbm>>
      %dma_wait3A_336 = tpu.memref_squeeze %dma_wait3A_335 : memref<1x10000x64xf32, #tpu.memory_space<hbm>> -> memref<10000x64xf32, #tpu.memory_space<hbm>>
      %dma_wait3A_337 = arith.constant 0 : i32
      %dma_wait3A_338 = arith.constant 0 : i32
      %dma_wait3A_339 = tpu.memref_slice %dma_wait3A_336[%dma_wait3A_337, %dma_wait3A_338] : memref<10000x64xf32, #tpu.memory_space<hbm>> -> memref<10000x64xf32, #tpu.memory_space<hbm>>
      tpu.wait_indirect_dma semaphore(%arg18 : memref<!tpu.dma_semaphore, #tpu.memory_space<semaphore_mem>>) src(%dma_wait3A_339 : memref<10000x64xf32, #tpu.memory_space<hbm>>) dst(%arg14 : memref<80x64xf32, #tpu.memory_space<vmem>>)
      %dma_start3A_340 = arith.constant 0 : i32
      %dma_start3A_341 = tpu.memref_slice %arg7[%add3A_329, %dma_start3A_340] : memref<256x80xi32, #tpu.memory_space<vmem>> -> memref<1x80xi32, #tpu.memory_space<vmem>>
      %dma_start3A_342 = tpu.memref_squeeze %dma_start3A_341 : memref<1x80xi32, #tpu.memory_space<vmem>> -> memref<80xi32, #tpu.memory_space<vmem>>
      %dma_start3A_343 = arith.constant 0 : i32
      %dma_start3A_344 = arith.constant 0 : i32
      %dma_start3A_345 = tpu.memref_slice %arg17[%dma_start3A_343, %dma_start3A_344] : memref<10240x64xf32, #tpu.memory_space<vmem_shared>> -> memref<10240x64xf32, #tpu.memory_space<vmem_shared>>
      tpu.enqueue_indirect_dma source(%arg14 : memref<80x64xf32, #tpu.memory_space<vmem>>) target(%dma_start3A_345 : memref<10240x64xf32, #tpu.memory_space<vmem_shared>>) offsets(%dma_start3A_342 : memref<80xi32, #tpu.memory_space<vmem>>) semaphore(%arg19 : memref<!tpu.dma_semaphore, #tpu.memory_space<semaphore_mem>>) {add = true}
      %sub3A_346 = arith.constant 1 : i32
      %sub3A_347 = arith.subi %add3A_329, %sub3A_346 : i32
      %dma_wait3A_348 = arith.constant 0 : i32
      %dma_wait3A_349 = tpu.memref_slice %arg7[%sub3A_347, %dma_wait3A_348] : memref<256x80xi32, #tpu.memory_space<vmem>> -> memref<1x80xi32, #tpu.memory_space<vmem>>
      %dma_wait3A_350 = tpu.memref_squeeze %dma_wait3A_349 : memref<1x80xi32, #tpu.memory_space<vmem>> -> memref<80xi32, #tpu.memory_space<vmem>>
      %dma_wait3A_351 = arith.constant 0 : i32
      %dma_wait3A_352 = arith.constant 0 : i32
      %dma_wait3A_353 = tpu.memref_slice %arg17[%dma_wait3A_351, %dma_wait3A_352] : memref<10240x64xf32, #tpu.memory_space<vmem_shared>> -> memref<10240x64xf32, #tpu.memory_space<vmem_shared>>
      tpu.wait_indirect_dma semaphore(%arg19 : memref<!tpu.dma_semaphore, #tpu.memory_space<semaphore_mem>>) src(%arg13 : memref<80x64xf32, #tpu.memory_space<vmem>>) dst(%dma_wait3A_353 : memref<10240x64xf32, #tpu.memory_space<vmem_shared>>)
      %add3A_354 = arith.constant 1 : i32
      %add3A_355 = arith.addi %scan3A_116, %add3A_354 : i32
      %lt3A_356 = arith.constant 32 : i32
      %lt3A_357 = arith.cmpi slt, %add3A_355, %lt3A_356 : i32
      %convert_element_type3A_358 = arith.extui %lt3A_357 : i1 to i32
      %cond3A_359 = arith.constant 0 : i32
      %cond3A_360 = arith.cmpi ne, %convert_element_type3A_358, %cond3A_359 : i32
      scf.if %cond3A_360 {
        %add3A_396 = arith.constant 8 : i32
        %add3A_397 = arith.addi %add3A_329, %add3A_396 : i32
        %sub3A_398 = arith.constant 1 : i32
        %sub3A_399 = arith.subi %add3A_397, %sub3A_398 : i32
        %dma_start3A_400 = arith.constant 0 : i32
        %dma_start3A_401 = tpu.memref_slice %arg6[%sub3A_399, %dma_start3A_400] : memref<256x80xi32, #tpu.memory_space<vmem>> -> memref<1x80xi32, #tpu.memory_space<vmem>>
        %dma_start3A_402 = tpu.memref_squeeze %dma_start3A_401 : memref<1x80xi32, #tpu.memory_space<vmem>> -> memref<80xi32, #tpu.memory_space<vmem>>
        %dma_start3A_403 = arith.constant 0 : i32
        %dma_start3A_404 = arith.constant 0 : i32
        %dma_start3A_405 = tpu.memref_slice %arg2[%arg0, %dma_start3A_403, %dma_start3A_404] : memref<2x10000x64xf32, #tpu.memory_space<hbm>> -> memref<1x10000x64xf32, #tpu.memory_space<hbm>>
        %dma_start3A_406 = tpu.memref_squeeze %dma_start3A_405 : memref<1x10000x64xf32, #tpu.memory_space<hbm>> -> memref<10000x64xf32, #tpu.memory_space<hbm>>
        %dma_start3A_407 = arith.constant 0 : i32
        %dma_start3A_408 = arith.constant 0 : i32
        %dma_start3A_409 = tpu.memref_slice %dma_start3A_406[%dma_start3A_407, %dma_start3A_408] : memref<10000x64xf32, #tpu.memory_space<hbm>> -> memref<10000x64xf32, #tpu.memory_space<hbm>>
        tpu.enqueue_indirect_dma source(%dma_start3A_409 : memref<10000x64xf32, #tpu.memory_space<hbm>>) target(%arg13 : memref<80x64xf32, #tpu.memory_space<vmem>>) offsets(%dma_start3A_402 : memref<80xi32, #tpu.memory_space<vmem>>) semaphore(%arg18 : memref<!tpu.dma_semaphore, #tpu.memory_space<semaphore_mem>>)
      } else {
      }
      %mul3A_361 = arith.constant 8 : i32
      %mul3A_362 = arith.muli %scan3A_116, %mul3A_361 : i32
      %add3A_363 = arith.constant 7 : i32
      %add3A_364 = arith.addi %mul3A_362, %add3A_363 : i32
      %dma_wait3A_365 = arith.constant 0 : i32
      %dma_wait3A_366 = tpu.memref_slice %arg6[%add3A_364, %dma_wait3A_365] : memref<256x80xi32, #tpu.memory_space<vmem>> -> memref<1x80xi32, #tpu.memory_space<vmem>>
      %dma_wait3A_367 = tpu.memref_squeeze %dma_wait3A_366 : memref<1x80xi32, #tpu.memory_space<vmem>> -> memref<80xi32, #tpu.memory_space<vmem>>
      %dma_wait3A_368 = arith.constant 0 : i32
      %dma_wait3A_369 = arith.constant 0 : i32
      %dma_wait3A_370 = tpu.memref_slice %arg2[%arg0, %dma_wait3A_368, %dma_wait3A_369] : memref<2x10000x64xf32, #tpu.memory_space<hbm>> -> memref<1x10000x64xf32, #tpu.memory_space<hbm>>
      %dma_wait3A_371 = tpu.memref_squeeze %dma_wait3A_370 : memref<1x10000x64xf32, #tpu.memory_space<hbm>> -> memref<10000x64xf32, #tpu.memory_space<hbm>>
      %dma_wait3A_372 = arith.constant 0 : i32
      %dma_wait3A_373 = arith.constant 0 : i32
      %dma_wait3A_374 = tpu.memref_slice %dma_wait3A_371[%dma_wait3A_372, %dma_wait3A_373] : memref<10000x64xf32, #tpu.memory_space<hbm>> -> memref<10000x64xf32, #tpu.memory_space<hbm>>
      tpu.wait_indirect_dma semaphore(%arg18 : memref<!tpu.dma_semaphore, #tpu.memory_space<semaphore_mem>>) src(%dma_wait3A_374 : memref<10000x64xf32, #tpu.memory_space<hbm>>) dst(%arg15 : memref<80x64xf32, #tpu.memory_space<vmem>>)
      %dma_start3A_375 = arith.constant 0 : i32
      %dma_start3A_376 = tpu.memref_slice %arg7[%add3A_364, %dma_start3A_375] : memref<256x80xi32, #tpu.memory_space<vmem>> -> memref<1x80xi32, #tpu.memory_space<vmem>>
      %dma_start3A_377 = tpu.memref_squeeze %dma_start3A_376 : memref<1x80xi32, #tpu.memory_space<vmem>> -> memref<80xi32, #tpu.memory_space<vmem>>
      %dma_start3A_378 = arith.constant 0 : i32
      %dma_start3A_379 = arith.constant 0 : i32
      %dma_start3A_380 = tpu.memref_slice %arg17[%dma_start3A_378, %dma_start3A_379] : memref<10240x64xf32, #tpu.memory_space<vmem_shared>> -> memref<10240x64xf32, #tpu.memory_space<vmem_shared>>
      tpu.enqueue_indirect_dma source(%arg15 : memref<80x64xf32, #tpu.memory_space<vmem>>) target(%dma_start3A_380 : memref<10240x64xf32, #tpu.memory_space<vmem_shared>>) offsets(%dma_start3A_377 : memref<80xi32, #tpu.memory_space<vmem>>) semaphore(%arg19 : memref<!tpu.dma_semaphore, #tpu.memory_space<semaphore_mem>>) {add = true}
      %sub3A_381 = arith.constant 1 : i32
      %sub3A_382 = arith.subi %add3A_364, %sub3A_381 : i32
      %dma_wait3A_383 = arith.constant 0 : i32
      %dma_wait3A_384 = tpu.memref_slice %arg7[%sub3A_382, %dma_wait3A_383] : memref<256x80xi32, #tpu.memory_space<vmem>> -> memref<1x80xi32, #tpu.memory_space<vmem>>
      %dma_wait3A_385 = tpu.memref_squeeze %dma_wait3A_384 : memref<1x80xi32, #tpu.memory_space<vmem>> -> memref<80xi32, #tpu.memory_space<vmem>>
      %dma_wait3A_386 = arith.constant 0 : i32
      %dma_wait3A_387 = arith.constant 0 : i32
      %dma_wait3A_388 = tpu.memref_slice %arg17[%dma_wait3A_386, %dma_wait3A_387] : memref<10240x64xf32, #tpu.memory_space<vmem_shared>> -> memref<10240x64xf32, #tpu.memory_space<vmem_shared>>
      tpu.wait_indirect_dma semaphore(%arg19 : memref<!tpu.dma_semaphore, #tpu.memory_space<semaphore_mem>>) src(%arg14 : memref<80x64xf32, #tpu.memory_space<vmem>>) dst(%dma_wait3A_388 : memref<10240x64xf32, #tpu.memory_space<vmem_shared>>)
      %add3A_389 = arith.constant 1 : i32
      %add3A_390 = arith.addi %scan3A_116, %add3A_389 : i32
      %lt3A_391 = arith.constant 32 : i32
      %lt3A_392 = arith.cmpi slt, %add3A_390, %lt3A_391 : i32
      %convert_element_type3A_393 = arith.extui %lt3A_392 : i1 to i32
      %cond3A_394 = arith.constant 0 : i32
      %cond3A_395 = arith.cmpi ne, %convert_element_type3A_393, %cond3A_394 : i32
      scf.if %cond3A_395 {
        %add3A_396 = arith.constant 8 : i32
        %add3A_397 = arith.addi %add3A_364, %add3A_396 : i32
        %sub3A_398 = arith.constant 1 : i32
        %sub3A_399 = arith.subi %add3A_397, %sub3A_398 : i32
        %dma_start3A_400 = arith.constant 0 : i32
        %dma_start3A_401 = tpu.memref_slice %arg6[%sub3A_399, %dma_start3A_400] : memref<256x80xi32, #tpu.memory_space<vmem>> -> memref<1x80xi32, #tpu.memory_space<vmem>>
        %dma_start3A_402 = tpu.memref_squeeze %dma_start3A_401 : memref<1x80xi32, #tpu.memory_space<vmem>> -> memref<80xi32, #tpu.memory_space<vmem>>
        %dma_start3A_403 = arith.constant 0 : i32
        %dma_start3A_404 = arith.constant 0 : i32
        %dma_start3A_405 = tpu.memref_slice %arg2[%arg0, %dma_start3A_403, %dma_start3A_404] : memref<2x10000x64xf32, #tpu.memory_space<hbm>> -> memref<1x10000x64xf32, #tpu.memory_space<hbm>>
        %dma_start3A_406 = tpu.memref_squeeze %dma_start3A_405 : memref<1x10000x64xf32, #tpu.memory_space<hbm>> -> memref<10000x64xf32, #tpu.memory_space<hbm>>
        %dma_start3A_407 = arith.constant 0 : i32
        %dma_start3A_408 = arith.constant 0 : i32
        %dma_start3A_409 = tpu.memref_slice %dma_start3A_406[%dma_start3A_407, %dma_start3A_408] : memref<10000x64xf32, #tpu.memory_space<hbm>> -> memref<10000x64xf32, #tpu.memory_space<hbm>>
        tpu.enqueue_indirect_dma source(%dma_start3A_409 : memref<10000x64xf32, #tpu.memory_space<hbm>>) target(%arg14 : memref<80x64xf32, #tpu.memory_space<vmem>>) offsets(%dma_start3A_402 : memref<80xi32, #tpu.memory_space<vmem>>) semaphore(%arg18 : memref<!tpu.dma_semaphore, #tpu.memory_space<semaphore_mem>>)
      } else {
      }
    }
    %scan3A_104 = arith.constant 32 : i32
    %dma_wait3A = arith.constant 255 : i32
    %dma_wait3A_105 = arith.constant 0 : i32
    %dma_wait3A_106 = tpu.memref_slice %arg7[%dma_wait3A, %dma_wait3A_105] : memref<256x80xi32, #tpu.memory_space<vmem>> -> memref<1x80xi32, #tpu.memory_space<vmem>>
    %dma_wait3A_107 = tpu.memref_squeeze %dma_wait3A_106 : memref<1x80xi32, #tpu.memory_space<vmem>> -> memref<80xi32, #tpu.memory_space<vmem>>
    %dma_wait3A_108 = arith.constant 0 : i32
    %dma_wait3A_109 = arith.constant 0 : i32
    %dma_wait3A_110 = tpu.memref_slice %arg17[%dma_wait3A_108, %dma_wait3A_109] : memref<10240x64xf32, #tpu.memory_space<vmem_shared>> -> memref<10240x64xf32, #tpu.memory_space<vmem_shared>>
    tpu.wait_indirect_dma semaphore(%arg19 : memref<!tpu.dma_semaphore, #tpu.memory_space<semaphore_mem>>) src(%arg15 : memref<80x64xf32, #tpu.memory_space<vmem>>) dst(%dma_wait3A_110 : memref<10240x64xf32, #tpu.memory_space<vmem_shared>>)
    %barrier3A_111 = arith.constant 0 : index
    tpu.barrier barrier_id(%barrier3A_111)
    %mul3A_112 = arith.constant 640 : i32
    %mul3A_113 = arith.muli %arg1, %mul3A_112 : i32
    %mul3A_114 = arith.constant 640 : i32
    %mul3A_115 = arith.muli %arg1, %mul3A_114 : i32
    "tpu.region"() ({
      %run_scoped3A = tpu.sem_alloc : memref<!tpu.dma_semaphore, #tpu.memory_space<semaphore_mem>>
      %dma_start3A_116 = arith.constant 0 : i32
      %dma_start3A_117 = tpu.memref_slice %arg5[%arg0, %mul3A_115, %dma_start3A_116] : memref<2x10240x64xf32, #tpu.memory_space<hbm>> -> memref<1x640x64xf32, #tpu.memory_space<hbm>>
      %dma_start3A_118 = tpu.memref_squeeze %dma_start3A_117 : memref<1x640x64xf32, #tpu.memory_space<hbm>> -> memref<640x64xf32, #tpu.memory_space<hbm>>
      %dma_start3A_119 = arith.constant 0 : i32
      %dma_start3A_120 = tpu.memref_slice %arg17[%mul3A_113, %dma_start3A_119] : memref<10240x64xf32, #tpu.memory_space<vmem_shared>> -> memref<640x64xf32, #tpu.memory_space<vmem_shared>>
      tpu.enqueue_dma source(%dma_start3A_120 : memref<640x64xf32, #tpu.memory_space<vmem_shared>>) target(%dma_start3A_118 : memref<640x64xf32, #tpu.memory_space<hbm>>) target_semaphore(%run_scoped3A : memref<!tpu.dma_semaphore, #tpu.memory_space<semaphore_mem>>)
      %dma_wait3A_121 = arith.constant 0 : i32
      %dma_wait3A_122 = tpu.memref_slice %arg5[%arg0, %mul3A_115, %dma_wait3A_121] : memref<2x10240x64xf32, #tpu.memory_space<hbm>> -> memref<1x640x64xf32, #tpu.memory_space<hbm>>
      %dma_wait3A_123 = tpu.memref_squeeze %dma_wait3A_122 : memref<1x640x64xf32, #tpu.memory_space<hbm>> -> memref<640x64xf32, #tpu.memory_space<hbm>>
      %dma_wait3A_124 = arith.constant 0 : i32
      %dma_wait3A_125 = tpu.memref_slice %arg17[%mul3A_113, %dma_wait3A_124] : memref<10240x64xf32, #tpu.memory_space<vmem_shared>> -> memref<640x64xf32, #tpu.memory_space<vmem_shared>>
      tpu.wait_dma2 semaphore(%run_scoped3A : memref<!tpu.dma_semaphore, #tpu.memory_space<semaphore_mem>>) src(%dma_wait3A_125 : memref<640x64xf32, #tpu.memory_space<vmem_shared>>) dst(%dma_wait3A_123 : memref<640x64xf32, #tpu.memory_space<hbm>>)
      tpu.yield
    }) : () -> ()
    return
  }
}

module attributes {stable_mosaic.version = 14 : i64} {
  func.func @_tc_prep_body(%arg0: i32, %arg1: memref<2000x128xf32, #tpu.memory_space<vmem>>, %arg2: memref<128x128xf32, #tpu.memory_space<vmem>>, %arg3: memref<2x2000x16xf32, #tpu.memory_space<vmem>>, %arg4: memref<2000x128xf32, #tpu.memory_space<vmem>>, %arg5: memref<2x2000x64xf32, #tpu.memory_space<vmem>>) attributes {dimension_semantics = [#tpu.dimension_semantics<arbitrary>], iteration_bounds = array<i64: 5>, scalar_prefetch = 0 : i64, scratch_operands = 0 : i64, tpu.core_type = #tpu.core_type<tc>, window_params = [{transform_indices = @transform_0, window_bounds = array<i64: 2000, 128>}, {pipeline_mode = #tpu.pipeline_mode<synchronous>, transform_indices = @transform_1, window_bounds = array<i64: 128, 128>}, {transform_indices = @transform_2, window_bounds = array<i64: 2, 2000, 16>}, {transform_indices = @transform_3, window_bounds = array<i64: 2000, 128>}, {transform_indices = @transform_4, window_bounds = array<i64: 2, 2000, 64>}]} {
    %get3A = arith.constant 0 : index
    %get3A_0 = arith.constant 0 : index
    %get3A_1 = arith.constant 0 : index
    %get3A_2 = vector.load %arg3[%get3A, %get3A_0, %get3A_1] : memref<2x2000x16xf32, #tpu.memory_space<vmem>>, vector<1x2000x1xf32>
    %get3A_3 = vector.shape_cast %get3A_2 : vector<1x2000x1xf32> to vector<2000x1xf32>
    %get3A_4 = arith.constant 1 : index
    %get3A_5 = arith.constant 0 : index
    %get3A_6 = arith.constant 0 : index
    %get3A_7 = vector.load %arg3[%get3A_4, %get3A_5, %get3A_6] : memref<2x2000x16xf32, #tpu.memory_space<vmem>>, vector<1x2000x1xf32>
    %get3A_8 = vector.shape_cast %get3A_7 : vector<1x2000x1xf32> to vector<2000x1xf32>
    %add3A = arith.addf %get3A_3, %get3A_8 : vector<2000x1xf32>
    %add3A_9 = arith.constant 1.000000e+00 : f32
    %add3A_10 = vector.broadcast %add3A_9 : f32 to vector<2000x1xf32>
    %add3A_11 = arith.addf %add3A, %add3A_10 : vector<2000x1xf32>
    %rsqrt3A = math.rsqrt %add3A_11 : vector<2000x1xf32>
    %get3A_12 = arith.constant 0 : index
    %get3A_13 = arith.constant 0 : index
    %get3A_14 = vector.load %arg1[%get3A_12, %get3A_13] : memref<2000x128xf32, #tpu.memory_space<vmem>>, vector<2000x128xf32>
    %get3A_15 = arith.constant 0 : index
    %get3A_16 = arith.constant 0 : index
    %get3A_17 = vector.load %arg2[%get3A_15, %get3A_16] : memref<128x128xf32, #tpu.memory_space<vmem>>, vector<128x128xf32>
    %dot_general3A = arith.constant dense<0.000000e+00> : vector<2000x128xf32>
    %dot_general3A_18 = tpu.matmul %get3A_14, %get3A_17, %dot_general3A {dimension_numbers = #tpu.dot_dimension_numbers<[1], [0], [0], [1], [0, 0, 1, 1], [], []>, transpose_lhs_hint = false} : vector<2000x128xf32>, vector<128x128xf32>, vector<2000x128xf32> -> vector<2000x128xf32>
    %swap3A = arith.constant 0 : index
    %swap3A_19 = arith.constant 0 : index
    %swap3A_20 = vector.load %arg4[%swap3A, %swap3A_19] : memref<2000x128xf32, #tpu.memory_space<vmem>>, vector<2000x128xf32>
    tpu.vector_store %arg4[%swap3A, %swap3A_19], %dot_general3A_18 {strides = array<i32>} : memref<2000x128xf32, #tpu.memory_space<vmem>>, vector<2000x128xf32>,
    %mul3A = vector.broadcast %rsqrt3A : vector<2000x1xf32> to vector<2000x128xf32>
    %mul3A_21 = arith.mulf %dot_general3A_18, %mul3A : vector<2000x128xf32>
    %slice3A = vector.extract_strided_slice %mul3A_21 {offsets = [0, 0], sizes = [2000, 64], strides = [1, 1]} : vector<2000x128xf32> to vector<2000x64xf32>
    %swap3A_22 = arith.constant 0 : index
    %swap3A_23 = arith.constant 0 : index
    %swap3A_24 = arith.constant 0 : index
    %swap3A_25 = vector.load %arg5[%swap3A_22, %swap3A_23, %swap3A_24] : memref<2x2000x64xf32, #tpu.memory_space<vmem>>, vector<1x2000x64xf32>
    %swap3A_26 = vector.shape_cast %swap3A_25 : vector<1x2000x64xf32> to vector<2000x64xf32>
    %swap3A_27 = vector.shape_cast %slice3A : vector<2000x64xf32> to vector<1x2000x64xf32>
    tpu.vector_store %arg5[%swap3A_22, %swap3A_23, %swap3A_24], %swap3A_27 {strides = array<i32>} : memref<2x2000x64xf32, #tpu.memory_space<vmem>>, vector<1x2000x64xf32>,
    %slice3A_28 = vector.extract_strided_slice %mul3A_21 {offsets = [0, 64], sizes = [2000, 64], strides = [1, 1]} : vector<2000x128xf32> to vector<2000x64xf32>
    %swap3A_29 = arith.constant 1 : index
    %swap3A_30 = arith.constant 0 : index
    %swap3A_31 = arith.constant 0 : index
    %swap3A_32 = vector.load %arg5[%swap3A_29, %swap3A_30, %swap3A_31] : memref<2x2000x64xf32, #tpu.memory_space<vmem>>, vector<1x2000x64xf32>
    %swap3A_33 = vector.shape_cast %swap3A_32 : vector<1x2000x64xf32> to vector<2000x64xf32>
    %swap3A_34 = vector.shape_cast %slice3A_28 : vector<2000x64xf32> to vector<1x2000x64xf32>
    tpu.vector_store %arg5[%swap3A_29, %swap3A_30, %swap3A_31], %swap3A_34 {strides = array<i32>} : memref<2x2000x64xf32, #tpu.memory_space<vmem>>, vector<1x2000x64xf32>,
    return
  }
  func.func @transform_0(%arg0: i32) -> (i32, i32) {
    %c0_i32 = arith.constant 0 : i32
    %c0_i32_0 = arith.constant 0 : i32
    return %arg0, %c0_i32 : i32, i32
  }
  func.func @transform_1(%arg0: i32) -> (i32, i32) {
    %c0_i32 = arith.constant 0 : i32
    %c0_i32_0 = arith.constant 0 : i32
    %c0_i32_1 = arith.constant 0 : i32
    return %c0_i32, %c0_i32_0 : i32, i32
  }
  func.func @transform_2(%arg0: i32) -> (i32, i32, i32) {
    %c0_i32 = arith.constant 0 : i32
    %c0_i32_0 = arith.constant 0 : i32
    %c0_i32_1 = arith.constant 0 : i32
    return %c0_i32, %arg0, %c0_i32_0 : i32, i32, i32
  }
  func.func @transform_3(%arg0: i32) -> (i32, i32) {
    %c0_i32 = arith.constant 0 : i32
    %c0_i32_0 = arith.constant 0 : i32
    return %arg0, %c0_i32 : i32, i32
  }
  func.func @transform_4(%arg0: i32) -> (i32, i32, i32) {
    %c0_i32 = arith.constant 0 : i32
    %c0_i32_0 = arith.constant 0 : i32
    %c0_i32_1 = arith.constant 0 : i32
    return %c0_i32, %arg0, %c0_i32_0 : i32, i32, i32
  }
}

module attributes {stable_mosaic.version = 14 : i64} {
  func.func @_tc_mid_body(%arg0: i32, %arg1: memref<2x2000x64xf32, #tpu.memory_space<vmem>>, %arg2: memref<2000x128xf32, #tpu.memory_space<vmem>>, %arg3: memref<2x2000x16xf32, #tpu.memory_space<vmem>>, %arg4: memref<1x128xf32, #tpu.memory_space<vmem>>, %arg5: memref<1x128xf32, #tpu.memory_space<vmem>>, %arg6: memref<1x128xf32, #tpu.memory_space<vmem>>, %arg7: memref<128x128xf32, #tpu.memory_space<vmem>>, %arg8: memref<2000x128xf32, #tpu.memory_space<vmem>>, %arg9: memref<2x2000x64xf32, #tpu.memory_space<vmem>>) attributes {dimension_semantics = [#tpu.dimension_semantics<arbitrary>], iteration_bounds = array<i64: 5>, scalar_prefetch = 0 : i64, scratch_operands = 0 : i64, tpu.core_type = #tpu.core_type<tc>, window_params = [{transform_indices = @transform_0, window_bounds = array<i64: 2, 2000, 64>}, {transform_indices = @transform_1, window_bounds = array<i64: 2000, 128>}, {transform_indices = @transform_2, window_bounds = array<i64: 2, 2000, 16>}, {pipeline_mode = #tpu.pipeline_mode<synchronous>, transform_indices = @transform_3, window_bounds = array<i64: 1, 128>}, {pipeline_mode = #tpu.pipeline_mode<synchronous>, transform_indices = @transform_4, window_bounds = array<i64: 1, 128>}, {pipeline_mode = #tpu.pipeline_mode<synchronous>, transform_indices = @transform_5, window_bounds = array<i64: 1, 128>}, {pipeline_mode = #tpu.pipeline_mode<synchronous>, transform_indices = @transform_6, window_bounds = array<i64: 128, 128>}, {transform_indices = @transform_7, window_bounds = array<i64: 2000, 128>}, {transform_indices = @transform_8, window_bounds = array<i64: 2, 2000, 64>}]} {
    %get3A = arith.constant 0 : index
    %get3A_0 = arith.constant 0 : index
    %get3A_1 = arith.constant 0 : index
    %get3A_2 = vector.load %arg3[%get3A, %get3A_0, %get3A_1] : memref<2x2000x16xf32, #tpu.memory_space<vmem>>, vector<1x2000x1xf32>
    %get3A_3 = vector.shape_cast %get3A_2 : vector<1x2000x1xf32> to vector<2000x1xf32>
    %get3A_4 = arith.constant 1 : index
    %get3A_5 = arith.constant 0 : index
    %get3A_6 = arith.constant 0 : index
    %get3A_7 = vector.load %arg3[%get3A_4, %get3A_5, %get3A_6] : memref<2x2000x16xf32, #tpu.memory_space<vmem>>, vector<1x2000x1xf32>
    %get3A_8 = vector.shape_cast %get3A_7 : vector<1x2000x1xf32> to vector<2000x1xf32>
    %add3A = arith.addf %get3A_3, %get3A_8 : vector<2000x1xf32>
    %add3A_9 = arith.constant 1.000000e+00 : f32
    %add3A_10 = vector.broadcast %add3A_9 : f32 to vector<2000x1xf32>
    %add3A_11 = arith.addf %add3A, %add3A_10 : vector<2000x1xf32>
    %rsqrt3A = math.rsqrt %add3A_11 : vector<2000x1xf32>
    %get3A_12 = arith.constant 0 : index
    %get3A_13 = arith.constant 0 : index
    %get3A_14 = arith.constant 0 : index
    %get3A_15 = vector.load %arg1[%get3A_12, %get3A_13, %get3A_14] : memref<2x2000x64xf32, #tpu.memory_space<vmem>>, vector<1x2000x64xf32>
    %get3A_16 = vector.shape_cast %get3A_15 : vector<1x2000x64xf32> to vector<2000x64xf32>
    %get3A_17 = arith.constant 1 : index
    %get3A_18 = arith.constant 0 : index
    %get3A_19 = arith.constant 0 : index
    %get3A_20 = vector.load %arg1[%get3A_17, %get3A_18, %get3A_19] : memref<2x2000x64xf32, #tpu.memory_space<vmem>>, vector<1x2000x64xf32>
    %get3A_21 = vector.shape_cast %get3A_20 : vector<1x2000x64xf32> to vector<2000x64xf32>
    %concatenate3A = tpu.concatenate %get3A_16, %get3A_21 in 1 : vector<2000x64xf32>, vector<2000x64xf32> -> vector<2000x128xf32>
    %mul3A = vector.broadcast %rsqrt3A : vector<2000x1xf32> to vector<2000x128xf32>
    %mul3A_22 = arith.mulf %concatenate3A, %mul3A : vector<2000x128xf32>
    %get3A_23 = arith.constant 0 : index
    %get3A_24 = arith.constant 0 : index
    %get3A_25 = vector.load %arg2[%get3A_23, %get3A_24] : memref<2000x128xf32, #tpu.memory_space<vmem>>, vector<2000x128xf32>
    %mul3A_26 = arith.mulf %rsqrt3A, %rsqrt3A : vector<2000x1xf32>
    %mul3A_27 = vector.broadcast %mul3A_26 : vector<2000x1xf32> to vector<2000x128xf32>
    %mul3A_28 = arith.mulf %get3A_25, %mul3A_27 : vector<2000x128xf32>
    %add3A_29 = arith.addf %mul3A_22, %mul3A_28 : vector<2000x128xf32>
    %get3A_30 = arith.constant 0 : index
    %get3A_31 = arith.constant 0 : index
    %get3A_32 = vector.load %arg4[%get3A_30, %get3A_31] : memref<1x128xf32, #tpu.memory_space<vmem>>, vector<1x128xf32>
    %add3A_33 = vector.broadcast %get3A_32 : vector<1x128xf32> to vector<2000x128xf32>
    %add3A_34 = arith.addf %add3A_29, %add3A_33 : vector<2000x128xf32>
    %max3A = arith.constant 0.000000e+00 : f32
    %max3A_35 = vector.broadcast %max3A : f32 to vector<2000x128xf32>
    %max3A_36 = arith.maximumf %add3A_34, %max3A_35 : vector<2000x128xf32>
    %reduce_sum3A = arith.constant dense<0.000000e+00> : vector<2000xf32>
    %reduce_sum3A_37 = vector.multi_reduction <add>, %max3A_36, %reduce_sum3A [1] : vector<2000x128xf32> to vector<2000xf32>
    %broadcast_in_dim3A = vector.shape_cast %reduce_sum3A_37 : vector<2000xf32> to vector<2000x1xf32>
    %div3A = arith.constant 1.280000e+02 : f32
    %div3A_38 = vector.broadcast %div3A : f32 to vector<2000x1xf32>
    %div3A_39 = arith.divf %broadcast_in_dim3A, %div3A_38 : vector<2000x1xf32>
    %sub3A = vector.broadcast %div3A_39 : vector<2000x1xf32> to vector<2000x128xf32>
    %sub3A_40 = arith.subf %max3A_36, %sub3A : vector<2000x128xf32>
    %mul3A_41 = arith.mulf %sub3A_40, %sub3A_40 : vector<2000x128xf32>
    %reduce_sum3A_42 = arith.constant dense<0.000000e+00> : vector<2000xf32>
    %reduce_sum3A_43 = vector.multi_reduction <add>, %mul3A_41, %reduce_sum3A_42 [1] : vector<2000x128xf32> to vector<2000xf32>
    %broadcast_in_dim3A_44 = vector.shape_cast %reduce_sum3A_43 : vector<2000xf32> to vector<2000x1xf32>
    %div3A_45 = arith.constant 1.280000e+02 : f32
    %div3A_46 = vector.broadcast %div3A_45 : f32 to vector<2000x1xf32>
    %div3A_47 = arith.divf %broadcast_in_dim3A_44, %div3A_46 : vector<2000x1xf32>
    %add3A_48 = arith.constant 9.99999974E-6 : f32
    %add3A_49 = vector.broadcast %add3A_48 : f32 to vector<2000x1xf32>
    %add3A_50 = arith.addf %div3A_47, %add3A_49 : vector<2000x1xf32>
    %rsqrt3A_51 = math.rsqrt %add3A_50 : vector<2000x1xf32>
    %mul3A_52 = vector.broadcast %rsqrt3A_51 : vector<2000x1xf32> to vector<2000x128xf32>
    %mul3A_53 = arith.mulf %sub3A_40, %mul3A_52 : vector<2000x128xf32>
    %get3A_54 = arith.constant 0 : index
    %get3A_55 = arith.constant 0 : index
    %get3A_56 = vector.load %arg5[%get3A_54, %get3A_55] : memref<1x128xf32, #tpu.memory_space<vmem>>, vector<1x128xf32>
    %mul3A_57 = vector.broadcast %get3A_56 : vector<1x128xf32> to vector<2000x128xf32>
    %mul3A_58 = arith.mulf %mul3A_53, %mul3A_57 : vector<2000x128xf32>
    %get3A_59 = arith.constant 0 : index
    %get3A_60 = arith.constant 0 : index
    %get3A_61 = vector.load %arg6[%get3A_59, %get3A_60] : memref<1x128xf32, #tpu.memory_space<vmem>>, vector<1x128xf32>
    %add3A_62 = vector.broadcast %get3A_61 : vector<1x128xf32> to vector<2000x128xf32>
    %add3A_63 = arith.addf %mul3A_58, %add3A_62 : vector<2000x128xf32>
    %get3A_64 = arith.constant 0 : index
    %get3A_65 = arith.constant 0 : index
    %get3A_66 = vector.load %arg7[%get3A_64, %get3A_65] : memref<128x128xf32, #tpu.memory_space<vmem>>, vector<128x128xf32>
    %dot_general3A = arith.constant dense<0.000000e+00> : vector<2000x128xf32>
    %dot_general3A_67 = tpu.matmul %add3A_63, %get3A_66, %dot_general3A {dimension_numbers = #tpu.dot_dimension_numbers<[1], [0], [0], [1], [0, 0, 1, 1], [], []>, transpose_lhs_hint = false} : vector<2000x128xf32>, vector<128x128xf32>, vector<2000x128xf32> -> vector<2000x128xf32>
    %swap3A = arith.constant 0 : index
    %swap3A_68 = arith.constant 0 : index
    %swap3A_69 = vector.load %arg8[%swap3A, %swap3A_68] : memref<2000x128xf32, #tpu.memory_space<vmem>>, vector<2000x128xf32>
    tpu.vector_store %arg8[%swap3A, %swap3A_68], %dot_general3A_67 {strides = array<i32>} : memref<2000x128xf32, #tpu.memory_space<vmem>>, vector<2000x128xf32>,
    %mul3A_70 = vector.broadcast %rsqrt3A : vector<2000x1xf32> to vector<2000x128xf32>
    %mul3A_71 = arith.mulf %dot_general3A_67, %mul3A_70 : vector<2000x128xf32>
    %slice3A = vector.extract_strided_slice %mul3A_71 {offsets = [0, 0], sizes = [2000, 64], strides = [1, 1]} : vector<2000x128xf32> to vector<2000x64xf32>
    %swap3A_72 = arith.constant 0 : index
    %swap3A_73 = arith.constant 0 : index
    %swap3A_74 = arith.constant 0 : index
    %swap3A_75 = vector.load %arg9[%swap3A_72, %swap3A_73, %swap3A_74] : memref<2x2000x64xf32, #tpu.memory_space<vmem>>, vector<1x2000x64xf32>
    %swap3A_76 = vector.shape_cast %swap3A_75 : vector<1x2000x64xf32> to vector<2000x64xf32>
    %swap3A_77 = vector.shape_cast %slice3A : vector<2000x64xf32> to vector<1x2000x64xf32>
    tpu.vector_store %arg9[%swap3A_72, %swap3A_73, %swap3A_74], %swap3A_77 {strides = array<i32>} : memref<2x2000x64xf32, #tpu.memory_space<vmem>>, vector<1x2000x64xf32>,
    %slice3A_78 = vector.extract_strided_slice %mul3A_71 {offsets = [0, 64], sizes = [2000, 64], strides = [1, 1]} : vector<2000x128xf32> to vector<2000x64xf32>
    %swap3A_79 = arith.constant 1 : index
    %swap3A_80 = arith.constant 0 : index
    %swap3A_81 = arith.constant 0 : index
    %swap3A_82 = vector.load %arg9[%swap3A_79, %swap3A_80, %swap3A_81] : memref<2x2000x64xf32, #tpu.memory_space<vmem>>, vector<1x2000x64xf32>
    %swap3A_83 = vector.shape_cast %swap3A_82 : vector<1x2000x64xf32> to vector<2000x64xf32>
    %swap3A_84 = vector.shape_cast %slice3A_78 : vector<2000x64xf32> to vector<1x2000x64xf32>
    tpu.vector_store %arg9[%swap3A_79, %swap3A_80, %swap3A_81], %swap3A_84 {strides = array<i32>} : memref<2x2000x64xf32, #tpu.memory_space<vmem>>, vector<1x2000x64xf32>,
    return
  }
  func.func @transform_0(%arg0: i32) -> (i32, i32, i32) {
    %c0_i32 = arith.constant 0 : i32
    %c0_i32_0 = arith.constant 0 : i32
    %c0_i32_1 = arith.constant 0 : i32
    return %c0_i32, %arg0, %c0_i32_0 : i32, i32, i32
  }
  func.func @transform_1(%arg0: i32) -> (i32, i32) {
    %c0_i32 = arith.constant 0 : i32
    %c0_i32_0 = arith.constant 0 : i32
    return %arg0, %c0_i32 : i32, i32
  }
  func.func @transform_2(%arg0: i32) -> (i32, i32, i32) {
    %c0_i32 = arith.constant 0 : i32
    %c0_i32_0 = arith.constant 0 : i32
    %c0_i32_1 = arith.constant 0 : i32
    return %c0_i32, %arg0, %c0_i32_0 : i32, i32, i32
  }
  func.func @transform_3(%arg0: i32) -> (i32, i32) {
    %c0_i32 = arith.constant 0 : i32
    %c0_i32_0 = arith.constant 0 : i32
    %c0_i32_1 = arith.constant 0 : i32
    return %c0_i32, %c0_i32_0 : i32, i32
  }
  func.func @transform_4(%arg0: i32) -> (i32, i32) {
    %c0_i32 = arith.constant 0 : i32
    %c0_i32_0 = arith.constant 0 : i32
    %c0_i32_1 = arith.constant 0 : i32
    return %c0_i32, %c0_i32_0 : i32, i32
  }
  func.func @transform_5(%arg0: i32) -> (i32, i32) {
    %c0_i32 = arith.constant 0 : i32
    %c0_i32_0 = arith.constant 0 : i32
    %c0_i32_1 = arith.constant 0 : i32
    return %c0_i32, %c0_i32_0 : i32, i32
  }
  func.func @transform_6(%arg0: i32) -> (i32, i32) {
    %c0_i32 = arith.constant 0 : i32
    %c0_i32_0 = arith.constant 0 : i32
    %c0_i32_1 = arith.constant 0 : i32
    return %c0_i32, %c0_i32_0 : i32, i32
  }
  func.func @transform_7(%arg0: i32) -> (i32, i32) {
    %c0_i32 = arith.constant 0 : i32
    %c0_i32_0 = arith.constant 0 : i32
    return %arg0, %c0_i32 : i32, i32
  }
  func.func @transform_8(%arg0: i32) -> (i32, i32, i32) {
    %c0_i32 = arith.constant 0 : i32
    %c0_i32_0 = arith.constant 0 : i32
    %c0_i32_1 = arith.constant 0 : i32
    return %c0_i32, %arg0, %c0_i32_0 : i32, i32, i32
  }
}

module attributes {stable_mosaic.version = 14 : i64} {
  func.func @_tc_final_body(%arg0: i32, %arg1: memref<2x2000x64xf32, #tpu.memory_space<vmem>>, %arg2: memref<2000x128xf32, #tpu.memory_space<vmem>>, %arg3: memref<2x2000x16xf32, #tpu.memory_space<vmem>>, %arg4: memref<1x128xf32, #tpu.memory_space<vmem>>, %arg5: memref<1x128xf32, #tpu.memory_space<vmem>>, %arg6: memref<1x128xf32, #tpu.memory_space<vmem>>, %arg7: memref<128x128xf32, #tpu.memory_space<vmem>>, %arg8: memref<1x128xf32, #tpu.memory_space<vmem>>, %arg9: memref<128x128xf32, #tpu.memory_space<vmem>>, %arg10: memref<1x128xf32, #tpu.memory_space<vmem>>, %arg11: memref<2000x128xf32, #tpu.memory_space<vmem>>) attributes {dimension_semantics = [#tpu.dimension_semantics<arbitrary>], iteration_bounds = array<i64: 5>, scalar_prefetch = 0 : i64, scratch_operands = 0 : i64, tpu.core_type = #tpu.core_type<tc>, window_params = [{transform_indices = @transform_0, window_bounds = array<i64: 2, 2000, 64>}, {transform_indices = @transform_1, window_bounds = array<i64: 2000, 128>}, {transform_indices = @transform_2, window_bounds = array<i64: 2, 2000, 16>}, {pipeline_mode = #tpu.pipeline_mode<synchronous>, transform_indices = @transform_3, window_bounds = array<i64: 1, 128>}, {pipeline_mode = #tpu.pipeline_mode<synchronous>, transform_indices = @transform_4, window_bounds = array<i64: 1, 128>}, {pipeline_mode = #tpu.pipeline_mode<synchronous>, transform_indices = @transform_5, window_bounds = array<i64: 1, 128>}, {pipeline_mode = #tpu.pipeline_mode<synchronous>, transform_indices = @transform_6, window_bounds = array<i64: 128, 128>}, {pipeline_mode = #tpu.pipeline_mode<synchronous>, transform_indices = @transform_7, window_bounds = array<i64: 1, 128>}, {pipeline_mode = #tpu.pipeline_mode<synchronous>, transform_indices = @transform_8, window_bounds = array<i64: 128, 128>}, {pipeline_mode = #tpu.pipeline_mode<synchronous>, transform_indices = @transform_9, window_bounds = array<i64: 1, 128>}, {transform_indices = @transform_10, window_bounds = array<i64: 2000, 128>}]} {
    %get3A = arith.constant 0 : index
    %get3A_0 = arith.constant 0 : index
    %get3A_1 = arith.constant 0 : index
    %get3A_2 = vector.load %arg3[%get3A, %get3A_0, %get3A_1] : memref<2x2000x16xf32, #tpu.memory_space<vmem>>, vector<1x2000x1xf32>
    %get3A_3 = vector.shape_cast %get3A_2 : vector<1x2000x1xf32> to vector<2000x1xf32>
    %get3A_4 = arith.constant 1 : index
    %get3A_5 = arith.constant 0 : index
    %get3A_6 = arith.constant 0 : index
    %get3A_7 = vector.load %arg3[%get3A_4, %get3A_5, %get3A_6] : memref<2x2000x16xf32, #tpu.memory_space<vmem>>, vector<1x2000x1xf32>
    %get3A_8 = vector.shape_cast %get3A_7 : vector<1x2000x1xf32> to vector<2000x1xf32>
    %add3A = arith.addf %get3A_3, %get3A_8 : vector<2000x1xf32>
    %add3A_9 = arith.constant 1.000000e+00 : f32
    %add3A_10 = vector.broadcast %add3A_9 : f32 to vector<2000x1xf32>
    %add3A_11 = arith.addf %add3A, %add3A_10 : vector<2000x1xf32>
    %rsqrt3A = math.rsqrt %add3A_11 : vector<2000x1xf32>
    %get3A_12 = arith.constant 0 : index
    %get3A_13 = arith.constant 0 : index
    %get3A_14 = arith.constant 0 : index
    %get3A_15 = vector.load %arg1[%get3A_12, %get3A_13, %get3A_14] : memref<2x2000x64xf32, #tpu.memory_space<vmem>>, vector<1x2000x64xf32>
    %get3A_16 = vector.shape_cast %get3A_15 : vector<1x2000x64xf32> to vector<2000x64xf32>
    %get3A_17 = arith.constant 1 : index
    %get3A_18 = arith.constant 0 : index
    %get3A_19 = arith.constant 0 : index
    %get3A_20 = vector.load %arg1[%get3A_17, %get3A_18, %get3A_19] : memref<2x2000x64xf32, #tpu.memory_space<vmem>>, vector<1x2000x64xf32>
    %get3A_21 = vector.shape_cast %get3A_20 : vector<1x2000x64xf32> to vector<2000x64xf32>
    %concatenate3A = tpu.concatenate %get3A_16, %get3A_21 in 1 : vector<2000x64xf32>, vector<2000x64xf32> -> vector<2000x128xf32>
    %mul3A = vector.broadcast %rsqrt3A : vector<2000x1xf32> to vector<2000x128xf32>
    %mul3A_22 = arith.mulf %concatenate3A, %mul3A : vector<2000x128xf32>
    %get3A_23 = arith.constant 0 : index
    %get3A_24 = arith.constant 0 : index
    %get3A_25 = vector.load %arg2[%get3A_23, %get3A_24] : memref<2000x128xf32, #tpu.memory_space<vmem>>, vector<2000x128xf32>
    %mul3A_26 = arith.mulf %rsqrt3A, %rsqrt3A : vector<2000x1xf32>
    %mul3A_27 = vector.broadcast %mul3A_26 : vector<2000x1xf32> to vector<2000x128xf32>
    %mul3A_28 = arith.mulf %get3A_25, %mul3A_27 : vector<2000x128xf32>
    %add3A_29 = arith.addf %mul3A_22, %mul3A_28 : vector<2000x128xf32>
    %get3A_30 = arith.constant 0 : index
    %get3A_31 = arith.constant 0 : index
    %get3A_32 = vector.load %arg4[%get3A_30, %get3A_31] : memref<1x128xf32, #tpu.memory_space<vmem>>, vector<1x128xf32>
    %add3A_33 = vector.broadcast %get3A_32 : vector<1x128xf32> to vector<2000x128xf32>
    %add3A_34 = arith.addf %add3A_29, %add3A_33 : vector<2000x128xf32>
    %max3A = arith.constant 0.000000e+00 : f32
    %max3A_35 = vector.broadcast %max3A : f32 to vector<2000x128xf32>
    %max3A_36 = arith.maximumf %add3A_34, %max3A_35 : vector<2000x128xf32>
    %reduce_sum3A = arith.constant dense<0.000000e+00> : vector<2000xf32>
    %reduce_sum3A_37 = vector.multi_reduction <add>, %max3A_36, %reduce_sum3A [1] : vector<2000x128xf32> to vector<2000xf32>
    %broadcast_in_dim3A = vector.shape_cast %reduce_sum3A_37 : vector<2000xf32> to vector<2000x1xf32>
    %div3A = arith.constant 1.280000e+02 : f32
    %div3A_38 = vector.broadcast %div3A : f32 to vector<2000x1xf32>
    %div3A_39 = arith.divf %broadcast_in_dim3A, %div3A_38 : vector<2000x1xf32>
    %sub3A = vector.broadcast %div3A_39 : vector<2000x1xf32> to vector<2000x128xf32>
    %sub3A_40 = arith.subf %max3A_36, %sub3A : vector<2000x128xf32>
    %mul3A_41 = arith.mulf %sub3A_40, %sub3A_40 : vector<2000x128xf32>
    %reduce_sum3A_42 = arith.constant dense<0.000000e+00> : vector<2000xf32>
    %reduce_sum3A_43 = vector.multi_reduction <add>, %mul3A_41, %reduce_sum3A_42 [1] : vector<2000x128xf32> to vector<2000xf32>
    %broadcast_in_dim3A_44 = vector.shape_cast %reduce_sum3A_43 : vector<2000xf32> to vector<2000x1xf32>
    %div3A_45 = arith.constant 1.280000e+02 : f32
    %div3A_46 = vector.broadcast %div3A_45 : f32 to vector<2000x1xf32>
    %div3A_47 = arith.divf %broadcast_in_dim3A_44, %div3A_46 : vector<2000x1xf32>
    %add3A_48 = arith.constant 9.99999974E-6 : f32
    %add3A_49 = vector.broadcast %add3A_48 : f32 to vector<2000x1xf32>
    %add3A_50 = arith.addf %div3A_47, %add3A_49 : vector<2000x1xf32>
    %rsqrt3A_51 = math.rsqrt %add3A_50 : vector<2000x1xf32>
    %mul3A_52 = vector.broadcast %rsqrt3A_51 : vector<2000x1xf32> to vector<2000x128xf32>
    %mul3A_53 = arith.mulf %sub3A_40, %mul3A_52 : vector<2000x128xf32>
    %get3A_54 = arith.constant 0 : index
    %get3A_55 = arith.constant 0 : index
    %get3A_56 = vector.load %arg5[%get3A_54, %get3A_55] : memref<1x128xf32, #tpu.memory_space<vmem>>, vector<1x128xf32>
    %mul3A_57 = vector.broadcast %get3A_56 : vector<1x128xf32> to vector<2000x128xf32>
    %mul3A_58 = arith.mulf %mul3A_53, %mul3A_57 : vector<2000x128xf32>
    %get3A_59 = arith.constant 0 : index
    %get3A_60 = arith.constant 0 : index
    %get3A_61 = vector.load %arg6[%get3A_59, %get3A_60] : memref<1x128xf32, #tpu.memory_space<vmem>>, vector<1x128xf32>
    %add3A_62 = vector.broadcast %get3A_61 : vector<1x128xf32> to vector<2000x128xf32>
    %add3A_63 = arith.addf %mul3A_58, %add3A_62 : vector<2000x128xf32>
    %get3A_64 = arith.constant 0 : index
    %get3A_65 = arith.constant 0 : index
    %get3A_66 = vector.load %arg7[%get3A_64, %get3A_65] : memref<128x128xf32, #tpu.memory_space<vmem>>, vector<128x128xf32>
    %dot_general3A = arith.constant dense<0.000000e+00> : vector<2000x128xf32>
    %dot_general3A_67 = tpu.matmul %add3A_63, %get3A_66, %dot_general3A {dimension_numbers = #tpu.dot_dimension_numbers<[1], [0], [0], [1], [0, 0, 1, 1], [], []>, transpose_lhs_hint = false} : vector<2000x128xf32>, vector<128x128xf32>, vector<2000x128xf32> -> vector<2000x128xf32>
    %get3A_68 = arith.constant 0 : index
    %get3A_69 = arith.constant 0 : index
    %get3A_70 = vector.load %arg8[%get3A_68, %get3A_69] : memref<1x128xf32, #tpu.memory_space<vmem>>, vector<1x128xf32>
    %add3A_71 = vector.broadcast %get3A_70 : vector<1x128xf32> to vector<2000x128xf32>
    %add3A_72 = arith.addf %dot_general3A_67, %add3A_71 : vector<2000x128xf32>
    %max3A_73 = arith.constant 0.000000e+00 : f32
    %max3A_74 = vector.broadcast %max3A_73 : f32 to vector<2000x128xf32>
    %max3A_75 = arith.maximumf %add3A_72, %max3A_74 : vector<2000x128xf32>
    %get3A_76 = arith.constant 0 : index
    %get3A_77 = arith.constant 0 : index
    %get3A_78 = vector.load %arg9[%get3A_76, %get3A_77] : memref<128x128xf32, #tpu.memory_space<vmem>>, vector<128x128xf32>
    %dot_general3A_79 = arith.constant dense<0.000000e+00> : vector<2000x128xf32>
    %dot_general3A_80 = tpu.matmul %max3A_75, %get3A_78, %dot_general3A_79 {dimension_numbers = #tpu.dot_dimension_numbers<[1], [0], [0], [1], [0, 0, 1, 1], [], []>, transpose_lhs_hint = false} : vector<2000x128xf32>, vector<128x128xf32>, vector<2000x128xf32> -> vector<2000x128xf32>
    %get3A_81 = arith.constant 0 : index
    %get3A_82 = arith.constant 0 : index
    %get3A_83 = vector.load %arg10[%get3A_81, %get3A_82] : memref<1x128xf32, #tpu.memory_space<vmem>>, vector<1x128xf32>
    %add3A_84 = vector.broadcast %get3A_83 : vector<1x128xf32> to vector<2000x128xf32>
    %add3A_85 = arith.addf %dot_general3A_80, %add3A_84 : vector<2000x128xf32>
    %swap3A = arith.constant 0 : index
    %swap3A_86 = arith.constant 0 : index
    %swap3A_87 = vector.load %arg11[%swap3A, %swap3A_86] : memref<2000x128xf32, #tpu.memory_space<vmem>>, vector<2000x128xf32>
    tpu.vector_store %arg11[%swap3A, %swap3A_86], %add3A_85 {strides = array<i32>} : memref<2000x128xf32, #tpu.memory_space<vmem>>, vector<2000x128xf32>,
    return
  }
  func.func @transform_0(%arg0: i32) -> (i32, i32, i32) {
    %c0_i32 = arith.constant 0 : i32
    %c0_i32_0 = arith.constant 0 : i32
    %c0_i32_1 = arith.constant 0 : i32
    return %c0_i32, %arg0, %c0_i32_0 : i32, i32, i32
  }
  func.func @transform_1(%arg0: i32) -> (i32, i32) {
    %c0_i32 = arith.constant 0 : i32
    %c0_i32_0 = arith.constant 0 : i32
    return %arg0, %c0_i32 : i32, i32
  }
  func.func @transform_2(%arg0: i32) -> (i32, i32, i32) {
    %c0_i32 = arith.constant 0 : i32
    %c0_i32_0 = arith.constant 0 : i32
    %c0_i32_1 = arith.constant 0 : i32
    return %c0_i32, %arg0, %c0_i32_0 : i32, i32, i32
  }
  func.func @transform_3(%arg0: i32) -> (i32, i32) {
    %c0_i32 = arith.constant 0 : i32
    %c0_i32_0 = arith.constant 0 : i32
    %c0_i32_1 = arith.constant 0 : i32
    return %c0_i32, %c0_i32_0 : i32, i32
  }
  func.func @transform_4(%arg0: i32) -> (i32, i32) {
    %c0_i32 = arith.constant 0 : i32
    %c0_i32_0 = arith.constant 0 : i32
    %c0_i32_1 = arith.constant 0 : i32
    return %c0_i32, %c0_i32_0 : i32, i32
  }
  func.func @transform_5(%arg0: i32) -> (i32, i32) {
    %c0_i32 = arith.constant 0 : i32
    %c0_i32_0 = arith.constant 0 : i32
    %c0_i32_1 = arith.constant 0 : i32
    return %c0_i32, %c0_i32_0 : i32, i32
  }
  func.func @transform_6(%arg0: i32) -> (i32, i32) {
    %c0_i32 = arith.constant 0 : i32
    %c0_i32_0 = arith.constant 0 : i32
    %c0_i32_1 = arith.constant 0 : i32
    return %c0_i32, %c0_i32_0 : i32, i32
  }
  func.func @transform_7(%arg0: i32) -> (i32, i32) {
    %c0_i32 = arith.constant 0 : i32
    %c0_i32_0 = arith.constant 0 : i32
    %c0_i32_1 = arith.constant 0 : i32
    return %c0_i32, %c0_i32_0 : i32, i32
  }
  func.func @transform_8(%arg0: i32) -> (i32, i32) {
    %c0_i32 = arith.constant 0 : i32
    %c0_i32_0 = arith.constant 0 : i32
    %c0_i32_1 = arith.constant 0 : i32
    return %c0_i32, %c0_i32_0 : i32, i32
  }
  func.func @transform_9(%arg0: i32) -> (i32, i32) {
    %c0_i32 = arith.constant 0 : i32
    %c0_i32_0 = arith.constant 0 : i32
    %c0_i32_1 = arith.constant 0 : i32
    return %c0_i32, %c0_i32_0 : i32, i32
  }
  func.func @transform_10(%arg0: i32) -> (i32, i32) {
    %c0_i32 = arith.constant 0 : i32
    %c0_i32_0 = arith.constant 0 : i32
    return %arg0, %c0_i32 : i32, i32
  }
}

</mosaic_0001>

<sc_bundles>
// kernel: kernel.11.cloned.1.call-start
scs
__scs_entry_jumppad:
0x0: {  	(pc) =	sbr.rel $0x88, $3  }
0x1: {  	(tag) =	ssettag $0x0;
	lr =	simm.s32 $0x1  }
0x2: {  	[smem:$0x3F93] =	sst lr;
	_ =	strace $0xD0000000  }
0x3: {  	_ = 	snop  }
0x4: {  	_ = 	snop  }
0x5: {  	_ = 	snop  }
0x6: {  	_ = 	snop  }
0x7: {  	_ = 	snop  }
__scs_overlays_trampoline_lowered:
0x8: {  	[smem:$0x3FA2] =	sst s0  }
0x9: {  	[smem:$0x3FA3] =	sst s1  }
0xa: {  	[smem:$0x3FA4] =	sst s2  }
0xb: {  	[smem:$0x3FA5] =	sst s3  }
0xc: {  	[smem:$0x3FA6] =	sst s4  }
0xd: {  	[smem:$0x3FA7] =	sst s5  }
0xe: {  	[smem:$0x3FA8] =	sst s6  }
0xf: {  	[smem:$0x3FA9] =	sst s7  }
0x10: {  	[smem:$0x3FAA] =	sst s8  }
0x11: {  	[smem:$0x3FAB] =	sst s9;
	s0 =	simm.s32 @!p0 $0x0  }
0x12: {  	s1 =	sld [smem:$0x3F91];
	s0 =	simm.s32 @p0 $0x1  }
0x13: {  	[smem:$0x3FAC] =	sst s0;
	s0 =	simm.s32 @!p1 $0x0  }
0x14: {  	s2 =	sld [smem:$0x3F90];
	s0 =	simm.s32 @p1 $0x1  }
0x15: {  	[smem:$0x3FAD] =	sst s0;
	s0 =	simm.s32 @!p2 $0x0  }
0x16: {  	s3 =	sld [smem:$0x3FDB];
	s0 =	simm.s32 @p2 $0x1  }
0x17: {  	s4 =	simm.s32 $0x1BF5;
	[smem:$0x3FAF] =	sst s0  }
0x18: {  	s0 =	sld [smem:$0x3F92];
	_ =	swait.ge [sflag:s4], $0x0  }
0x19: {  	s7 =	sld [smem:$0x3F93]  }
0x1a: {  	s8 =	sadd.s32 $0xFFFFE003, lr  }
0x1b: {  	s9 =	sadd.s32 $0xFFFFFEF7, lr;
	s5 =	simm.s32 $0xFFFFFFFF;
	p2 =	slt.u32 s8, $0xFFFFF086  }
0x1c: {  	p1 =	slt.u32 s9, $0xF7A;
	s5 =	simm.s32 @!p2 $0x0  }
0x1d: {  	s5 =	simm.s32 @p1 $0x1;
	p0 =	seq.s32 s7, s2  }
0x1e: {  	s7 =	smul.u32 @!p0 $0xF7A, s2;
	p2 =	seq.s32 @!p0 s5, $0x0  }
0x1f: {  	s9 =	smul.u32 $0xF7A, s1;
	s8 =	simm.s32 @!p0 $0x1BF5;
	p2 =	por !p2, p0  }
0x20: {  	[sflag:s8] =	ssyncset.s32 @!p0 $0xFFFFF086;
	s6 =	sadd.s32 @!p0 s3, s7;
	s7 =	simm.s32 @!p0 $0x108  }
0x21: {  	s3 =	sadd.s32 s3, s9;
	s6 =	sadd.s32 @!p0 $0x88, s6;
	s7 =	simm.s32 @p2 $0x1082  }
0x22: {  	[simem:s7], [sflag:s8] =	dma.local @!p0 [hbm:s6], $0xF7A  }
0x23: {  	s9 =	sor.u32 $0xD0000000, s2;
	s6 =	simm.s32 $0x108;
	_ =	swait.ge @!p0 [sflag:s8], $0x0  }
0x24: {  	s3 =	sadd.s32 $0x88, s3;
	s6 =	simm.s32 @!p1 $0x1082;
	[sflag:s4] =	ssyncset.s32 $0xFFFFF086  }
0x25: {  	[simem:s6], [sflag:s4] =	dma.local [hbm:s3], $0xF7A  }
0x26: {  	[smem:$0x3F93] =	sst s1;
	(tag) =	ssettag s2;
	_ =	strace s9  }
0x27: {  	s1 =	sld [smem:$0x3FA3]  }
0x28: {  	s2 =	sld [smem:$0x3FA4]  }
0x29: {  	s4 =	sld [smem:$0x3FA6]  }
0x2a: {  	p0 =	seq.s32 s5, $0x0;
	s5 =	sld [smem:$0x3FA7]  }
0x2b: {  	s6 =	sld [smem:$0x3FA8]  }
0x2c: {  	s7 =	sld [smem:$0x3FA9]  }
0x2d: {  	s3 =	simm.s32 $0x108;
	s8 =	sld [smem:$0x3FAA]  }
0x2e: {  	s3 =	simm.s32 @!p0 $0x1082;
	s9 =	sld [smem:$0x3FAB]  }
0x2f: {  	lr =	sadd.s32 s0, s3;
	s0 =	sld [smem:$0x3FA2]  }
0x30: {  	s3 =	sld [smem:$0x3FA5]  }
0x31: {  	[smem:$0x3FAE] =	sst s10  }
0x32: {  	s10 =	sld [smem:$0x3FAC];
	_ =	sdelay $0x3  }
0x33: {  	p0 =	seq.s32 s10, $0x1;
	s10 =	sld [smem:$0x3FAE];
	_ =	sdelay $0x3  }
0x34: {  	[smem:$0x3FAE] =	sst s10  }
0x35: {  	s10 =	sld [smem:$0x3FAD];
	_ =	sdelay $0x3  }
0x36: {  	p1 =	seq.s32 s10, $0x1;
	s10 =	sld [smem:$0x3FAE];
	_ =	sdelay $0x3  }
0x37: {  	[smem:$0x3FAE] =	sst s10  }
0x38: {  	s10 =	sld [smem:$0x3FAF]  }
0x39: {  	_ = 	snop;
	(pc) =	sbr.ind lr, $3  }
0x3a: {  	_ = 	snop  }
0x3b: {  	_ = 	snop  }
0x3c: {  	p2 =	seq.s32 s10, $0x1;
	s10 =	sld [smem:$0x3FAE]  }
0x3d: {  	_ =	shalt  }
0x3e: {  	_ =	shalt  }
0x3f: {  	_ =	shalt  }
0x40: {  	_ =	shalt  }
0x41: {  	_ =	shalt  }
0x42: {  	_ =	shalt  }
0x43: {  	_ =	shalt  }
0x44: {  	_ =	shalt  }
0x45: {  	_ =	shalt  }
0x46: {  	_ =	shalt  }
0x47: {  	_ =	shalt  }
0x48: {  	_ =	shalt  }
0x49: {  	_ =	shalt  }
0x4a: {  	_ =	shalt  }
0x4b: {  	_ =	shalt  }
0x4c: {  	_ =	shalt  }
0x4d: {  	_ =	shalt  }
0x4e: {  	_ =	shalt  }
0x4f: {  	_ =	shalt  }
0x50: {  	_ =	shalt  }
0x51: {  	_ =	shalt  }
0x52: {  	_ =	shalt  }
0x53: {  	_ =	shalt  }
0x54: {  	_ =	shalt  }
0x55: {  	_ =	shalt  }
0x56: {  	_ =	shalt  }
0x57: {  	_ =	shalt  }
0x58: {  	_ =	shalt  }
0x59: {  	_ =	shalt  }
0x5a: {  	_ =	shalt  }
0x5b: {  	_ =	shalt  }
0x5c: {  	_ =	shalt  }
0x5d: {  	_ =	shalt  }
0x5e: {  	_ =	shalt  }
0x5f: {  	_ =	shalt  }
0x60: {  	_ =	shalt  }
0x61: {  	_ =	shalt  }
0x62: {  	_ =	shalt  }
0x63: {  	_ =	shalt  }
0x64: {  	_ =	shalt  }
0x65: {  	_ =	shalt  }
0x66: {  	_ =	shalt  }
0x67: {  	_ =	shalt  }
0x68: {  	_ =	shalt  }
0x69: {  	_ =	shalt  }
0x6a: {  	_ =	shalt  }
0x6b: {  	_ =	shalt  }
0x6c: {  	_ =	shalt  }
0x6d: {  	_ =	shalt  }
0x6e: {  	_ =	shalt  }
0x6f: {  	_ =	shalt  }
0x70: {  	_ =	shalt  }
0x71: {  	_ =	shalt  }
0x72: {  	_ =	shalt  }
0x73: {  	_ =	shalt  }
0x74: {  	_ =	shalt  }
0x75: {  	_ =	shalt  }
0x76: {  	_ =	shalt  }
0x77: {  	_ =	shalt  }
0x78: {  	_ =	shalt  }
0x79: {  	_ =	shalt  }
0x7a: {  	_ =	shalt  }
0x7b: {  	_ =	shalt  }
0x7c: {  	_ =	shalt  }
0x7d: {  	_ =	shalt  }
0x7e: {  	_ =	shalt  }
0x7f: {  	_ =	shalt  }
0x80: {  	_ =	shalt  }
0x81: {  	_ =	shalt  }
0x82: {  	_ =	shalt  }
0x83: {  	_ =	shalt  }
0x84: {  	_ =	shalt  }
0x85: {  	_ =	shalt  }
0x86: {  	_ =	shalt  }
0x87: {  	_ =	shalt  }
.Lfunc_end0:
.L_simem_size_0:
called_computation.1_lowered:
.L_overlay_start_0:
0x88: {  	s2 =	sld [smem:$0x3FD9]  }
0x89: {  	s3 =	sld [smem:$0x3FFE];
	_ =	sdelay $0x1  }
0x8a: {  	s1 =	srdreg.scid  }
0x8b: {  	s0 =	sand.u32 $0x1, s1  }
0x8c: {  	s16 =	sshll.u32 s0, $0xA;
	s2 =	sadd.s32 s3, s2  }
0x8d: {  	s2 =	sadd.s32 s2, s16  }
0x8e: {  	[smem:$0x3FBA] =	sst s2  }
0x8f: {  	_ = 	snop  }
0x90: {  	(tm) =	ssettm $0x1  }
0x91: {  	s17 =	sld [smem:$0x3FFB];
	_ =	sdelay $0x3  }
0x92: {  	_ =	strace s17  }
0x93: {  	s2 =	sld [smem:$0x3FFC];
	_ =	sdelay $0x3  }
0x94: {  	_ =	strace s2  }
0x95: {  	s2 =	sld [smem:$0x3FFD];
	_ =	sdelay $0x3  }
0x96: {  	_ =	strace s2  }
0x97: {  	_ =	strace $0x8FFFFFFF  }
0x98: {  	s18 =	sld [smem:$0x3FDB];
	_ =	sdelay $0x1  }
0x99: {  	s19 =	simm.s32 $_scs_section_size  }
0x9a: {  	s4 =	simm.s32 $_size__tile_overlayer_lowered;
	s5 =	simm.s32 $_tile_overlayer_lowered  }
0x9b: {  	s22 =	simm.s32 $0x1BFF;
	s21 =	sshll.u32 s5, $0x1;
	s2 =	sadd.s32 s19, s18  }
0x9c: {  	s6 =	simm.s32 $0x0;
	s20 =	sshll.u32 s4, $0x1;
	s4 =	sadd.s32 s21, s2  }
0x9d: {  	[timem:s6], [sflag:s22] =	dma.local [hbm:s4], s20  }
0x9e: {  	_ =	swait.ge [sflag:s22], s20  }
0x9f: {  	s3 =	ssub.s32 $0x0, s20;
	[sflag:s22] =	ssyncset.done $0x0  }
0xa0: {  	[sflag:s22] =	ssyncadd.s32 s3;
	_ =	sdelay $0x1  }
0xa1: {  	s23 =	simm.s32 $0x1B8B  }
0xa2: {  	_ =	swait.ge [sflag:s23], $0x1  }
0xa3: {  	[sflag:s23] =	ssyncset.done $0x0  }
0xa4: {  	s25 =	simm.s32 $0x1B8E;
	s24 =	sld [smem:$0x3FFE];
	[sflag:s23] =	ssyncadd.s32 $0xFFFFFFFF  }
0xa5: {  	s26 =	simm.s32 $execute0_lowered;
	[smem:$0x3FD2] =	sst s25  }
0xa6: {  	s4 =	sshll.u32 s26, $0x1;
	_ =	strace $0x80000049;
	[dreg:$0x1] =	wrdreg $0xFFFFFFFF  }
0xa7: {  	s28 =	simm.s32 $_size_execute0_lowered;
	s2 =	sadd.s32 s2, s4;
	[dreg:$0x0] =	wrdreg $0x0  }
0xa8: {  	s4 =	sshll.u32 s28, $0x1;
	[dreg:$0x2] =	wrdreg s2  }
0xa9: {  	[dreg:$0x3] =	wrdreg s4  }
0xaa: {  	[dreg:$0x4] =	wrdreg $0xC0  }
0xab: {  	_ =	task [dreg:s6], $0x5FFFF  }
0xac: {  	[dreg:$0x1] =	wrdreg $0xFFFFFFFF  }
0xad: {  	[dreg:$0x0] =	wrdreg $0x60  }
0xae: {  	[dreg:$0x2] =	wrdreg s24  }
0xaf: {  	[dreg:$0x3] =	wrdreg $0x160000  }
0xb0: {  	[dreg:$0x4] =	wrdreg $0x9  }
0xb1: {  	_ =	task.clear_ibuf [dreg:s6], $0x5FFFF;
	_ =	strace $0x90000049  }
0xb2: {  	s29 =	simm.s32 $0x9;
	_ =	strace $0x8000004B  }
0xb3: {  	_ =	swait.ge [sflag:s29], $0x1  }
0xb4: {  	[sflag:s29] =	ssyncadd.s32 $0xFFFFFFFF  }
0xb5: {  	_ =	strace $0x9000004B  }
0xb6: {  	_ =	sfence  }
0xb7: {  	s30 =	sld [smem:$0x0];
	_ =	sdelay $0x2  }
0xb8: {  	s31 =	sshll.u32 s1, $0xD;
	s1 =	sshrl.u32 s1, $0x2  }
0xb9: {  	s3 =	sand.u32 $0x4000, s31;
	s1 =	sadd.s32 s1, s30  }
0xba: {  	s0 =	sor.u32 s3, s0;
	s1 =	sshll.u32 s1, $0x11  }
0xbb: {  	s0 =	sor.u32 s1, s0  }
0xbc: {  	s0 =	sadd.s32 $0x8F2B, s0  }
0xbd: {  	[sflag:s0] =	ssyncadd.remote.s32 $0x1  }
0xbe: {  	_ =	sfence.sel $0xFFFF  }
0xbf: {  	[dreg:$0x0] =	wrdreg $0xFFFFFFFF;
	(pc) =	sbr.abs _section_cstart, $3  }
0xc0: {  	[dreg:$0x1] =	wrdreg $0xFFFFFFFF  }
0xc1: {  	_ =	task.clear_ibuf [dreg:s6], $0x2FFFF;
	_ =	strace $0x9FFFFFFF  }
0xc2: {  	(tm) =	ssettm $0x7FFFFFFF  }
0xc3: {  	_ =	shalt  }
tec
execute0_lowered:
.L_overlay_start_1:
0x0: {  	(tag) =	ssettag $0x1  }
0x1: {  	s0 =	srdreg.scid;
	s1 =	rddreg [dreg:$0x0]  }
0x2: {  	s8 =	stileid.u32;
	s2 =	rddreg [dreg:$0x1];
	s3 =	simm.s32 $0x0  }
0x3: {  	s14 =	simm.s32 $0x14000;
	s15 =	simm.s32 $0x3;
	s5 =	smul.u32 $0xA00, s8  }
0x4: {  	s17 =	simm.s32 $0x50;
	s18 =	simm.s32 $0xA000;
	s6 =	smul.u32 $0xA000, s8  }
0x5: {  	s19 =	simm.s32 $0xB400;
	s0 =	sand.u32 $0x1, s0;
	s8 =	smul.u32 $0x28000, s8  }
0x6: {  	s28 =	simm.s32 $0x10400;
	[smem:$0x7FF] =	sst s3;
	s4 =	smul.u32 $0x13880, s0  }
0x7: {  	s31 =	simm.s32 $0x1;
	s7 =	smul.u32 $0xA0000, s0;
	_ =	strace $0x8000004A  }
0x8: {  	s0 =	ssub.s32 $0x2, s0;
	s5 =	sadd.s32 s5, s1;
	s23 =	sshrl.u32 s8, $0x2  }
0x9: {  	s24 =	sshrl.u32 s0, $0x1;
	s11 =	sadd.s32 s4, s1;
	s22 =	sadd.s32 s6, s7  }
0xa: {  	s8 =	sadd.s32 s23, s2;
	s0 =	ssub.s32 s0, s24;
	s9 =	sadd.s32 $0x20200, s5  }
0xb: {  	s10 =	sadd.s32 $0x16200, s5;
	s23 =	simm.s32 $0xDC00;
	s4 =	sshrl.u32 s22, $0x3  }
0xc: {  	s25 =	sadd.s32 $0x2000, s8;
	s26 =	sadd.s32 $0x4000, s8;
	s29 =	sadd.s32 $0x6000, s8  }
0xd: {  	s30 =	sadd.s32 $0x8000, s8;
	s11 =	sadd.s32 $0x7A200, s11;
	[dreg:$0x3] =	wrdreg s25  }
0xe: {  	s13 =	smax.u32 s0, $0x1;
	s0 =	simm.s32 $0x2;
	[dreg:$0x4] =	wrdreg s26  }
0xf: {  	s1 =	sadd.s32 s4, s1;
	s4 =	sadd.s32 s6, s2;
	[dreg:$0x5] =	wrdreg s29  }
0x10: {  	v0 =	vimm.f32 $0.0e+00;
	[dreg:$0x6] =	wrdreg s30;
	s12 =	sadd.s32 $0xA1400, s1;
	s1 =	simm.s32 $0x12C00  }
.LBB2_1:
0x11: {  	s16 =	simm.s32 $0x100;
	s5 =	simm.s32 $0x0  }
.LBB2_2:
0x12: {  	p0 =	sne.s32 s16, $0x7F00;
	[tilespmem:s5+$0x14030] =	vst v0;
	s20 =	smov.u32 s16;
	s16 =	sadd.s32 $0x100, s16  }
.Ltmp0:
0x13: {  	[tilespmem:s5+$0x14020] =	vst v0;
	(pc) =	sbr.rel @p0 .LBB2_2-.Ltmp0, $3  }
0x14: {  	[tilespmem:s5+$0x14000] =	vst v0  }
0x15: {  	[tilespmem:s5+$0x14010] =	vst v0;
	_ =	sdelay $0x1  }
0x16: {  	s5 =	sshra.s32 s20, $0x2  }
0x17: {  	[tilespmem:s5+$0x14030] =	vst v0  }
0x18: {  	[tilespmem:s5+$0x14020] =	vst v0  }
0x19: {  	[tilespmem:s5+$0x14000] =	vst v0  }
0x1a: {  	[tilespmem:s5+$0x14010] =	vst v0  }
0x1b: {  	[spmem:s4] =	stream.linear.scatter [tilespmem:s14], [sflag:$0x3], $0x2000, $0x38;
	v63 =	vld [tilespmem:$0x0]  }
0x1c: {  	_ =	swait.ge [sflag:s15], $0x2000  }
0x1d: {  	[sflag:s15] =	ssyncset.done $0x0  }
0x1e: {  	s6 =	rddreg [dreg:$0x3];
	[sflag:s15] =	ssyncadd.s32 $0xFFFFE000  }
0x1f: {  	[spmem:s6] =	stream.linear.scatter [tilespmem:s14], [sflag:$0x3], $0x2000, $0x38;
	v63 =	vld [tilespmem:$0x0]  }
0x20: {  	_ =	swait.ge [sflag:s15], $0x2000  }
0x21: {  	[sflag:s15] =	ssyncset.done $0x0  }
0x22: {  	s7 =	rddreg [dreg:$0x4];
	[sflag:s15] =	ssyncadd.s32 $0xFFFFE000  }
0x23: {  	[spmem:s7] =	stream.linear.scatter [tilespmem:s14], [sflag:$0x3], $0x2000, $0x38;
	v63 =	vld [tilespmem:$0x0]  }
0x24: {  	_ =	swait.ge [sflag:s15], $0x2000  }
0x25: {  	[sflag:s15] =	ssyncset.done $0x0  }
0x26: {  	s8 =	rddreg [dreg:$0x5];
	[sflag:s15] =	ssyncadd.s32 $0xFFFFE000  }
0x27: {  	[spmem:s8] =	stream.linear.scatter [tilespmem:s14], [sflag:$0x3], $0x2000, $0x38;
	v63 =	vld [tilespmem:$0x0]  }
0x28: {  	_ =	swait.ge [sflag:s15], $0x2000  }
0x29: {  	[sflag:s15] =	ssyncset.done $0x0  }
0x2a: {  	s16 =	rddreg [dreg:$0x6];
	[sflag:s15] =	ssyncadd.s32 $0xFFFFE000  }
0x2b: {  	[spmem:s16] =	stream.linear.scatter [tilespmem:s14], [sflag:$0x3], $0x2000, $0x38;
	v63 =	vld [tilespmem:$0x0]  }
0x2c: {  	_ =	swait.ge [sflag:s15], $0x2000  }
0x2d: {  	[sflag:s15] =	ssyncset.done $0x0  }
0x2e: {  	[sflag:s15] =	ssyncadd.s32 $0xFFFFE000  }
0x2f: {  	s16 =	simm.s32 $0x0;
	[bflag:$0x0] =	sbarrier.arrive $0xFFFF  }
0x30: {  	[tilespmem:s16], [sflag:$0x3] =	stream.linear.gather [hbm4b:s9+s16], $0x5000, $0x38;
	v63 =	vld [tilespmem:$0x0]  }
0x31: {  	_ =	swait.ge [sflag:s15], $0x5000  }
0x32: {  	[sflag:s15] =	ssyncset.done $0x0  }
0x33: {  	s20 =	simm.s32 $0x5000;
	[sflag:s15] =	ssyncadd.s32 $0xFFFFB000  }
0x34: {  	[tilespmem:s20], [sflag:$0x3] =	stream.linear.gather [hbm4b:s10+s16], $0x5000, $0x38;
	v63 =	vld [tilespmem:$0x0]  }
0x35: {  	_ =	swait.ge [sflag:s15], $0x5000  }
0x36: {  	[sflag:s15] =	ssyncset.done $0x0  }
0x37: {  	[sflag:s15] =	ssyncadd.s32 $0xFFFFB000  }
0x38: {  	[tilespmem:s18], [sflag:$0x1] =	stream.indirect.gather [hbm4b:s11+s17], $0x40, s16, s17, $0xb8;
	v63 =	vld [tilespmem:$0x0]  }
0x39: {  	_ = 	snop  }
0x3a: {  	[tilespmem:s19], [sflag:$0x1] =	stream.indirect.gather [hbm4b:s11+s17], $0x40, s17, s17, $0xb8;
	v63 =	vld [tilespmem:$0x0]  }
0x3b: {  	s21 =	simm.s32 $0xA0;
	s6 =	simm.s32 $0xC800  }
0x3c: {  	[tilespmem:s6], [sflag:$0x1] =	stream.indirect.gather [hbm4b:s11+s17], $0x40, s21, s17, $0xb8;
	v63 =	vld [tilespmem:$0x0]  }
0x3d: {  	s22 =	simm.s32 $0xF0  }
0x3e: {  	[tilespmem:s23], [sflag:$0x1] =	stream.indirect.gather [hbm4b:s11+s17], $0x40, s22, s17, $0xb8;
	v63 =	vld [tilespmem:$0x0]  }
0x3f: {  	s24 =	simm.s32 $0x140;
	s25 =	simm.s32 $0xF000  }
0x40: {  	[tilespmem:s25], [sflag:$0x1] =	stream.indirect.gather [hbm4b:s11+s17], $0x40, s24, s17, $0xb8;
	v63 =	vld [tilespmem:$0x0]  }
0x41: {  	s26 =	simm.s32 $0x190  }
0x42: {  	[tilespmem:s28], [sflag:$0x1] =	stream.indirect.gather [hbm4b:s11+s17], $0x40, s26, s17, $0xb8;
	v63 =	vld [tilespmem:$0x0]  }
0x43: {  	s29 =	simm.s32 $0x1E0;
	s30 =	simm.s32 $0x11800  }
0x44: {  	[tilespmem:s30], [sflag:$0x1] =	stream.indirect.gather [hbm4b:s11+s17], $0x40, s29, s17, $0xb8;
	v63 =	vld [tilespmem:$0x0]  }
.LBB2_4:
0x45: {  	_ =	swait.ge [sflag:s31], $0x1400  }
0x46: {  	s20 =	sshra.s32 s16, $0x2;
	[sflag:s31] =	ssyncset.done $0x0  }
0x47: {  	p0 =	seq.s32 s16, $0x0;
	s5 =	sadd.s32 $0x5000, s20;
	[sflag:s31] =	ssyncadd.s32 $0xFFFFEC00  }
0x48: {  	[spmem:s2] =	stream.indirect.scatter.add.f32 [tilespmem:s18], [sflag:$0x2], $0x40, s5, s17, $0xb8;
	v63 =	vld [tilespmem:$0x0]  }
0x49: {  	s5 =	simm.s32 @!p0 $0x2  }
0x4a: {  	_ =	swait.ge @!p0 [sflag:s5], $0x1400  }
0x4b: {  	[sflag:s5] =	ssyncset.done @!p0 $0x0  }
0x4c: {  	s6 =	sadd.s32 $0x230, s20;
	[sflag:s5] =	ssyncadd.s32 @!p0 $0xFFFFEC00  }
0x4d: {  	[tilespmem:s1], [sflag:$0x1] =	stream.indirect.gather [hbm4b:s11+s17], $0x40, s6, s17, $0xb8;
	v63 =	vld [tilespmem:$0x0]  }
0x4e: {  	_ =	swait.ge [sflag:s31], $0x1400  }
0x4f: {  	[sflag:s31] =	ssyncset.done $0x0  }
0x50: {  	s7 =	sadd.s32 $0x5050, s20;
	[sflag:s31] =	ssyncadd.s32 $0xFFFFEC00  }
0x51: {  	[spmem:s2] =	stream.indirect.scatter.add.f32 [tilespmem:s19], [sflag:$0x2], $0x40, s7, s17, $0xb8;
	v63 =	vld [tilespmem:$0x0]  }
0x52: {  	_ =	swait.ge [sflag:s0], $0x1400  }
0x53: {  	p0 =	seq.s32 s16, $0x13600;
	[sflag:s0] =	ssyncset.done $0x0  }
0x54: {  	s24 =	simm.s32 @p0 $0x1;
	[sflag:s0] =	ssyncadd.s32 $0xFFFFEC00  }
0x55: {  	s25 =	sshra.s32 @p0 s16, $0x2;
	_ =	swait.ge @p0 [sflag:s24], $0x1400  }
0x56: {  	s26 =	simm.s32 @p0 $0x50;
	s21 =	simm.s32 @p0 $0xC800;
	[sflag:s24] =	ssyncset.done @p0 $0x0  }
0x57: {  	s29 =	simm.s32 @p0 $0x2;
	s5 =	sadd.s32 @p0 $0x50A0, s25;
	[sflag:s24] =	ssyncadd.s32 @p0 $0xFFFFEC00  }
0x58: {  	[spmem:s2] =	stream.indirect.scatter.add.f32 @p0 [tilespmem:s21], [sflag:$0x2], $0x40, s5, s26, $0xb8;
	v63 =	vld [tilespmem:$0x0]  }
0x59: {  	_ =	swait.ge @p0 [sflag:s29], $0x1400  }
0x5a: {  	s22 =	simm.s32 @!p0 $0x50;
	s21 =	sshra.s32 @!p0 s16, $0x2;
	[sflag:s29] =	ssyncset.done @p0 $0x0  }
0x5b: {  	s30 =	simm.s32 @!p0 $0xA000;
	s5 =	sadd.s32 @!p0 $0x280, s21;
	[sflag:s29] =	ssyncadd.s32 @p0 $0xFFFFEC00  }
0x5c: {  	[tilespmem:s30], [sflag:$0x1] =	stream.indirect.gather @!p0 [hbm4b:s11+s22], $0x40, s5, s22, $0xb8;
	v63 =	vld [tilespmem:$0x0]  }
0x5d: {  	s30 =	simm.s32 @!p0 $0x1  }
0x5e: {  	_ =	swait.ge @!p0 [sflag:s30], $0x1400  }
0x5f: {  	[sflag:s30] =	ssyncset.done @!p0 $0x0  }
0x60: {  	s6 =	simm.s32 @!p0 $0xC800;
	s5 =	sadd.s32 @!p0 $0x50A0, s21;
	[sflag:s30] =	ssyncadd.s32 @!p0 $0xFFFFEC00  }
0x61: {  	[spmem:s2] =	stream.indirect.scatter.add.f32 @!p0 [tilespmem:s6], [sflag:$0x2], $0x40, s5, s22, $0xb8;
	v63 =	vld [tilespmem:$0x0]  }
0x62: {  	s5 =	simm.s32 @!p0 $0x2  }
0x63: {  	_ =	swait.ge @!p0 [sflag:s5], $0x1400  }
0x64: {  	[sflag:s5] =	ssyncset.done @!p0 $0x0  }
0x65: {  	s8 =	simm.s32 @!p0 $0xB400;
	s7 =	sadd.s32 @!p0 $0x2D0, s21;
	[sflag:s5] =	ssyncadd.s32 @!p0 $0xFFFFEC00  }
0x66: {  	[tilespmem:s8], [sflag:$0x1] =	stream.indirect.gather @!p0 [hbm4b:s11+s22], $0x40, s7, s22, $0xb8;
	v63 =	vld [tilespmem:$0x0]  }
0x67: {  	_ =	swait.ge [sflag:s31], $0x1400  }
0x68: {  	[sflag:s31] =	ssyncset.done $0x0  }
0x69: {  	s8 =	sadd.s32 $0x50F0, s20;
	[sflag:s31] =	ssyncadd.s32 $0xFFFFEC00  }
0x6a: {  	[spmem:s2] =	stream.indirect.scatter.add.f32 [tilespmem:s23], [sflag:$0x2], $0x40, s8, s17, $0xb8;
	v63 =	vld [tilespmem:$0x0]  }
0x6b: {  	_ =	swait.ge [sflag:s0], $0x1400  }
0x6c: {  	[sflag:s0] =	ssyncset.done $0x0  }
0x6d: {  	[sflag:s0] =	ssyncadd.s32 $0xFFFFEC00  }
0x6e: {  	_ =	swait.ge @p0 [sflag:s24], $0x1400  }
0x6f: {  	[sflag:s24] =	ssyncset.done @p0 $0x0  }
0x70: {  	s7 =	sadd.s32 @p0 $0x5140, s25;
	s8 =	simm.s32 @p0 $0xF000;
	[sflag:s24] =	ssyncadd.s32 @p0 $0xFFFFEC00  }
0x71: {  	[spmem:s2] =	stream.indirect.scatter.add.f32 @p0 [tilespmem:s8], [sflag:$0x2], $0x40, s7, s26, $0xb8;
	v63 =	vld [tilespmem:$0x0]  }
0x72: {  	_ =	swait.ge @p0 [sflag:s29], $0x1400  }
0x73: {  	[sflag:s29] =	ssyncset.done @p0 $0x0  }
0x74: {  	s7 =	sadd.s32 @!p0 $0x320, s21;
	[sflag:s29] =	ssyncadd.s32 @p0 $0xFFFFEC00  }
0x75: {  	[tilespmem:s6], [sflag:$0x1] =	stream.indirect.gather @!p0 [hbm4b:s11+s22], $0x40, s7, s22, $0xb8;
	v63 =	vld [tilespmem:$0x0]  }
0x76: {  	_ =	swait.ge @!p0 [sflag:s30], $0x1400  }
0x77: {  	[sflag:s30] =	ssyncset.done @!p0 $0x0  }
0x78: {  	s6 =	sadd.s32 @!p0 $0x5140, s21;
	s7 =	simm.s32 @!p0 $0xF000;
	[sflag:s30] =	ssyncadd.s32 @!p0 $0xFFFFEC00  }
0x79: {  	[spmem:s2] =	stream.indirect.scatter.add.f32 @!p0 [tilespmem:s7], [sflag:$0x2], $0x40, s6, s22, $0xb8;
	v63 =	vld [tilespmem:$0x0]  }
0x7a: {  	_ =	swait.ge @!p0 [sflag:s5], $0x1400  }
0x7b: {  	[sflag:s5] =	ssyncset.done @!p0 $0x0  }
0x7c: {  	s8 =	simm.s32 @!p0 $0xDC00;
	s6 =	sadd.s32 @!p0 $0x370, s21;
	[sflag:s5] =	ssyncadd.s32 @!p0 $0xFFFFEC00  }
0x7d: {  	[tilespmem:s8], [sflag:$0x1] =	stream.indirect.gather @!p0 [hbm4b:s11+s22], $0x40, s6, s22, $0xb8;
	v63 =	vld [tilespmem:$0x0]  }
0x7e: {  	_ =	swait.ge [sflag:s31], $0x1400  }
0x7f: {  	[sflag:s31] =	ssyncset.done $0x0  }
0x80: {  	s8 =	sadd.s32 $0x5190, s20;
	[sflag:s31] =	ssyncadd.s32 $0xFFFFEC00  }
0x81: {  	[spmem:s2] =	stream.indirect.scatter.add.f32 [tilespmem:s28], [sflag:$0x2], $0x40, s8, s17, $0xb8;
	v63 =	vld [tilespmem:$0x0]  }
0x82: {  	_ =	swait.ge [sflag:s0], $0x1400  }
0x83: {  	[sflag:s0] =	ssyncset.done $0x0  }
0x84: {  	[sflag:s0] =	ssyncadd.s32 $0xFFFFEC00  }
0x85: {  	_ =	swait.ge @p0 [sflag:s24], $0x1400  }
0x86: {  	[sflag:s24] =	ssyncset.done @p0 $0x0  }
0x87: {  	s6 =	sadd.s32 @p0 $0x51E0, s25;
	s8 =	simm.s32 @p0 $0x11800;
	[sflag:s24] =	ssyncadd.s32 @p0 $0xFFFFEC00  }
0x88: {  	[spmem:s2] =	stream.indirect.scatter.add.f32 @p0 [tilespmem:s8], [sflag:$0x2], $0x40, s6, s26, $0xb8;
	v63 =	vld [tilespmem:$0x0]  }
0x89: {  	_ =	swait.ge @p0 [sflag:s29], $0x1400  }
0x8a: {  	[sflag:s29] =	ssyncset.done @p0 $0x0  }
0x8b: {  	s6 =	sadd.s32 @!p0 $0x3C0, s21;
	[sflag:s29] =	ssyncadd.s32 @p0 $0xFFFFEC00  }
0x8c: {  	[tilespmem:s7], [sflag:$0x1] =	stream.indirect.gather @!p0 [hbm4b:s11+s22], $0x40, s6, s22, $0xb8;
	v63 =	vld [tilespmem:$0x0]  }
0x8d: {  	_ =	swait.ge @!p0 [sflag:s30], $0x1400  }
0x8e: {  	[sflag:s30] =	ssyncset.done @!p0 $0x0  }
0x8f: {  	s6 =	sadd.s32 @!p0 $0x51E0, s21;
	s7 =	simm.s32 @!p0 $0x11800;
	[sflag:s30] =	ssyncadd.s32 @!p0 $0xFFFFEC00  }
0x90: {  	[spmem:s2] =	stream.indirect.scatter.add.f32 @!p0 [tilespmem:s7], [sflag:$0x2], $0x40, s6, s22, $0xb8;
	v63 =	vld [tilespmem:$0x0]  }
0x91: {  	_ =	swait.ge @!p0 [sflag:s5], $0x1400  }
0x92: {  	[sflag:s5] =	ssyncset.done @!p0 $0x0  }
0x93: {  	s6 =	simm.s32 @!p0 $0x10400;
	[sflag:s5] =	ssyncadd.s32 @!p0 $0xFFFFEC00;
	s5 =	sadd.s32 @!p0 $0x410, s21  }
0x94: {  	[tilespmem:s6], [sflag:$0x1] =	stream.indirect.gather @!p0 [hbm4b:s11+s22], $0x40, s5, s22, $0xb8;
	v63 =	vld [tilespmem:$0x0]  }
0x95: {  	_ =	swait.ge [sflag:s31], $0x1400  }
0x96: {  	[sflag:s31] =	ssyncset.done $0x0  }
0x97: {  	s30 =	sadd.s32 $0x5230, s20;
	[sflag:s31] =	ssyncadd.s32 $0xFFFFEC00  }
0x98: {  	[spmem:s2] =	stream.indirect.scatter.add.f32 [tilespmem:s1], [sflag:$0x2], $0x40, s30, s17, $0xb8;
	v63 =	vld [tilespmem:$0x0]  }
0x99: {  	_ =	swait.ge [sflag:s0], $0x1400  }
0x9a: {  	s16 =	sadd.s32 @!p0 $0xA00, s16;
	[sflag:s0] =	ssyncset.done $0x0  }
0x9b: {  	p1 =	sne.s32 @!p0 s16, $0x14000;
	s5 =	sadd.s32 @!p0 $0x460, s21;
	[sflag:s0] =	ssyncadd.s32 $0xFFFFEC00  }
0x9c: {  	[tilespmem:s7], [sflag:$0x1] =	stream.indirect.gather @!p0 [hbm4b:s11+s22], $0x40, s5, s22, $0xb8;
	v63 =	vld [tilespmem:$0x0]  }
0x9d: {  	p0 =	por p0, !p1  }
.Ltmp1:
0x9e: {  	_ = 	snop;
	(pc) =	sbr.rel @!p0 .LBB2_4-.Ltmp1, $1  }
0x9f: {  	_ =	sdelay $0x3  }
0xa0: {  	_ =	swait.ge [sflag:s0], $0x1400;
	s5 =	stileid.u32  }
0xa1: {  	s6 =	sshrl.u32 s4, $0x3;
	s3 =	sadd.s32 $0x1, s3;
	[sflag:s0] =	ssyncset.done $0x0  }
0xa2: {  	s5 =	sshll.u32 s5, $0x6;
	p0 =	sne.s32 s3, s13;
	[sflag:s0] =	ssyncadd.s32 $0xFFFFEC00  }
.Ltmp2:
0xa3: {  	s5 =	sor.u32 $0x1C03, s5;
	[bflag:$0x0] =	sbarrier.arrive $0xFFFF;
	(pc) =	sbr.rel @p0 .LBB2_1-.Ltmp2, $4  }
0xa4: {  	[hbm:s12], [sflag:s5] =	dma.local [spmem:s6], $0x1400  }
0xa5: {  	_ =	swait.ge [sflag:s15], $0x1400  }
0xa6: {  	[sflag:s15] =	ssyncset.done $0x0  }
0xa7: {  	[sflag:s15] =	ssyncadd.s32 $0xFFFFEC00  }
0xa8: {  	_ =	sfence.sel $0x180000  }
0xa9: {  	[bflag:$0x0] =	sbarrier.arrive $0xFFFF  }
0xaa: {  	_ =	strace $0x9000004A  }
0xab: {  	s0 =	stileid.u32;
	[bflag:$0x2] =	sbarrier.arrive $0xFFFF  }
0xac: {  	p0 =	sne.s32 s0, $0x0;
	s0 =	rddreg [dreg:$0x2]  }
0xad: {  	s0 =	sadd.s32 @!p0 $0x100000, s0  }
0xae: {  	[sflag:s0] =	ssyncadd.tile.s32 @!p0 $0x1;
	_ =	shalt  }
.Lfunc_end2:
_tile_overlayer_lowered:
.L_overlay_start_2:
0xaf: {  	(tag) =	ssettag $0x2  }
0xb0: {  	s0 =	rddreg [dreg:$0x0];
	s2 =	stileid.u32  }
0xb1: {  	s1 =	rddreg [dreg:$0x1];
	p0 =	sne.s32 s2, $0x0  }
0xb2: {  	s3 =	rddreg [dreg:$0x2];
	[bflag:$0x3] =	sbarrier.arrive $0xFFFF;
	s2 =	simm.s32 @!p0 $0x1C03  }
0xb3: {  	[timem:s3], [sflag:s2] =	dma.local @!p0 [hbm:s0], s1  }
0xb4: {  	s0 =	simm.s32 @!p0 $0x3  }
0xb5: {  	_ =	swait.ge @!p0 [sflag:s0], s1  }
0xb6: {  	s1 =	ssub.s32 @!p0 $0x0, s1;
	[sflag:s0] =	ssyncset.done @!p0 $0x0  }
0xb7: {  	[sflag:s0] =	ssyncadd.s32 @!p0 s1  }
0xb8: {  	[bflag:$0x3] =	sbarrier.arrive $0xFFFF  }
0xb9: {  	_ =	shalt  }

// kernel: kernel.14.cloned.1.call-start
scs
__scs_entry_jumppad:
0x0: {  	(pc) =	sbr.rel $0x88, $3  }
0x1: {  	(tag) =	ssettag $0x0;
	lr =	simm.s32 $0x1  }
0x2: {  	[smem:$0x3F93] =	sst lr;
	_ =	strace $0xD0000000  }
0x3: {  	_ = 	snop  }
0x4: {  	_ = 	snop  }
0x5: {  	_ = 	snop  }
0x6: {  	_ = 	snop  }
0x7: {  	_ = 	snop  }
__scs_overlays_trampoline_lowered:
0x8: {  	[smem:$0x3FA2] =	sst s0  }
0x9: {  	[smem:$0x3FA3] =	sst s1  }
0xa: {  	[smem:$0x3FA4] =	sst s2  }
0xb: {  	[smem:$0x3FA5] =	sst s3  }
0xc: {  	[smem:$0x3FA6] =	sst s4  }
0xd: {  	[smem:$0x3FA7] =	sst s5  }
0xe: {  	[smem:$0x3FA8] =	sst s6  }
0xf: {  	[smem:$0x3FA9] =	sst s7  }
0x10: {  	[smem:$0x3FAA] =	sst s8  }
0x11: {  	[smem:$0x3FAB] =	sst s9;
	s0 =	simm.s32 @!p0 $0x0  }
0x12: {  	s1 =	sld [smem:$0x3F91];
	s0 =	simm.s32 @p0 $0x1  }
0x13: {  	[smem:$0x3FAC] =	sst s0;
	s0 =	simm.s32 @!p1 $0x0  }
0x14: {  	s2 =	sld [smem:$0x3F90];
	s0 =	simm.s32 @p1 $0x1  }
0x15: {  	[smem:$0x3FAD] =	sst s0;
	s0 =	simm.s32 @!p2 $0x0  }
0x16: {  	s3 =	sld [smem:$0x3FDB];
	s0 =	simm.s32 @p2 $0x1  }
0x17: {  	s4 =	simm.s32 $0x1BF5;
	[smem:$0x3FAF] =	sst s0  }
0x18: {  	s0 =	sld [smem:$0x3F92];
	_ =	swait.ge [sflag:s4], $0x0  }
0x19: {  	s7 =	sld [smem:$0x3F93]  }
0x1a: {  	s8 =	sadd.s32 $0xFFFFE003, lr  }
0x1b: {  	s9 =	sadd.s32 $0xFFFFFEF7, lr;
	s5 =	simm.s32 $0xFFFFFFFF;
	p2 =	slt.u32 s8, $0xFFFFF086  }
0x1c: {  	p1 =	slt.u32 s9, $0xF7A;
	s5 =	simm.s32 @!p2 $0x0  }
0x1d: {  	s5 =	simm.s32 @p1 $0x1;
	p0 =	seq.s32 s7, s2  }
0x1e: {  	s7 =	smul.u32 @!p0 $0xF7A, s2;
	p2 =	seq.s32 @!p0 s5, $0x0  }
0x1f: {  	s9 =	smul.u32 $0xF7A, s1;
	s8 =	simm.s32 @!p0 $0x1BF5;
	p2 =	por !p2, p0  }
0x20: {  	[sflag:s8] =	ssyncset.s32 @!p0 $0xFFFFF086;
	s6 =	sadd.s32 @!p0 s3, s7;
	s7 =	simm.s32 @!p0 $0x108  }
0x21: {  	s3 =	sadd.s32 s3, s9;
	s6 =	sadd.s32 @!p0 $0x88, s6;
	s7 =	simm.s32 @p2 $0x1082  }
0x22: {  	[simem:s7], [sflag:s8] =	dma.local @!p0 [hbm:s6], $0xF7A  }
0x23: {  	s9 =	sor.u32 $0xD0000000, s2;
	s6 =	simm.s32 $0x108;
	_ =	swait.ge @!p0 [sflag:s8], $0x0  }
0x24: {  	s3 =	sadd.s32 $0x88, s3;
	s6 =	simm.s32 @!p1 $0x1082;
	[sflag:s4] =	ssyncset.s32 $0xFFFFF086  }
0x25: {  	[simem:s6], [sflag:s4] =	dma.local [hbm:s3], $0xF7A  }
0x26: {  	[smem:$0x3F93] =	sst s1;
	(tag) =	ssettag s2;
	_ =	strace s9  }
0x27: {  	s1 =	sld [smem:$0x3FA3]  }
0x28: {  	s2 =	sld [smem:$0x3FA4]  }
0x29: {  	s4 =	sld [smem:$0x3FA6]  }
0x2a: {  	p0 =	seq.s32 s5, $0x0;
	s5 =	sld [smem:$0x3FA7]  }
0x2b: {  	s6 =	sld [smem:$0x3FA8]  }
0x2c: {  	s7 =	sld [smem:$0x3FA9]  }
0x2d: {  	s3 =	simm.s32 $0x108;
	s8 =	sld [smem:$0x3FAA]  }
0x2e: {  	s3 =	simm.s32 @!p0 $0x1082;
	s9 =	sld [smem:$0x3FAB]  }
0x2f: {  	lr =	sadd.s32 s0, s3;
	s0 =	sld [smem:$0x3FA2]  }
0x30: {  	s3 =	sld [smem:$0x3FA5]  }
0x31: {  	[smem:$0x3FAE] =	sst s10  }
0x32: {  	s10 =	sld [smem:$0x3FAC];
	_ =	sdelay $0x3  }
0x33: {  	p0 =	seq.s32 s10, $0x1;
	s10 =	sld [smem:$0x3FAE];
	_ =	sdelay $0x3  }
0x34: {  	[smem:$0x3FAE] =	sst s10  }
0x35: {  	s10 =	sld [smem:$0x3FAD];
	_ =	sdelay $0x3  }
0x36: {  	p1 =	seq.s32 s10, $0x1;
	s10 =	sld [smem:$0x3FAE];
	_ =	sdelay $0x3  }
0x37: {  	[smem:$0x3FAE] =	sst s10  }
0x38: {  	s10 =	sld [smem:$0x3FAF]  }
0x39: {  	_ = 	snop;
	(pc) =	sbr.ind lr, $3  }
0x3a: {  	_ = 	snop  }
0x3b: {  	_ = 	snop  }
0x3c: {  	p2 =	seq.s32 s10, $0x1;
	s10 =	sld [smem:$0x3FAE]  }
0x3d: {  	_ =	shalt  }
0x3e: {  	_ =	shalt  }
0x3f: {  	_ =	shalt  }
0x40: {  	_ =	shalt  }
0x41: {  	_ =	shalt  }
0x42: {  	_ =	shalt  }
0x43: {  	_ =	shalt  }
0x44: {  	_ =	shalt  }
0x45: {  	_ =	shalt  }
0x46: {  	_ =	shalt  }
0x47: {  	_ =	shalt  }
0x48: {  	_ =	shalt  }
0x49: {  	_ =	shalt  }
0x4a: {  	_ =	shalt  }
0x4b: {  	_ =	shalt  }
0x4c: {  	_ =	shalt  }
0x4d: {  	_ =	shalt  }
0x4e: {  	_ =	shalt  }
0x4f: {  	_ =	shalt  }
0x50: {  	_ =	shalt  }
0x51: {  	_ =	shalt  }
0x52: {  	_ =	shalt  }
0x53: {  	_ =	shalt  }
0x54: {  	_ =	shalt  }
0x55: {  	_ =	shalt  }
0x56: {  	_ =	shalt  }
0x57: {  	_ =	shalt  }
0x58: {  	_ =	shalt  }
0x59: {  	_ =	shalt  }
0x5a: {  	_ =	shalt  }
0x5b: {  	_ =	shalt  }
0x5c: {  	_ =	shalt  }
0x5d: {  	_ =	shalt  }
0x5e: {  	_ =	shalt  }
0x5f: {  	_ =	shalt  }
0x60: {  	_ =	shalt  }
0x61: {  	_ =	shalt  }
0x62: {  	_ =	shalt  }
0x63: {  	_ =	shalt  }
0x64: {  	_ =	shalt  }
0x65: {  	_ =	shalt  }
0x66: {  	_ =	shalt  }
0x67: {  	_ =	shalt  }
0x68: {  	_ =	shalt  }
0x69: {  	_ =	shalt  }
0x6a: {  	_ =	shalt  }
0x6b: {  	_ =	shalt  }
0x6c: {  	_ =	shalt  }
0x6d: {  	_ =	shalt  }
0x6e: {  	_ =	shalt  }
0x6f: {  	_ =	shalt  }
0x70: {  	_ =	shalt  }
0x71: {  	_ =	shalt  }
0x72: {  	_ =	shalt  }
0x73: {  	_ =	shalt  }
0x74: {  	_ =	shalt  }
0x75: {  	_ =	shalt  }
0x76: {  	_ =	shalt  }
0x77: {  	_ =	shalt  }
0x78: {  	_ =	shalt  }
0x79: {  	_ =	shalt  }
0x7a: {  	_ =	shalt  }
0x7b: {  	_ =	shalt  }
0x7c: {  	_ =	shalt  }
0x7d: {  	_ =	shalt  }
0x7e: {  	_ =	shalt  }
0x7f: {  	_ =	shalt  }
0x80: {  	_ =	shalt  }
0x81: {  	_ =	shalt  }
0x82: {  	_ =	shalt  }
0x83: {  	_ =	shalt  }
0x84: {  	_ =	shalt  }
0x85: {  	_ =	shalt  }
0x86: {  	_ =	shalt  }
0x87: {  	_ =	shalt  }
.Lfunc_end0:
.L_simem_size_0:
called_computation.2_lowered:
.L_overlay_start_0:
0x88: {  	s2 =	sld [smem:$0x3FD9]  }
0x89: {  	s3 =	sld [smem:$0x3FFE];
	_ =	sdelay $0x1  }
0x8a: {  	s1 =	srdreg.scid  }
0x8b: {  	s0 =	sand.u32 $0x1, s1  }
0x8c: {  	s16 =	sshll.u32 s0, $0xA;
	s2 =	sadd.s32 s3, s2  }
0x8d: {  	s2 =	sadd.s32 s2, s16  }
0x8e: {  	[smem:$0x3FBA] =	sst s2  }
0x8f: {  	_ = 	snop  }
0x90: {  	(tm) =	ssettm $0x1  }
0x91: {  	s17 =	sld [smem:$0x3FFB];
	_ =	sdelay $0x3  }
0x92: {  	_ =	strace s17  }
0x93: {  	s2 =	sld [smem:$0x3FFC];
	_ =	sdelay $0x3  }
0x94: {  	_ =	strace s2  }
0x95: {  	s2 =	sld [smem:$0x3FFD];
	_ =	sdelay $0x3  }
0x96: {  	_ =	strace s2  }
0x97: {  	_ =	strace $0x8FFFFFFF  }
0x98: {  	s18 =	sld [smem:$0x3FDB];
	_ =	sdelay $0x1  }
0x99: {  	s19 =	simm.s32 $_scs_section_size  }
0x9a: {  	s4 =	simm.s32 $_size__tile_overlayer_lowered;
	s5 =	simm.s32 $_tile_overlayer_lowered  }
0x9b: {  	s22 =	simm.s32 $0x1BFF;
	s21 =	sshll.u32 s5, $0x1;
	s2 =	sadd.s32 s19, s18  }
0x9c: {  	s6 =	simm.s32 $0x0;
	s20 =	sshll.u32 s4, $0x1;
	s4 =	sadd.s32 s21, s2  }
0x9d: {  	[timem:s6], [sflag:s22] =	dma.local [hbm:s4], s20  }
0x9e: {  	_ =	swait.ge [sflag:s22], s20  }
0x9f: {  	s3 =	ssub.s32 $0x0, s20;
	[sflag:s22] =	ssyncset.done $0x0  }
0xa0: {  	[sflag:s22] =	ssyncadd.s32 s3;
	_ =	sdelay $0x1  }
0xa1: {  	s23 =	simm.s32 $0x1B8B  }
0xa2: {  	_ =	swait.ge [sflag:s23], $0x1  }
0xa3: {  	[sflag:s23] =	ssyncset.done $0x0  }
0xa4: {  	s25 =	simm.s32 $0x1B8E;
	s24 =	sld [smem:$0x3FFE];
	[sflag:s23] =	ssyncadd.s32 $0xFFFFFFFF  }
0xa5: {  	s26 =	simm.s32 $execute0_lowered;
	[smem:$0x3FD2] =	sst s25  }
0xa6: {  	s4 =	sshll.u32 s26, $0x1;
	_ =	strace $0x8000004C;
	[dreg:$0x1] =	wrdreg $0xFFFFFFFF  }
0xa7: {  	s28 =	simm.s32 $_size_execute0_lowered;
	s2 =	sadd.s32 s2, s4;
	[dreg:$0x0] =	wrdreg $0x0  }
0xa8: {  	s4 =	sshll.u32 s28, $0x1;
	[dreg:$0x2] =	wrdreg s2  }
0xa9: {  	[dreg:$0x3] =	wrdreg s4  }
0xaa: {  	[dreg:$0x4] =	wrdreg $0xC0  }
0xab: {  	_ =	task [dreg:s6], $0x5FFFF  }
0xac: {  	[dreg:$0x1] =	wrdreg $0xFFFFFFFF  }
0xad: {  	[dreg:$0x0] =	wrdreg $0x60  }
0xae: {  	[dreg:$0x2] =	wrdreg s24  }
0xaf: {  	[dreg:$0x3] =	wrdreg $0x160000  }
0xb0: {  	[dreg:$0x4] =	wrdreg $0x9  }
0xb1: {  	_ =	task.clear_ibuf [dreg:s6], $0x5FFFF;
	_ =	strace $0x9000004C  }
0xb2: {  	s29 =	simm.s32 $0x9;
	_ =	strace $0x8000004E  }
0xb3: {  	_ =	swait.ge [sflag:s29], $0x1  }
0xb4: {  	[sflag:s29] =	ssyncadd.s32 $0xFFFFFFFF  }
0xb5: {  	_ =	strace $0x9000004E  }
0xb6: {  	_ =	sfence  }
0xb7: {  	s30 =	sld [smem:$0x0];
	_ =	sdelay $0x2  }
0xb8: {  	s31 =	sshll.u32 s1, $0xD;
	s1 =	sshrl.u32 s1, $0x2  }
0xb9: {  	s3 =	sand.u32 $0x4000, s31;
	s1 =	sadd.s32 s1, s30  }
0xba: {  	s0 =	sor.u32 s3, s0;
	s1 =	sshll.u32 s1, $0x11  }
0xbb: {  	s0 =	sor.u32 s1, s0  }
0xbc: {  	s0 =	sadd.s32 $0x8F2B, s0  }
0xbd: {  	[sflag:s0] =	ssyncadd.remote.s32 $0x1  }
0xbe: {  	_ =	sfence.sel $0xFFFF  }
0xbf: {  	[dreg:$0x0] =	wrdreg $0xFFFFFFFF;
	(pc) =	sbr.abs _section_cstart, $3  }
0xc0: {  	[dreg:$0x1] =	wrdreg $0xFFFFFFFF  }
0xc1: {  	_ =	task.clear_ibuf [dreg:s6], $0x2FFFF;
	_ =	strace $0x9FFFFFFF  }
0xc2: {  	(tm) =	ssettm $0x7FFFFFFF  }
0xc3: {  	_ =	shalt  }
tec
execute0_lowered:
.L_overlay_start_1:
0x0: {  	(tag) =	ssettag $0x1  }
0x1: {  	s0 =	srdreg.scid;
	s1 =	rddreg [dreg:$0x0]  }
0x2: {  	s8 =	stileid.u32;
	s2 =	rddreg [dreg:$0x1];
	s3 =	simm.s32 $0x0  }
0x3: {  	s14 =	simm.s32 $0x14000;
	s15 =	simm.s32 $0x3;
	s5 =	smul.u32 $0xA00, s8  }
0x4: {  	s17 =	simm.s32 $0x50;
	s18 =	simm.s32 $0xA000;
	s6 =	smul.u32 $0xA000, s8  }
0x5: {  	s19 =	simm.s32 $0xB400;
	s0 =	sand.u32 $0x1, s0;
	s8 =	smul.u32 $0x28000, s8  }
0x6: {  	s28 =	simm.s32 $0x10400;
	[smem:$0x7FF] =	sst s3;
	s4 =	smul.u32 $0x13880, s0  }
0x7: {  	s31 =	simm.s32 $0x1;
	s7 =	smul.u32 $0xA0000, s0;
	_ =	strace $0x8000004D  }
0x8: {  	s0 =	ssub.s32 $0x2, s0;
	s5 =	sadd.s32 s5, s1;
	s23 =	sshrl.u32 s8, $0x2  }
0x9: {  	s24 =	sshrl.u32 s0, $0x1;
	s11 =	sadd.s32 s4, s1;
	s22 =	sadd.s32 s6, s7  }
0xa: {  	s8 =	sadd.s32 s23, s2;
	s0 =	ssub.s32 s0, s24;
	s9 =	sadd.s32 $0x20200, s5  }
0xb: {  	s10 =	sadd.s32 $0x16200, s5;
	s23 =	simm.s32 $0xDC00;
	s4 =	sshrl.u32 s22, $0x3  }
0xc: {  	s25 =	sadd.s32 $0x2000, s8;
	s26 =	sadd.s32 $0x4000, s8;
	s29 =	sadd.s32 $0x6000, s8  }
0xd: {  	s30 =	sadd.s32 $0x8000, s8;
	s11 =	sadd.s32 $0x7A200, s11;
	[dreg:$0x3] =	wrdreg s25  }
0xe: {  	s13 =	smax.u32 s0, $0x1;
	s0 =	simm.s32 $0x2;
	[dreg:$0x4] =	wrdreg s26  }
0xf: {  	s1 =	sadd.s32 s4, s1;
	s4 =	sadd.s32 s6, s2;
	[dreg:$0x5] =	wrdreg s29  }
0x10: {  	v0 =	vimm.f32 $0.0e+00;
	[dreg:$0x6] =	wrdreg s30;
	s12 =	sadd.s32 $0xA1400, s1;
	s1 =	simm.s32 $0x12C00  }
.LBB2_1:
0x11: {  	s16 =	simm.s32 $0x100;
	s5 =	simm.s32 $0x0  }
.LBB2_2:
0x12: {  	p0 =	sne.s32 s16, $0x7F00;
	[tilespmem:s5+$0x14030] =	vst v0;
	s20 =	smov.u32 s16;
	s16 =	sadd.s32 $0x100, s16  }
.Ltmp0:
0x13: {  	[tilespmem:s5+$0x14020] =	vst v0;
	(pc) =	sbr.rel @p0 .LBB2_2-.Ltmp0, $3  }
0x14: {  	[tilespmem:s5+$0x14000] =	vst v0  }
0x15: {  	[tilespmem:s5+$0x14010] =	vst v0;
	_ =	sdelay $0x1  }
0x16: {  	s5 =	sshra.s32 s20, $0x2  }
0x17: {  	[tilespmem:s5+$0x14030] =	vst v0  }
0x18: {  	[tilespmem:s5+$0x14020] =	vst v0  }
0x19: {  	[tilespmem:s5+$0x14000] =	vst v0  }
0x1a: {  	[tilespmem:s5+$0x14010] =	vst v0  }
0x1b: {  	[spmem:s4] =	stream.linear.scatter [tilespmem:s14], [sflag:$0x3], $0x2000, $0x38;
	v63 =	vld [tilespmem:$0x0]  }
0x1c: {  	_ =	swait.ge [sflag:s15], $0x2000  }
0x1d: {  	[sflag:s15] =	ssyncset.done $0x0  }
0x1e: {  	s6 =	rddreg [dreg:$0x3];
	[sflag:s15] =	ssyncadd.s32 $0xFFFFE000  }
0x1f: {  	[spmem:s6] =	stream.linear.scatter [tilespmem:s14], [sflag:$0x3], $0x2000, $0x38;
	v63 =	vld [tilespmem:$0x0]  }
0x20: {  	_ =	swait.ge [sflag:s15], $0x2000  }
0x21: {  	[sflag:s15] =	ssyncset.done $0x0  }
0x22: {  	s7 =	rddreg [dreg:$0x4];
	[sflag:s15] =	ssyncadd.s32 $0xFFFFE000  }
0x23: {  	[spmem:s7] =	stream.linear.scatter [tilespmem:s14], [sflag:$0x3], $0x2000, $0x38;
	v63 =	vld [tilespmem:$0x0]  }
0x24: {  	_ =	swait.ge [sflag:s15], $0x2000  }
0x25: {  	[sflag:s15] =	ssyncset.done $0x0  }
0x26: {  	s8 =	rddreg [dreg:$0x5];
	[sflag:s15] =	ssyncadd.s32 $0xFFFFE000  }
0x27: {  	[spmem:s8] =	stream.linear.scatter [tilespmem:s14], [sflag:$0x3], $0x2000, $0x38;
	v63 =	vld [tilespmem:$0x0]  }
0x28: {  	_ =	swait.ge [sflag:s15], $0x2000  }
0x29: {  	[sflag:s15] =	ssyncset.done $0x0  }
0x2a: {  	s16 =	rddreg [dreg:$0x6];
	[sflag:s15] =	ssyncadd.s32 $0xFFFFE000  }
0x2b: {  	[spmem:s16] =	stream.linear.scatter [tilespmem:s14], [sflag:$0x3], $0x2000, $0x38;
	v63 =	vld [tilespmem:$0x0]  }
0x2c: {  	_ =	swait.ge [sflag:s15], $0x2000  }
0x2d: {  	[sflag:s15] =	ssyncset.done $0x0  }
0x2e: {  	[sflag:s15] =	ssyncadd.s32 $0xFFFFE000  }
0x2f: {  	s16 =	simm.s32 $0x0;
	[bflag:$0x0] =	sbarrier.arrive $0xFFFF  }
0x30: {  	[tilespmem:s16], [sflag:$0x3] =	stream.linear.gather [hbm4b:s9+s16], $0x5000, $0x38;
	v63 =	vld [tilespmem:$0x0]  }
0x31: {  	_ =	swait.ge [sflag:s15], $0x5000  }
0x32: {  	[sflag:s15] =	ssyncset.done $0x0  }
0x33: {  	s20 =	simm.s32 $0x5000;
	[sflag:s15] =	ssyncadd.s32 $0xFFFFB000  }
0x34: {  	[tilespmem:s20], [sflag:$0x3] =	stream.linear.gather [hbm4b:s10+s16], $0x5000, $0x38;
	v63 =	vld [tilespmem:$0x0]  }
0x35: {  	_ =	swait.ge [sflag:s15], $0x5000  }
0x36: {  	[sflag:s15] =	ssyncset.done $0x0  }
0x37: {  	[sflag:s15] =	ssyncadd.s32 $0xFFFFB000  }
0x38: {  	[tilespmem:s18], [sflag:$0x1] =	stream.indirect.gather [hbm4b:s11+s17], $0x40, s16, s17, $0xb8;
	v63 =	vld [tilespmem:$0x0]  }
0x39: {  	_ = 	snop  }
0x3a: {  	[tilespmem:s19], [sflag:$0x1] =	stream.indirect.gather [hbm4b:s11+s17], $0x40, s17, s17, $0xb8;
	v63 =	vld [tilespmem:$0x0]  }
0x3b: {  	s21 =	simm.s32 $0xA0;
	s6 =	simm.s32 $0xC800  }
0x3c: {  	[tilespmem:s6], [sflag:$0x1] =	stream.indirect.gather [hbm4b:s11+s17], $0x40, s21, s17, $0xb8;
	v63 =	vld [tilespmem:$0x0]  }
0x3d: {  	s22 =	simm.s32 $0xF0  }
0x3e: {  	[tilespmem:s23], [sflag:$0x1] =	stream.indirect.gather [hbm4b:s11+s17], $0x40, s22, s17, $0xb8;
	v63 =	vld [tilespmem:$0x0]  }
0x3f: {  	s24 =	simm.s32 $0x140;
	s25 =	simm.s32 $0xF000  }
0x40: {  	[tilespmem:s25], [sflag:$0x1] =	stream.indirect.gather [hbm4b:s11+s17], $0x40, s24, s17, $0xb8;
	v63 =	vld [tilespmem:$0x0]  }
0x41: {  	s26 =	simm.s32 $0x190  }
0x42: {  	[tilespmem:s28], [sflag:$0x1] =	stream.indirect.gather [hbm4b:s11+s17], $0x40, s26, s17, $0xb8;
	v63 =	vld [tilespmem:$0x0]  }
0x43: {  	s29 =	simm.s32 $0x1E0;
	s30 =	simm.s32 $0x11800  }
0x44: {  	[tilespmem:s30], [sflag:$0x1] =	stream.indirect.gather [hbm4b:s11+s17], $0x40, s29, s17, $0xb8;
	v63 =	vld [tilespmem:$0x0]  }
.LBB2_4:
0x45: {  	_ =	swait.ge [sflag:s31], $0x1400  }
0x46: {  	s20 =	sshra.s32 s16, $0x2;
	[sflag:s31] =	ssyncset.done $0x0  }
0x47: {  	p0 =	seq.s32 s16, $0x0;
	s5 =	sadd.s32 $0x5000, s20;
	[sflag:s31] =	ssyncadd.s32 $0xFFFFEC00  }
0x48: {  	[spmem:s2] =	stream.indirect.scatter.add.f32 [tilespmem:s18], [sflag:$0x2], $0x40, s5, s17, $0xb8;
	v63 =	vld [tilespmem:$0x0]  }
0x49: {  	s5 =	simm.s32 @!p0 $0x2  }
0x4a: {  	_ =	swait.ge @!p0 [sflag:s5], $0x1400  }
0x4b: {  	[sflag:s5] =	ssyncset.done @!p0 $0x0  }
0x4c: {  	s6 =	sadd.s32 $0x230, s20;
	[sflag:s5] =	ssyncadd.s32 @!p0 $0xFFFFEC00  }
0x4d: {  	[tilespmem:s1], [sflag:$0x1] =	stream.indirect.gather [hbm4b:s11+s17], $0x40, s6, s17, $0xb8;
	v63 =	vld [tilespmem:$0x0]  }
0x4e: {  	_ =	swait.ge [sflag:s31], $0x1400  }
0x4f: {  	[sflag:s31] =	ssyncset.done $0x0  }
0x50: {  	s7 =	sadd.s32 $0x5050, s20;
	[sflag:s31] =	ssyncadd.s32 $0xFFFFEC00  }
0x51: {  	[spmem:s2] =	stream.indirect.scatter.add.f32 [tilespmem:s19], [sflag:$0x2], $0x40, s7, s17, $0xb8;
	v63 =	vld [tilespmem:$0x0]  }
0x52: {  	_ =	swait.ge [sflag:s0], $0x1400  }
0x53: {  	p0 =	seq.s32 s16, $0x13600;
	[sflag:s0] =	ssyncset.done $0x0  }
0x54: {  	s24 =	simm.s32 @p0 $0x1;
	[sflag:s0] =	ssyncadd.s32 $0xFFFFEC00  }
0x55: {  	s25 =	sshra.s32 @p0 s16, $0x2;
	_ =	swait.ge @p0 [sflag:s24], $0x1400  }
0x56: {  	s26 =	simm.s32 @p0 $0x50;
	s21 =	simm.s32 @p0 $0xC800;
	[sflag:s24] =	ssyncset.done @p0 $0x0  }
0x57: {  	s29 =	simm.s32 @p0 $0x2;
	s5 =	sadd.s32 @p0 $0x50A0, s25;
	[sflag:s24] =	ssyncadd.s32 @p0 $0xFFFFEC00  }
0x58: {  	[spmem:s2] =	stream.indirect.scatter.add.f32 @p0 [tilespmem:s21], [sflag:$0x2], $0x40, s5, s26, $0xb8;
	v63 =	vld [tilespmem:$0x0]  }
0x59: {  	_ =	swait.ge @p0 [sflag:s29], $0x1400  }
0x5a: {  	s22 =	simm.s32 @!p0 $0x50;
	s21 =	sshra.s32 @!p0 s16, $0x2;
	[sflag:s29] =	ssyncset.done @p0 $0x0  }
0x5b: {  	s30 =	simm.s32 @!p0 $0xA000;
	s5 =	sadd.s32 @!p0 $0x280, s21;
	[sflag:s29] =	ssyncadd.s32 @p0 $0xFFFFEC00  }
0x5c: {  	[tilespmem:s30], [sflag:$0x1] =	stream.indirect.gather @!p0 [hbm4b:s11+s22], $0x40, s5, s22, $0xb8;
	v63 =	vld [tilespmem:$0x0]  }
0x5d: {  	s30 =	simm.s32 @!p0 $0x1  }
0x5e: {  	_ =	swait.ge @!p0 [sflag:s30], $0x1400  }
0x5f: {  	[sflag:s30] =	ssyncset.done @!p0 $0x0  }
0x60: {  	s6 =	simm.s32 @!p0 $0xC800;
	s5 =	sadd.s32 @!p0 $0x50A0, s21;
	[sflag:s30] =	ssyncadd.s32 @!p0 $0xFFFFEC00  }
0x61: {  	[spmem:s2] =	stream.indirect.scatter.add.f32 @!p0 [tilespmem:s6], [sflag:$0x2], $0x40, s5, s22, $0xb8;
	v63 =	vld [tilespmem:$0x0]  }
0x62: {  	s5 =	simm.s32 @!p0 $0x2  }
0x63: {  	_ =	swait.ge @!p0 [sflag:s5], $0x1400  }
0x64: {  	[sflag:s5] =	ssyncset.done @!p0 $0x0  }
0x65: {  	s8 =	simm.s32 @!p0 $0xB400;
	s7 =	sadd.s32 @!p0 $0x2D0, s21;
	[sflag:s5] =	ssyncadd.s32 @!p0 $0xFFFFEC00  }
0x66: {  	[tilespmem:s8], [sflag:$0x1] =	stream.indirect.gather @!p0 [hbm4b:s11+s22], $0x40, s7, s22, $0xb8;
	v63 =	vld [tilespmem:$0x0]  }
0x67: {  	_ =	swait.ge [sflag:s31], $0x1400  }
0x68: {  	[sflag:s31] =	ssyncset.done $0x0  }
0x69: {  	s8 =	sadd.s32 $0x50F0, s20;
	[sflag:s31] =	ssyncadd.s32 $0xFFFFEC00  }
0x6a: {  	[spmem:s2] =	stream.indirect.scatter.add.f32 [tilespmem:s23], [sflag:$0x2], $0x40, s8, s17, $0xb8;
	v63 =	vld [tilespmem:$0x0]  }
0x6b: {  	_ =	swait.ge [sflag:s0], $0x1400  }
0x6c: {  	[sflag:s0] =	ssyncset.done $0x0  }
0x6d: {  	[sflag:s0] =	ssyncadd.s32 $0xFFFFEC00  }
0x6e: {  	_ =	swait.ge @p0 [sflag:s24], $0x1400  }
0x6f: {  	[sflag:s24] =	ssyncset.done @p0 $0x0  }
0x70: {  	s7 =	sadd.s32 @p0 $0x5140, s25;
	s8 =	simm.s32 @p0 $0xF000;
	[sflag:s24] =	ssyncadd.s32 @p0 $0xFFFFEC00  }
0x71: {  	[spmem:s2] =	stream.indirect.scatter.add.f32 @p0 [tilespmem:s8], [sflag:$0x2], $0x40, s7, s26, $0xb8;
	v63 =	vld [tilespmem:$0x0]  }
0x72: {  	_ =	swait.ge @p0 [sflag:s29], $0x1400  }
0x73: {  	[sflag:s29] =	ssyncset.done @p0 $0x0  }
0x74: {  	s7 =	sadd.s32 @!p0 $0x320, s21;
	[sflag:s29] =	ssyncadd.s32 @p0 $0xFFFFEC00  }
0x75: {  	[tilespmem:s6], [sflag:$0x1] =	stream.indirect.gather @!p0 [hbm4b:s11+s22], $0x40, s7, s22, $0xb8;
	v63 =	vld [tilespmem:$0x0]  }
0x76: {  	_ =	swait.ge @!p0 [sflag:s30], $0x1400  }
0x77: {  	[sflag:s30] =	ssyncset.done @!p0 $0x0  }
0x78: {  	s6 =	sadd.s32 @!p0 $0x5140, s21;
	s7 =	simm.s32 @!p0 $0xF000;
	[sflag:s30] =	ssyncadd.s32 @!p0 $0xFFFFEC00  }
0x79: {  	[spmem:s2] =	stream.indirect.scatter.add.f32 @!p0 [tilespmem:s7], [sflag:$0x2], $0x40, s6, s22, $0xb8;
	v63 =	vld [tilespmem:$0x0]  }
0x7a: {  	_ =	swait.ge @!p0 [sflag:s5], $0x1400  }
0x7b: {  	[sflag:s5] =	ssyncset.done @!p0 $0x0  }
0x7c: {  	s8 =	simm.s32 @!p0 $0xDC00;
	s6 =	sadd.s32 @!p0 $0x370, s21;
	[sflag:s5] =	ssyncadd.s32 @!p0 $0xFFFFEC00  }
0x7d: {  	[tilespmem:s8], [sflag:$0x1] =	stream.indirect.gather @!p0 [hbm4b:s11+s22], $0x40, s6, s22, $0xb8;
	v63 =	vld [tilespmem:$0x0]  }
0x7e: {  	_ =	swait.ge [sflag:s31], $0x1400  }
0x7f: {  	[sflag:s31] =	ssyncset.done $0x0  }
0x80: {  	s8 =	sadd.s32 $0x5190, s20;
	[sflag:s31] =	ssyncadd.s32 $0xFFFFEC00  }
0x81: {  	[spmem:s2] =	stream.indirect.scatter.add.f32 [tilespmem:s28], [sflag:$0x2], $0x40, s8, s17, $0xb8;
	v63 =	vld [tilespmem:$0x0]  }
0x82: {  	_ =	swait.ge [sflag:s0], $0x1400  }
0x83: {  	[sflag:s0] =	ssyncset.done $0x0  }
0x84: {  	[sflag:s0] =	ssyncadd.s32 $0xFFFFEC00  }
0x85: {  	_ =	swait.ge @p0 [sflag:s24], $0x1400  }
0x86: {  	[sflag:s24] =	ssyncset.done @p0 $0x0  }
0x87: {  	s6 =	sadd.s32 @p0 $0x51E0, s25;
	s8 =	simm.s32 @p0 $0x11800;
	[sflag:s24] =	ssyncadd.s32 @p0 $0xFFFFEC00  }
0x88: {  	[spmem:s2] =	stream.indirect.scatter.add.f32 @p0 [tilespmem:s8], [sflag:$0x2], $0x40, s6, s26, $0xb8;
	v63 =	vld [tilespmem:$0x0]  }
0x89: {  	_ =	swait.ge @p0 [sflag:s29], $0x1400  }
0x8a: {  	[sflag:s29] =	ssyncset.done @p0 $0x0  }
0x8b: {  	s6 =	sadd.s32 @!p0 $0x3C0, s21;
	[sflag:s29] =	ssyncadd.s32 @p0 $0xFFFFEC00  }
0x8c: {  	[tilespmem:s7], [sflag:$0x1] =	stream.indirect.gather @!p0 [hbm4b:s11+s22], $0x40, s6, s22, $0xb8;
	v63 =	vld [tilespmem:$0x0]  }
0x8d: {  	_ =	swait.ge @!p0 [sflag:s30], $0x1400  }
0x8e: {  	[sflag:s30] =	ssyncset.done @!p0 $0x0  }
0x8f: {  	s6 =	sadd.s32 @!p0 $0x51E0, s21;
	s7 =	simm.s32 @!p0 $0x11800;
	[sflag:s30] =	ssyncadd.s32 @!p0 $0xFFFFEC00  }
0x90: {  	[spmem:s2] =	stream.indirect.scatter.add.f32 @!p0 [tilespmem:s7], [sflag:$0x2], $0x40, s6, s22, $0xb8;
	v63 =	vld [tilespmem:$0x0]  }
0x91: {  	_ =	swait.ge @!p0 [sflag:s5], $0x1400  }
0x92: {  	[sflag:s5] =	ssyncset.done @!p0 $0x0  }
0x93: {  	s6 =	simm.s32 @!p0 $0x10400;
	[sflag:s5] =	ssyncadd.s32 @!p0 $0xFFFFEC00;
	s5 =	sadd.s32 @!p0 $0x410, s21  }
0x94: {  	[tilespmem:s6], [sflag:$0x1] =	stream.indirect.gather @!p0 [hbm4b:s11+s22], $0x40, s5, s22, $0xb8;
	v63 =	vld [tilespmem:$0x0]  }
0x95: {  	_ =	swait.ge [sflag:s31], $0x1400  }
0x96: {  	[sflag:s31] =	ssyncset.done $0x0  }
0x97: {  	s30 =	sadd.s32 $0x5230, s20;
	[sflag:s31] =	ssyncadd.s32 $0xFFFFEC00  }
0x98: {  	[spmem:s2] =	stream.indirect.scatter.add.f32 [tilespmem:s1], [sflag:$0x2], $0x40, s30, s17, $0xb8;
	v63 =	vld [tilespmem:$0x0]  }
0x99: {  	_ =	swait.ge [sflag:s0], $0x1400  }
0x9a: {  	s16 =	sadd.s32 @!p0 $0xA00, s16;
	[sflag:s0] =	ssyncset.done $0x0  }
0x9b: {  	p1 =	sne.s32 @!p0 s16, $0x14000;
	s5 =	sadd.s32 @!p0 $0x460, s21;
	[sflag:s0] =	ssyncadd.s32 $0xFFFFEC00  }
0x9c: {  	[tilespmem:s7], [sflag:$0x1] =	stream.indirect.gather @!p0 [hbm4b:s11+s22], $0x40, s5, s22, $0xb8;
	v63 =	vld [tilespmem:$0x0]  }
0x9d: {  	p0 =	por p0, !p1  }
.Ltmp1:
0x9e: {  	_ = 	snop;
	(pc) =	sbr.rel @!p0 .LBB2_4-.Ltmp1, $1  }
0x9f: {  	_ =	sdelay $0x3  }
0xa0: {  	_ =	swait.ge [sflag:s0], $0x1400;
	s5 =	stileid.u32  }
0xa1: {  	s6 =	sshrl.u32 s4, $0x3;
	s3 =	sadd.s32 $0x1, s3;
	[sflag:s0] =	ssyncset.done $0x0  }
0xa2: {  	s5 =	sshll.u32 s5, $0x6;
	p0 =	sne.s32 s3, s13;
	[sflag:s0] =	ssyncadd.s32 $0xFFFFEC00  }
.Ltmp2:
0xa3: {  	s5 =	sor.u32 $0x1C03, s5;
	[bflag:$0x0] =	sbarrier.arrive $0xFFFF;
	(pc) =	sbr.rel @p0 .LBB2_1-.Ltmp2, $4  }
0xa4: {  	[hbm:s12], [sflag:s5] =	dma.local [spmem:s6], $0x1400  }
0xa5: {  	_ =	swait.ge [sflag:s15], $0x1400  }
0xa6: {  	[sflag:s15] =	ssyncset.done $0x0  }
0xa7: {  	[sflag:s15] =	ssyncadd.s32 $0xFFFFEC00  }
0xa8: {  	_ =	sfence.sel $0x180000  }
0xa9: {  	[bflag:$0x0] =	sbarrier.arrive $0xFFFF  }
0xaa: {  	_ =	strace $0x9000004D  }
0xab: {  	s0 =	stileid.u32;
	[bflag:$0x2] =	sbarrier.arrive $0xFFFF  }
0xac: {  	p0 =	sne.s32 s0, $0x0;
	s0 =	rddreg [dreg:$0x2]  }
0xad: {  	s0 =	sadd.s32 @!p0 $0x100000, s0  }
0xae: {  	[sflag:s0] =	ssyncadd.tile.s32 @!p0 $0x1;
	_ =	shalt  }
.Lfunc_end2:
_tile_overlayer_lowered:
.L_overlay_start_2:
0xaf: {  	(tag) =	ssettag $0x2  }
0xb0: {  	s0 =	rddreg [dreg:$0x0];
	s2 =	stileid.u32  }
0xb1: {  	s1 =	rddreg [dreg:$0x1];
	p0 =	sne.s32 s2, $0x0  }
0xb2: {  	s3 =	rddreg [dreg:$0x2];
	[bflag:$0x3] =	sbarrier.arrive $0xFFFF;
	s2 =	simm.s32 @!p0 $0x1C03  }
0xb3: {  	[timem:s3], [sflag:s2] =	dma.local @!p0 [hbm:s0], s1  }
0xb4: {  	s0 =	simm.s32 @!p0 $0x3  }
0xb5: {  	_ =	swait.ge @!p0 [sflag:s0], s1  }
0xb6: {  	s1 =	ssub.s32 @!p0 $0x0, s1;
	[sflag:s0] =	ssyncset.done @!p0 $0x0  }
0xb7: {  	[sflag:s0] =	ssyncadd.s32 @!p0 s1  }
0xb8: {  	[bflag:$0x3] =	sbarrier.arrive $0xFFFF  }
0xb9: {  	_ =	shalt  }

// kernel: kernel.8.cloned.1.call-start
scs
__scs_entry_jumppad:
0x0: {  	(pc) =	sbr.rel $0x88, $3  }
0x1: {  	(tag) =	ssettag $0x0;
	lr =	simm.s32 $0x1  }
0x2: {  	[smem:$0x3F93] =	sst lr;
	_ =	strace $0xD0000000  }
0x3: {  	_ = 	snop  }
0x4: {  	_ = 	snop  }
0x5: {  	_ = 	snop  }
0x6: {  	_ = 	snop  }
0x7: {  	_ = 	snop  }
__scs_overlays_trampoline_lowered:
0x8: {  	[smem:$0x3FA2] =	sst s0  }
0x9: {  	[smem:$0x3FA3] =	sst s1  }
0xa: {  	[smem:$0x3FA4] =	sst s2  }
0xb: {  	[smem:$0x3FA5] =	sst s3  }
0xc: {  	[smem:$0x3FA6] =	sst s4  }
0xd: {  	[smem:$0x3FA7] =	sst s5  }
0xe: {  	[smem:$0x3FA8] =	sst s6  }
0xf: {  	[smem:$0x3FA9] =	sst s7  }
0x10: {  	[smem:$0x3FAA] =	sst s8  }
0x11: {  	[smem:$0x3FAB] =	sst s9;
	s0 =	simm.s32 @!p0 $0x0  }
0x12: {  	s1 =	sld [smem:$0x3F91];
	s0 =	simm.s32 @p0 $0x1  }
0x13: {  	[smem:$0x3FAC] =	sst s0;
	s0 =	simm.s32 @!p1 $0x0  }
0x14: {  	s2 =	sld [smem:$0x3F90];
	s0 =	simm.s32 @p1 $0x1  }
0x15: {  	[smem:$0x3FAD] =	sst s0;
	s0 =	simm.s32 @!p2 $0x0  }
0x16: {  	s3 =	sld [smem:$0x3FDB];
	s0 =	simm.s32 @p2 $0x1  }
0x17: {  	s4 =	simm.s32 $0x1BF5;
	[smem:$0x3FAF] =	sst s0  }
0x18: {  	s0 =	sld [smem:$0x3F92];
	_ =	swait.ge [sflag:s4], $0x0  }
0x19: {  	s7 =	sld [smem:$0x3F93]  }
0x1a: {  	s8 =	sadd.s32 $0xFFFFE003, lr  }
0x1b: {  	s9 =	sadd.s32 $0xFFFFFEF7, lr;
	s5 =	simm.s32 $0xFFFFFFFF;
	p2 =	slt.u32 s8, $0xFFFFF086  }
0x1c: {  	p1 =	slt.u32 s9, $0xF7A;
	s5 =	simm.s32 @!p2 $0x0  }
0x1d: {  	s5 =	simm.s32 @p1 $0x1;
	p0 =	seq.s32 s7, s2  }
0x1e: {  	s7 =	smul.u32 @!p0 $0xF7A, s2;
	p2 =	seq.s32 @!p0 s5, $0x0  }
0x1f: {  	s9 =	smul.u32 $0xF7A, s1;
	s8 =	simm.s32 @!p0 $0x1BF5;
	p2 =	por !p2, p0  }
0x20: {  	[sflag:s8] =	ssyncset.s32 @!p0 $0xFFFFF086;
	s6 =	sadd.s32 @!p0 s3, s7;
	s7 =	simm.s32 @!p0 $0x108  }
0x21: {  	s3 =	sadd.s32 s3, s9;
	s6 =	sadd.s32 @!p0 $0x88, s6;
	s7 =	simm.s32 @p2 $0x1082  }
0x22: {  	[simem:s7], [sflag:s8] =	dma.local @!p0 [hbm:s6], $0xF7A  }
0x23: {  	s9 =	sor.u32 $0xD0000000, s2;
	s6 =	simm.s32 $0x108;
	_ =	swait.ge @!p0 [sflag:s8], $0x0  }
0x24: {  	s3 =	sadd.s32 $0x88, s3;
	s6 =	simm.s32 @!p1 $0x1082;
	[sflag:s4] =	ssyncset.s32 $0xFFFFF086  }
0x25: {  	[simem:s6], [sflag:s4] =	dma.local [hbm:s3], $0xF7A  }
0x26: {  	[smem:$0x3F93] =	sst s1;
	(tag) =	ssettag s2;
	_ =	strace s9  }
0x27: {  	s1 =	sld [smem:$0x3FA3]  }
0x28: {  	s2 =	sld [smem:$0x3FA4]  }
0x29: {  	s4 =	sld [smem:$0x3FA6]  }
0x2a: {  	p0 =	seq.s32 s5, $0x0;
	s5 =	sld [smem:$0x3FA7]  }
0x2b: {  	s6 =	sld [smem:$0x3FA8]  }
0x2c: {  	s7 =	sld [smem:$0x3FA9]  }
0x2d: {  	s3 =	simm.s32 $0x108;
	s8 =	sld [smem:$0x3FAA]  }
0x2e: {  	s3 =	simm.s32 @!p0 $0x1082;
	s9 =	sld [smem:$0x3FAB]  }
0x2f: {  	lr =	sadd.s32 s0, s3;
	s0 =	sld [smem:$0x3FA2]  }
0x30: {  	s3 =	sld [smem:$0x3FA5]  }
0x31: {  	[smem:$0x3FAE] =	sst s10  }
0x32: {  	s10 =	sld [smem:$0x3FAC];
	_ =	sdelay $0x3  }
0x33: {  	p0 =	seq.s32 s10, $0x1;
	s10 =	sld [smem:$0x3FAE];
	_ =	sdelay $0x3  }
0x34: {  	[smem:$0x3FAE] =	sst s10  }
0x35: {  	s10 =	sld [smem:$0x3FAD];
	_ =	sdelay $0x3  }
0x36: {  	p1 =	seq.s32 s10, $0x1;
	s10 =	sld [smem:$0x3FAE];
	_ =	sdelay $0x3  }
0x37: {  	[smem:$0x3FAE] =	sst s10  }
0x38: {  	s10 =	sld [smem:$0x3FAF]  }
0x39: {  	_ = 	snop;
	(pc) =	sbr.ind lr, $3  }
0x3a: {  	_ = 	snop  }
0x3b: {  	_ = 	snop  }
0x3c: {  	p2 =	seq.s32 s10, $0x1;
	s10 =	sld [smem:$0x3FAE]  }
0x3d: {  	_ =	shalt  }
0x3e: {  	_ =	shalt  }
0x3f: {  	_ =	shalt  }
0x40: {  	_ =	shalt  }
0x41: {  	_ =	shalt  }
0x42: {  	_ =	shalt  }
0x43: {  	_ =	shalt  }
0x44: {  	_ =	shalt  }
0x45: {  	_ =	shalt  }
0x46: {  	_ =	shalt  }
0x47: {  	_ =	shalt  }
0x48: {  	_ =	shalt  }
0x49: {  	_ =	shalt  }
0x4a: {  	_ =	shalt  }
0x4b: {  	_ =	shalt  }
0x4c: {  	_ =	shalt  }
0x4d: {  	_ =	shalt  }
0x4e: {  	_ =	shalt  }
0x4f: {  	_ =	shalt  }
0x50: {  	_ =	shalt  }
0x51: {  	_ =	shalt  }
0x52: {  	_ =	shalt  }
0x53: {  	_ =	shalt  }
0x54: {  	_ =	shalt  }
0x55: {  	_ =	shalt  }
0x56: {  	_ =	shalt  }
0x57: {  	_ =	shalt  }
0x58: {  	_ =	shalt  }
0x59: {  	_ =	shalt  }
0x5a: {  	_ =	shalt  }
0x5b: {  	_ =	shalt  }
0x5c: {  	_ =	shalt  }
0x5d: {  	_ =	shalt  }
0x5e: {  	_ =	shalt  }
0x5f: {  	_ =	shalt  }
0x60: {  	_ =	shalt  }
0x61: {  	_ =	shalt  }
0x62: {  	_ =	shalt  }
0x63: {  	_ =	shalt  }
0x64: {  	_ =	shalt  }
0x65: {  	_ =	shalt  }
0x66: {  	_ =	shalt  }
0x67: {  	_ =	shalt  }
0x68: {  	_ =	shalt  }
0x69: {  	_ =	shalt  }
0x6a: {  	_ =	shalt  }
0x6b: {  	_ =	shalt  }
0x6c: {  	_ =	shalt  }
0x6d: {  	_ =	shalt  }
0x6e: {  	_ =	shalt  }
0x6f: {  	_ =	shalt  }
0x70: {  	_ =	shalt  }
0x71: {  	_ =	shalt  }
0x72: {  	_ =	shalt  }
0x73: {  	_ =	shalt  }
0x74: {  	_ =	shalt  }
0x75: {  	_ =	shalt  }
0x76: {  	_ =	shalt  }
0x77: {  	_ =	shalt  }
0x78: {  	_ =	shalt  }
0x79: {  	_ =	shalt  }
0x7a: {  	_ =	shalt  }
0x7b: {  	_ =	shalt  }
0x7c: {  	_ =	shalt  }
0x7d: {  	_ =	shalt  }
0x7e: {  	_ =	shalt  }
0x7f: {  	_ =	shalt  }
0x80: {  	_ =	shalt  }
0x81: {  	_ =	shalt  }
0x82: {  	_ =	shalt  }
0x83: {  	_ =	shalt  }
0x84: {  	_ =	shalt  }
0x85: {  	_ =	shalt  }
0x86: {  	_ =	shalt  }
0x87: {  	_ =	shalt  }
.Lfunc_end0:
.L_simem_size_0:
called_computation_lowered:
.L_overlay_start_0:
0x88: {  	s2 =	sld [smem:$0x3FD9]  }
0x89: {  	s3 =	sld [smem:$0x3FFE];
	_ =	sdelay $0x1  }
0x8a: {  	s1 =	srdreg.scid  }
0x8b: {  	s0 =	sand.u32 $0x1, s1  }
0x8c: {  	s16 =	sshll.u32 s0, $0xA;
	s2 =	sadd.s32 s3, s2  }
0x8d: {  	s2 =	sadd.s32 s2, s16  }
0x8e: {  	[smem:$0x3FBA] =	sst s2  }
0x8f: {  	_ = 	snop  }
0x90: {  	(tm) =	ssettm $0x1  }
0x91: {  	s17 =	sld [smem:$0x3FFB];
	_ =	sdelay $0x3  }
0x92: {  	_ =	strace s17  }
0x93: {  	s2 =	sld [smem:$0x3FFC];
	_ =	sdelay $0x3  }
0x94: {  	_ =	strace s2  }
0x95: {  	s2 =	sld [smem:$0x3FFD];
	_ =	sdelay $0x3  }
0x96: {  	_ =	strace s2  }
0x97: {  	_ =	strace $0x8FFFFFFF  }
0x98: {  	s18 =	sld [smem:$0x3FDB];
	_ =	sdelay $0x1  }
0x99: {  	s19 =	simm.s32 $_scs_section_size  }
0x9a: {  	s4 =	simm.s32 $_size__tile_overlayer_lowered;
	s5 =	simm.s32 $_tile_overlayer_lowered  }
0x9b: {  	s22 =	simm.s32 $0x1BFF;
	s21 =	sshll.u32 s5, $0x1;
	s2 =	sadd.s32 s19, s18  }
0x9c: {  	s6 =	simm.s32 $0x0;
	s20 =	sshll.u32 s4, $0x1;
	s4 =	sadd.s32 s21, s2  }
0x9d: {  	[timem:s6], [sflag:s22] =	dma.local [hbm:s4], s20  }
0x9e: {  	_ =	swait.ge [sflag:s22], s20  }
0x9f: {  	s3 =	ssub.s32 $0x0, s20;
	[sflag:s22] =	ssyncset.done $0x0  }
0xa0: {  	[sflag:s22] =	ssyncadd.s32 s3;
	_ =	sdelay $0x1  }
0xa1: {  	s23 =	simm.s32 $0x1B8B  }
0xa2: {  	_ =	swait.ge [sflag:s23], $0x1  }
0xa3: {  	[sflag:s23] =	ssyncset.done $0x0  }
0xa4: {  	s25 =	simm.s32 $0x1B8E;
	s24 =	sld [smem:$0x3FFE];
	[sflag:s23] =	ssyncadd.s32 $0xFFFFFFFF  }
0xa5: {  	s26 =	simm.s32 $execute0_lowered;
	[smem:$0x3FD2] =	sst s25  }
0xa6: {  	s4 =	sshll.u32 s26, $0x1;
	_ =	strace $0x80000046;
	[dreg:$0x1] =	wrdreg $0xFFFFFFFF  }
0xa7: {  	s28 =	simm.s32 $_size_execute0_lowered;
	s2 =	sadd.s32 s2, s4;
	[dreg:$0x0] =	wrdreg $0x0  }
0xa8: {  	s4 =	sshll.u32 s28, $0x1;
	[dreg:$0x2] =	wrdreg s2  }
0xa9: {  	[dreg:$0x3] =	wrdreg s4  }
0xaa: {  	[dreg:$0x4] =	wrdreg $0xC0  }
0xab: {  	_ =	task [dreg:s6], $0x5FFFF  }
0xac: {  	[dreg:$0x1] =	wrdreg $0xFFFFFFFF  }
0xad: {  	[dreg:$0x0] =	wrdreg $0x60  }
0xae: {  	[dreg:$0x2] =	wrdreg s24  }
0xaf: {  	[dreg:$0x3] =	wrdreg $0x54100  }
0xb0: {  	[dreg:$0x4] =	wrdreg $0x9  }
0xb1: {  	_ =	task.clear_ibuf [dreg:s6], $0x5FFFF;
	_ =	strace $0x90000046  }
0xb2: {  	s29 =	simm.s32 $0x9;
	_ =	strace $0x80000048  }
0xb3: {  	_ =	swait.ge [sflag:s29], $0x1  }
0xb4: {  	[sflag:s29] =	ssyncadd.s32 $0xFFFFFFFF  }
0xb5: {  	_ =	strace $0x90000048  }
0xb6: {  	_ =	sfence  }
0xb7: {  	s30 =	sld [smem:$0x0];
	_ =	sdelay $0x2  }
0xb8: {  	s31 =	sshll.u32 s1, $0xD;
	s1 =	sshrl.u32 s1, $0x2  }
0xb9: {  	s3 =	sand.u32 $0x4000, s31;
	s1 =	sadd.s32 s1, s30  }
0xba: {  	s0 =	sor.u32 s3, s0;
	s1 =	sshll.u32 s1, $0x11  }
0xbb: {  	s0 =	sor.u32 s1, s0  }
0xbc: {  	s0 =	sadd.s32 $0x8F2B, s0  }
0xbd: {  	[sflag:s0] =	ssyncadd.remote.s32 $0x1  }
0xbe: {  	_ =	sfence.sel $0xFFFF  }
0xbf: {  	[dreg:$0x0] =	wrdreg $0xFFFFFFFF;
	(pc) =	sbr.abs _section_cstart, $3  }
0xc0: {  	[dreg:$0x1] =	wrdreg $0xFFFFFFFF  }
0xc1: {  	_ =	task.clear_ibuf [dreg:s6], $0x2FFFF;
	_ =	strace $0x9FFFFFFF  }
0xc2: {  	(tm) =	ssettm $0x7FFFFFFF  }
0xc3: {  	_ =	shalt  }
tec
execute0_lowered:
.L_overlay_start_1:
0x0: {  	(tag) =	ssettag $0x1  }
0x1: {  	s1 =	srdreg.scid;
	s4 =	rddreg [dreg:$0x0]  }
0x2: {  	s0 =	stileid.u32;
	s2 =	rddreg [dreg:$0x1];
	s3 =	simm.s32 $0x0  }
0x3: {  	s10 =	simm.s32 $0x50;
	s11 =	simm.s32 $0x2710;
	s5 =	sand.u32 $0x1, s1  }
0x4: {  	s6 =	smul.u32 $0x2800, s0;
	s7 =	sshll.u32 s0, $0x1;
	s1 =	rddreg [dreg:$0x2]  }
0x5: {  	[smem:$0x7FF] =	sst s3;
	s12 =	sshll.u32 s0, $0x6;
	s8 =	smul.u32 $0x28000, s5  }
0x6: {  	s7 =	sor.u32 s5, s7;
	_ =	strace $0x80000047;
	s5 =	ssub.s32 $0x2, s5  }
0x7: {  	s7 =	smul.u32 $0x4E2, s7;
	s31 =	sshrl.u32 s5, $0x1;
	s8 =	sadd.s32 s6, s8  }
0x8: {  	s12 =	sor.u32 $0x1C01, s12;
	s9 =	ssub.s32 s5, s31;
	s8 =	sshrl.u32 s8, $0x3  }
0x9: {  	s7 =	sadd.s32 s7, s4;
	s8 =	sadd.s32 s8, s4;
	s4 =	sadd.s32 s6, s2  }
0xa: {  	s5 =	sadd.s32 $0x2400, s7;
	s7 =	smax.u32 s9, $0x1;
	s9 =	simm.s32 $0x1  }
0xb: {  	v0 =	vimm.f32 $0.0e+00;
	v1 =	vimm.f32 $1.000000000e+00;
	s6 =	sadd.s32 $0xC200, s8;
	s8 =	simm.s32 $0x2C10;
	s13 =	sshrl.u32 s4, $0x3  }
.LBB2_1:
0xc: {  	s14 =	simm.s32 $0x0  }
.LBB2_2:
0xd: {  	p0 =	sne.s32 s14, $0x9FC0  }
.Ltmp0:
0xe: {  	_ = 	snop;
	(pc) =	sbr.rel @p0 .LBB2_2-.Ltmp0, $3  }
0xf: {  	_ =	sdelay $0x1  }
0x10: {  	s15 =	sshra.s32 s14, $0x2  }
0x11: {  	s14 =	sadd.s32 $0x40, s14;
	[tilespmem:s15+$0x2C10] =	vst v0  }
0x12: {  	s14 =	simm.s32 $0x40;
	s15 =	simm.s32 $0x0  }
.LBB2_4:
0x13: {  	p0 =	sne.s32 s14, $0x13C0;
	[tilespmem:s15+$0x2710] =	vst v1;
	s15 =	smov.u32 s14;
	s14 =	sadd.s32 $0x40, s14  }
.Ltmp1:
0x14: {  	(pc) =	sbr.rel @p0 .LBB2_4-.Ltmp1, $2  }
0x15: {  	_ =	sdelay $0x2  }
0x16: {  	s15 =	sshra.s32 s15, $0x2  }
0x17: {  	[tilespmem:s15+$0x2710] =	vst v1  }
0x18: {  	[spmem:s4] =	stream.linear.scatter [tilespmem:s8], [sflag:$0x1], $0x2800, $0x38;
	[tilespmem:$0x7C10] =	vst v63  }
0x19: {  	_ =	swait.ge [sflag:s9], $0x2800  }
0x1a: {  	[sflag:s9] =	ssyncset.done $0x0  }
0x1b: {  	[sflag:s9] =	ssyncadd.s32 $0xFFFFD800  }
0x1c: {  	s14 =	simm.s32 $0x0;
	[bflag:$0x0] =	sbarrier.arrive $0xFFFF  }
0x1d: {  	[tilespmem:s14], [sflag:$0x1] =	stream.linear.gather [hbm4b:s5+s14], $0x2710, $0x38;
	[tilespmem:$0x7C10] =	vst v63  }
0x1e: {  	_ =	swait.ge [sflag:s9], $0x2710  }
0x1f: {  	[sflag:s9] =	ssyncset.done $0x0  }
0x20: {  	s31 =	simm.s32 $0x0;
	[sflag:s9] =	ssyncadd.s32 $0xFFFFD8F0  }
0x21: {  	[spmem:s2] =	stream.indirect.scatter.add.f32 [tilespmem:s11], [sflag:$0x1], $0x10, s31, s10, $0xb8;
	[tilespmem:$0x7C10] =	vst v63  }
0x22: {  	_ =	swait.ge [sflag:s9], $0x500  }
0x23: {  	s14 =	simm.s32 $0x140;
	[sflag:s9] =	ssyncset.done $0x0  }
.LBB2_6:
0x24: {  	s15 =	sshra.s32 s14, $0x2;
	[sflag:s9] =	ssyncadd.s32 $0xFFFFFB00;
	p0 =	sne.s32 s14, $0x9B00  }
0x25: {  	[spmem:s2] =	stream.indirect.scatter.add.f32 [tilespmem:s11], [sflag:$0x1], $0x10, s15, s10, $0xb8;
	[tilespmem:$0x7C10] =	vst v63  }
.Ltmp2:
0x26: {  	_ = 	snop;
	(pc) =	sbr.rel @p0 .LBB2_6-.Ltmp2, $4  }
0x27: {  	_ = 	snop  }
0x28: {  	s14 =	sadd.s32 $0x140, s14  }
0x29: {  	_ =	swait.ge [sflag:s9], $0x500  }
0x2a: {  	[sflag:s9] =	ssyncset.done $0x0  }
0x2b: {  	s3 =	sadd.s32 $0x1, s3  }
0x2c: {  	[sflag:s9] =	ssyncadd.s32 $0xFFFFFB00;
	p0 =	sne.s32 s3, s7  }
.Ltmp3:
0x2d: {  	[bflag:$0x0] =	sbarrier.arrive $0xFFFF;
	(pc) =	sbr.rel @p0 .LBB2_1-.Ltmp3, $4  }
0x2e: {  	[hbm:s6], [sflag:s12] =	dma.local [spmem:s13], $0x500  }
0x2f: {  	_ =	swait.ge [sflag:s9], $0x500  }
0x30: {  	[sflag:s9] =	ssyncset.done $0x0  }
0x31: {  	[sflag:s9] =	ssyncadd.s32 $0xFFFFFB00  }
0x32: {  	_ =	sfence.sel $0x180000  }
0x33: {  	[bflag:$0x0] =	sbarrier.arrive $0xFFFF  }
0x34: {  	p0 =	sne.s32 s0, $0x0;
	_ =	strace $0x90000047  }
0x35: {  	s0 =	sadd.s32 @!p0 $0x100000, s1;
	[bflag:$0x2] =	sbarrier.arrive $0xFFFF  }
0x36: {  	[sflag:s0] =	ssyncadd.tile.s32 @!p0 $0x1;
	_ =	shalt  }
.Lfunc_end2:
_tile_overlayer_lowered:
.L_overlay_start_2:
0x37: {  	(tag) =	ssettag $0x2  }
0x38: {  	s0 =	rddreg [dreg:$0x0];
	s2 =	stileid.u32  }
0x39: {  	s1 =	rddreg [dreg:$0x1];
	p0 =	sne.s32 s2, $0x0  }
0x3a: {  	s3 =	rddreg [dreg:$0x2];
	[bflag:$0x3] =	sbarrier.arrive $0xFFFF;
	s2 =	simm.s32 @!p0 $0x1C01  }
0x3b: {  	[timem:s3], [sflag:s2] =	dma.local @!p0 [hbm:s0], s1  }
0x3c: {  	s0 =	simm.s32 @!p0 $0x1  }
0x3d: {  	_ =	swait.ge @!p0 [sflag:s0], s1  }
0x3e: {  	s1 =	ssub.s32 @!p0 $0x0, s1;
	[sflag:s0] =	ssyncset.done @!p0 $0x0  }
0x3f: {  	[sflag:s0] =	ssyncadd.s32 @!p0 s1  }
0x40: {  	[bflag:$0x3] =	sbarrier.arrive $0xFFFF  }
0x41: {  	_ =	shalt  }

</sc_bundles>
